<compile_context>
chip_gen: v7x
topology: tpu7x:2x2x1
jax: 0.10.2.dev20260603
libtpu: 0.0.44.dev20260713+nightly
codegen_flags: <defaults>
</compile_context>

<pallas_src>
import functools

import jax
import jax.numpy as jnp
from jax import lax
from jax.experimental import pallas as pl
from jax.experimental.pallas import tpu as pltpu
from jax.experimental.pallas import tpu_sc as plsc

N = 10000
E = 320000
D = 128
NC, NS = 2, 16
NW = NC * NS
CH = 128
NCH = 80
GC = 16
NG = NCH // GC
EPW = NCH * CH
EPAD = NW * EPW
NPAD = 10112
RPT = NPAD // NS
CW = 16
TRASH = N
_ZCHUNKS = [128, 128, 128, 128, 120]


_MESH = plsc.VectorSubcoreMesh(
    core_axis_name="c", subcore_axis_name="s", num_cores=NC, num_subcores=NS
)


@functools.partial(
    pl.kernel,
    out_type=jax.ShapeDtypeStruct((NC * NPAD, D), jnp.float32),
    mesh=_MESH,
    scratch_types=(
        pltpu.VMEM_SHARED((NPAD, D), jnp.float32),
        pltpu.VMEM((CH,), jnp.int32),
        pltpu.VMEM((CH, D), jnp.float32),
        pltpu.SemaphoreType.DMA,
    ),
)
def _sc_cnt(dst_hbm, zrow_hbm, ones_hbm, out_hbm,
            cnt_sh, dstv, onesv, sem):
    c = lax.axis_index("c")
    s = lax.axis_index("s")
    wid = c * NS + s
    ebase = wid * EPW
    pltpu.sync_copy(zrow_hbm, onesv)
    off = 0
    for z in _ZCHUNKS:
        pltpu.sync_copy(onesv.at[pl.ds(0, z)],
                        cnt_sh.at[pl.ds(s * RPT + off, z)])
        off += z
    pltpu.sync_copy(ones_hbm, onesv)
    plsc.subcore_barrier()

    def body(g, carry):
        pltpu.sync_copy(dst_hbm.at[pl.ds(ebase + g * CH, CH)], dstv)
        pltpu.sync_copy(onesv, cnt_sh.at[dstv], add=True)
        return carry

    lax.fori_loop(0, NCH, body, 0)
    plsc.subcore_barrier()
    off = 0
    for z in _ZCHUNKS:
        pltpu.sync_copy(cnt_sh.at[pl.ds(s * RPT + off, z)],
                        onesv.at[pl.ds(0, z)])
        pltpu.sync_copy(onesv.at[pl.ds(0, z)],
                        out_hbm.at[pl.ds(c * NPAD + s * RPT + off, z)])
        off += z


@functools.partial(
    pl.kernel,
    out_type=jax.ShapeDtypeStruct((NC * NPAD, D), jnp.float32),
    mesh=_MESH,
    scratch_types=(
        pltpu.VMEM_SHARED((NPAD, D), jnp.float32),
        pltpu.VMEM((CH,), jnp.int32),
        pltpu.VMEM((CH,), jnp.int32),
        pltpu.VMEM((CH,), jnp.int32),
        pltpu.VMEM((CH,), jnp.int32),
        pltpu.VMEM((CH, D), jnp.float32),
        pltpu.VMEM((CH, D), jnp.float32),
        pltpu.SemaphoreType.DMA,
        pltpu.SemaphoreType.DMA,
        pltpu.SemaphoreType.DMA,
        pltpu.SemaphoreType.DMA,
    ),
)
def _sc_agg(a_hbm, src_hbm, dst_hbm, zrow_hbm, out_hbm,
            acc_sh, src0, src1, dst0, dst1, rows0, rows1,
            semg0, semg1, semi0, semi1):
    c = lax.axis_index("c")
    s = lax.axis_index("s")
    wid = c * NS + s
    ebase = wid * EPW
    pltpu.sync_copy(zrow_hbm, rows0)
    off = 0
    for z in _ZCHUNKS:
        pltpu.sync_copy(rows0.at[pl.ds(0, z)],
                        acc_sh.at[pl.ds(s * RPT + off, z)])
        off += z
    plsc.subcore_barrier()

    def stage(g, sv, dv, sem):
        pltpu.async_copy(src_hbm.at[pl.ds(ebase + g * CH, CH)], sv, sem)
        pltpu.async_copy(dst_hbm.at[pl.ds(ebase + g * CH, CH)], dv, sem)

    def stage_wait(g, sv, dv, sem):
        pltpu.make_async_copy(src_hbm.at[pl.ds(ebase + g * CH, CH)], sv,
                              sem).wait()
        pltpu.make_async_copy(dst_hbm.at[pl.ds(ebase + g * CH, CH)], dv,
                              sem).wait()

    pltpu.sync_copy(src_hbm.at[pl.ds(ebase, CH)], src0)
    pltpu.sync_copy(dst_hbm.at[pl.ds(ebase, CH)], dst0)
    pltpu.async_copy(a_hbm.at[src0], rows0, semg0)
    stage(1, src1, dst1, semi1)

    def body(g2, carry):
        g = g2 * 2
        stage_wait(g + 1, src1, dst1, semi1)
        pltpu.async_copy(a_hbm.at[src1], rows1, semg1)
        pltpu.make_async_copy(a_hbm.at[src0], rows0, semg0).wait()
        pltpu.sync_copy(rows0, acc_sh.at[dst0], add=True)

        @pl.when(g + 2 < NCH)
        def _():
            stage(g + 2, src0, dst0, semi0)

        pltpu.make_async_copy(a_hbm.at[src1], rows1, semg1).wait()
        pltpu.sync_copy(rows1, acc_sh.at[dst1], add=True)

        @pl.when(g + 3 < NCH)
        def _():
            stage(g + 3, src1, dst1, semi1)

        @pl.when(g + 2 < NCH)
        def _():
            stage_wait(g + 2, src0, dst0, semi0)
            pltpu.async_copy(a_hbm.at[src0], rows0, semg0)

        return carry

    lax.fori_loop(0, NCH // 2, body, 0)
    plsc.subcore_barrier()
    off = 0
    for z in _ZCHUNKS:
        pltpu.sync_copy(acc_sh.at[pl.ds(s * RPT + off, z)],
                        rows0.at[pl.ds(0, z)])
        pltpu.sync_copy(rows0.at[pl.ds(0, z)],
                        out_hbm.at[pl.ds(c * NPAD + s * RPT + off, z)])
        off += z



_BR = 1000


def _lin_body(h_ref, wl_ref, wr_ref, b_ref, a_ref, r_ref):
    h = h_ref[...]
    a_ref[...] = jnp.dot(h, wl_ref[...], preferred_element_type=jnp.float32)
    r_ref[...] = jnp.dot(h, wr_ref[...],
                         preferred_element_type=jnp.float32) + b_ref[...]


def _lin(h, wl, wr, b):
    return pl.pallas_call(
        _lin_body,
        grid=(N // _BR,),
        in_specs=[
            pl.BlockSpec((_BR, D), lambda i: (i, 0)),
            pl.BlockSpec((D, D), lambda i: (0, 0)),
            pl.BlockSpec((D, D), lambda i: (0, 0)),
            pl.BlockSpec((1, D), lambda i: (0, 0)),
        ],
        out_specs=[
            pl.BlockSpec((_BR, D), lambda i: (i, 0)),
            pl.BlockSpec((_BR, D), lambda i: (i, 0)),
        ],
        out_shape=[
            jax.ShapeDtypeStruct((N, D), jnp.float32),
            jax.ShapeDtypeStruct((N, D), jnp.float32),
        ],
    )(h, wl, wr, b.reshape(1, D))


def _norm_block(p0, p1, c0, c1, r, g, bt):
    cnt = c0[0, :, 0:1] + c1[0, :, 0:1]
    h = (p0[0] + p1[0]) / jnp.clip(cnt, 1.0, None) + r
    mu = jnp.mean(h, axis=1, keepdims=True)
    var = jnp.mean((h - mu) ** 2, axis=1, keepdims=True)
    h = (h - mu) * lax.rsqrt(var + 1e-5) * g + bt
    return jnp.maximum(h, 0.0)


def _comblin_body(p_ref, p_ref2, c_ref, c_ref2, r_ref, g_ref, bt_ref,
                  wl_ref, wr_ref, b_ref, a_ref, rn_ref):
    h = _norm_block(p_ref[...], p_ref2[...], c_ref[...], c_ref2[...],
                    r_ref[...], g_ref[...], bt_ref[...])
    a_ref[...] = jnp.dot(h, wl_ref[...], preferred_element_type=jnp.float32)
    rn_ref[...] = jnp.dot(h, wr_ref[...],
                          preferred_element_type=jnp.float32) + b_ref[...]


def _comblin(parts, cnts, r, gamma, beta, wl, wr, b):
    return pl.pallas_call(
        _comblin_body,
        grid=(N // _BR,),
        in_specs=[
            pl.BlockSpec((1, _BR, D), lambda i: (0, i, 0)),
            pl.BlockSpec((1, _BR, D), lambda i: (1, i, 0)),
            pl.BlockSpec((1, _BR, CW), lambda i: (0, i, 0)),
            pl.BlockSpec((1, _BR, CW), lambda i: (1, i, 0)),
            pl.BlockSpec((_BR, D), lambda i: (i, 0)),
            pl.BlockSpec((1, D), lambda i: (0, 0)),
            pl.BlockSpec((1, D), lambda i: (0, 0)),
            pl.BlockSpec((D, D), lambda i: (0, 0)),
            pl.BlockSpec((D, D), lambda i: (0, 0)),
            pl.BlockSpec((1, D), lambda i: (0, 0)),
        ],
        out_specs=[
            pl.BlockSpec((_BR, D), lambda i: (i, 0)),
            pl.BlockSpec((_BR, D), lambda i: (i, 0)),
        ],
        out_shape=[
            jax.ShapeDtypeStruct((N, D), jnp.float32),
            jax.ShapeDtypeStruct((N, D), jnp.float32),
        ],
    )(parts, parts, cnts, cnts, r, gamma.reshape(1, D), beta.reshape(1, D),
      wl, wr, b.reshape(1, D))


def _comb_body(p_ref, p_ref2, c_ref, c_ref2, r_ref, g_ref, bt_ref, o_ref):
    o_ref[...] = _norm_block(p_ref[...], p_ref2[...], c_ref[...], c_ref2[...],
                             r_ref[...], g_ref[...], bt_ref[...])


def _comb(parts, cnts, r, gamma, beta):
    return pl.pallas_call(
        _comb_body,
        grid=(N // _BR,),
        in_specs=[
            pl.BlockSpec((1, _BR, D), lambda i: (0, i, 0)),
            pl.BlockSpec((1, _BR, D), lambda i: (1, i, 0)),
            pl.BlockSpec((1, _BR, CW), lambda i: (0, i, 0)),
            pl.BlockSpec((1, _BR, CW), lambda i: (1, i, 0)),
            pl.BlockSpec((_BR, D), lambda i: (i, 0)),
            pl.BlockSpec((1, D), lambda i: (0, 0)),
            pl.BlockSpec((1, D), lambda i: (0, 0)),
        ],
        out_specs=pl.BlockSpec((_BR, D), lambda i: (i, 0)),
        out_shape=jax.ShapeDtypeStruct((N, D), jnp.float32),
    )(parts, parts, cnts, cnts, r, gamma.reshape(1, D), beta.reshape(1, D))


def kernel(x, edge_index, W_l0, W_r0, b0, gamma0, beta0,
           W_l1, W_r1, b1, gamma1, beta1):
    src = edge_index[0].astype(jnp.int32)
    dst = edge_index[1].astype(jnp.int32)
    pad = EPAD - E
    pk = jnp.arange(pad, dtype=jnp.int32)
    src_p = jnp.concatenate([src, pk % N])
    dst_p = jnp.concatenate([dst, TRASH + pk % (NPAD - N)])

    zrow = jnp.zeros((CH, D), jnp.float32)

    a0, r0 = _lin(x, W_l0, W_r0, b0)
    ones = jnp.ones((CH, D), jnp.float32)
    cnts = _sc_cnt(dst_p, zrow, ones).reshape(NC, NPAD, D)[:, :, :CW]

    parts0 = _sc_agg(a0, src_p, dst_p, zrow).reshape(NC, NPAD, D)
    a1, r1 = _comblin(parts0, cnts, r0, gamma0, beta0, W_l1, W_r1, b1)
    parts1 = _sc_agg(a1, src_p, dst_p, zrow).reshape(NC, NPAD, D)
    return _comb(parts1, cnts, r1, gamma1, beta1)

# --- scband reference (transcript-rebuilt; emitter-appended) ---
"""Pipeline reference for scband-homogeneous-gnn-30975304139125 (READ-ONLY COPY).

The authoritative reference and input builder live on the scoring server;
editing this copy changes nothing except your own understanding.
"""

import jax, jax.numpy as jnp
import numpy as np

N_NODES = 10000
N_EDGES = 320000
D = 128
N_LAYERS = 2


def _glorot(key, shape):
    limit = float(np.sqrt(6.0 / (shape[0] + shape[1])))
    return jax.random.uniform(key, shape, jnp.float32, -limit, limit)


def setup_inputs(seed: int = 0) -> dict:
    key = jax.random.key(seed)
    ks = jax.random.split(key, 2 + 6 * N_LAYERS)
    inp = {}
    inp['x'] = jax.random.normal(ks[0], (N_NODES, D), jnp.float32)
    inp['edge_index'] = jax.random.randint(ks[1], (2, N_EDGES), 0, N_NODES, jnp.int64)
    for l in range(N_LAYERS):
        base = 2 + 6 * l
        inp[f'W_l{l}'] = _glorot(ks[base + 0], (D, D))
        inp[f'W_r{l}'] = _glorot(ks[base + 1], (D, D))
        inp[f'b{l}'] = jnp.zeros((D,), jnp.float32)
        inp[f'gamma{l}'] = jnp.ones((D,), jnp.float32)
        inp[f'beta{l}'] = jnp.zeros((D,), jnp.float32)
    return inp


def _sage_mean_layer(x, src, dst, W_l, W_r, b):
    # PyG SAGEConv with mean aggregation:
    # out = lin_l(mean_{j in N(i)} x_j) + lin_r(x_i)
    msgs = jnp.take(x, src, axis=0)
    agg = jax.ops.segment_sum(msgs, dst, num_segments=N_NODES)
    cnt = jax.ops.segment_sum(jnp.ones((msgs.shape[0],), jnp.float32), dst, num_segments=N_NODES)
    agg = agg / jnp.clip(cnt, 1.0, None)[:, None]
    return agg @ W_l + b + x @ W_r


def _layer_norm(h, gamma, beta, eps=1e-5):
    mean = jnp.mean(h, axis=-1, keepdims=True)
    var = jnp.var(h, axis=-1, keepdims=True)
    return (h - mean) / jnp.sqrt(var + eps) * gamma + beta


def reference(x, edge_index, W_l0, W_r0, b0, gamma0, beta0, W_l1, W_r1, b1, gamma1, beta1):
    src = edge_index[0]
    dst = edge_index[1]
    params = [(W_l0, W_r0, b0, gamma0, beta0), (W_l1, W_r1, b1, gamma1, beta1)]
    h = x
    for (W_l, W_r, b, gamma, beta) in params:
        h = _sage_mean_layer(h, src, dst, W_l, W_r, b)
        h = _layer_norm(h, gamma, beta)
        h = jax.nn.relu(h)
    return h

if __name__ == "__main__":
    import jax
    _d = setup_inputs()
    print(jax.jit(kernel)(*tuple(_d.values())))

</pallas_src>

<mosaic_0001>
#map = affine_map<(d0, d1) -> (0)>
#map1 = affine_map<(d0, d1) -> (0, 0)>
module attributes {stable_mosaic.version = 14 : i64} {
  func.func @_sc_cnt(%arg0: i32, %arg1: i32, %arg2: memref<327680xi32, #tpu.memory_space<hbm>>, %arg3: memref<128x128xf32, #tpu.memory_space<hbm>>, %arg4: memref<128x128xf32, #tpu.memory_space<hbm>>, %arg5: memref<20224x128xf32, #tpu.memory_space<hbm>>, %arg6: memref<10112x128xf32, #tpu.memory_space<vmem_shared>>, %arg7: memref<128xi32, #tpu.memory_space<vmem>>, %arg8: memref<128x128xf32, #tpu.memory_space<vmem>>, %arg9: memref<!tpu.dma_semaphore, #tpu.memory_space<semaphore_mem>>) attributes {dimension_semantics = [#tpu.dimension_semantics<core_parallel>, #tpu.dimension_semantics<subcore_parallel>], iteration_bounds = array<i64: 2, 16>, scalar_prefetch = 0 : i64, scratch_operands = 4 : i64, tpu.core_type = #tpu.core_type<sc_vector_subcore>, window_params = [{transform_indices = #map}, {transform_indices = #map1}, {transform_indices = #map1}, {transform_indices = #map1}]} {
    %mul3A = arith.constant 16 : i32
    %mul3A_0 = arith.muli %arg0, %mul3A : i32
    %add3A = arith.addi %mul3A_0, %arg1 : i32
    %mul3A_1 = arith.constant 10240 : i32
    %mul3A_2 = arith.muli %add3A, %mul3A_1 : i32
    "tpu.region"() ({
      %run_scoped3A = tpu.sem_alloc : memref<!tpu.dma_semaphore, #tpu.memory_space<semaphore_mem>>
      tpu.enqueue_dma source(%arg3 : memref<128x128xf32, #tpu.memory_space<hbm>>) target(%arg8 : memref<128x128xf32, #tpu.memory_space<vmem>>) target_semaphore(%run_scoped3A : memref<!tpu.dma_semaphore, #tpu.memory_space<semaphore_mem>>)
      tpu.wait_dma2 semaphore(%run_scoped3A : memref<!tpu.dma_semaphore, #tpu.memory_space<semaphore_mem>>) src(%arg3 : memref<128x128xf32, #tpu.memory_space<hbm>>) dst(%arg8 : memref<128x128xf32, #tpu.memory_space<vmem>>)
      tpu.yield
    }) : () -> ()
    %mul3A_3 = arith.constant 632 : i32
    %mul3A_4 = arith.muli %arg1, %mul3A_3 : i32
    %add3A_5 = arith.constant 0 : i32
    %add3A_6 = arith.addi %mul3A_4, %add3A_5 : i32
    "tpu.region"() ({
      %run_scoped3A = tpu.sem_alloc : memref<!tpu.dma_semaphore, #tpu.memory_space<semaphore_mem>>
      %dma_start3A = arith.constant 0 : i32
      %dma_start3A_84 = arith.constant 0 : i32
      %dma_start3A_85 = tpu.memref_slice %arg8[%dma_start3A, %dma_start3A_84] : memref<128x128xf32, #tpu.memory_space<vmem>> -> memref<128x128xf32, #tpu.memory_space<vmem>>
      %dma_start3A_86 = arith.constant 0 : i32
      %dma_start3A_87 = tpu.memref_slice %arg6[%add3A_6, %dma_start3A_86] : memref<10112x128xf32, #tpu.memory_space<vmem_shared>> -> memref<128x128xf32, #tpu.memory_space<vmem_shared>>
      %dma_start3A_88 = arith.constant 0 : i32
      %dma_start3A_89 = tpu.memref_slice %arg6[%add3A_6, %dma_start3A_88] : memref<10112x128xf32, #tpu.memory_space<vmem_shared>> -> memref<128x128xf32, #tpu.memory_space<vmem_shared>>
      %dma_start3A_90 = arith.constant 0 : i32
      %dma_start3A_91 = arith.constant 0 : i32
      %dma_start3A_92 = tpu.memref_slice %arg8[%dma_start3A_90, %dma_start3A_91] : memref<128x128xf32, #tpu.memory_space<vmem>> -> memref<128x128xf32, #tpu.memory_space<vmem>>
      tpu.enqueue_dma source(%dma_start3A_92 : memref<128x128xf32, #tpu.memory_space<vmem>>) target(%dma_start3A_89 : memref<128x128xf32, #tpu.memory_space<vmem_shared>>) target_semaphore(%run_scoped3A : memref<!tpu.dma_semaphore, #tpu.memory_space<semaphore_mem>>)
      %dma_wait3A = arith.constant 0 : i32
      %dma_wait3A_93 = arith.constant 0 : i32
      %dma_wait3A_94 = tpu.memref_slice %arg8[%dma_wait3A, %dma_wait3A_93] : memref<128x128xf32, #tpu.memory_space<vmem>> -> memref<128x128xf32, #tpu.memory_space<vmem>>
      %dma_wait3A_95 = arith.constant 0 : i32
      %dma_wait3A_96 = tpu.memref_slice %arg6[%add3A_6, %dma_wait3A_95] : memref<10112x128xf32, #tpu.memory_space<vmem_shared>> -> memref<128x128xf32, #tpu.memory_space<vmem_shared>>
      %dma_wait3A_97 = arith.constant 0 : i32
      %dma_wait3A_98 = tpu.memref_slice %arg6[%add3A_6, %dma_wait3A_97] : memref<10112x128xf32, #tpu.memory_space<vmem_shared>> -> memref<128x128xf32, #tpu.memory_space<vmem_shared>>
      %dma_wait3A_99 = arith.constant 0 : i32
      %dma_wait3A_100 = arith.constant 0 : i32
      %dma_wait3A_101 = tpu.memref_slice %arg8[%dma_wait3A_99, %dma_wait3A_100] : memref<128x128xf32, #tpu.memory_space<vmem>> -> memref<128x128xf32, #tpu.memory_space<vmem>>
      tpu.wait_dma2 semaphore(%run_scoped3A : memref<!tpu.dma_semaphore, #tpu.memory_space<semaphore_mem>>) src(%dma_wait3A_101 : memref<128x128xf32, #tpu.memory_space<vmem>>) dst(%dma_wait3A_98 : memref<128x128xf32, #tpu.memory_space<vmem_shared>>)
      tpu.yield
    }) : () -> ()
    %mul3A_7 = arith.constant 632 : i32
    %mul3A_8 = arith.muli %arg1, %mul3A_7 : i32
    %add3A_9 = arith.constant 128 : i32
    %add3A_10 = arith.addi %mul3A_8, %add3A_9 : i32
    "tpu.region"() ({
      %run_scoped3A = tpu.sem_alloc : memref<!tpu.dma_semaphore, #tpu.memory_space<semaphore_mem>>
      %dma_start3A = arith.constant 0 : i32
      %dma_start3A_84 = arith.constant 0 : i32
      %dma_start3A_85 = tpu.memref_slice %arg8[%dma_start3A, %dma_start3A_84] : memref<128x128xf32, #tpu.memory_space<vmem>> -> memref<128x128xf32, #tpu.memory_space<vmem>>
      %dma_start3A_86 = arith.constant 0 : i32
      %dma_start3A_87 = tpu.memref_slice %arg6[%add3A_10, %dma_start3A_86] : memref<10112x128xf32, #tpu.memory_space<vmem_shared>> -> memref<128x128xf32, #tpu.memory_space<vmem_shared>>
      %dma_start3A_88 = arith.constant 0 : i32
      %dma_start3A_89 = tpu.memref_slice %arg6[%add3A_10, %dma_start3A_88] : memref<10112x128xf32, #tpu.memory_space<vmem_shared>> -> memref<128x128xf32, #tpu.memory_space<vmem_shared>>
      %dma_start3A_90 = arith.constant 0 : i32
      %dma_start3A_91 = arith.constant 0 : i32
      %dma_start3A_92 = tpu.memref_slice %arg8[%dma_start3A_90, %dma_start3A_91] : memref<128x128xf32, #tpu.memory_space<vmem>> -> memref<128x128xf32, #tpu.memory_space<vmem>>
      tpu.enqueue_dma source(%dma_start3A_92 : memref<128x128xf32, #tpu.memory_space<vmem>>) target(%dma_start3A_89 : memref<128x128xf32, #tpu.memory_space<vmem_shared>>) target_semaphore(%run_scoped3A : memref<!tpu.dma_semaphore, #tpu.memory_space<semaphore_mem>>)
      %dma_wait3A = arith.constant 0 : i32
      %dma_wait3A_93 = arith.constant 0 : i32
      %dma_wait3A_94 = tpu.memref_slice %arg8[%dma_wait3A, %dma_wait3A_93] : memref<128x128xf32, #tpu.memory_space<vmem>> -> memref<128x128xf32, #tpu.memory_space<vmem>>
      %dma_wait3A_95 = arith.constant 0 : i32
      %dma_wait3A_96 = tpu.memref_slice %arg6[%add3A_10, %dma_wait3A_95] : memref<10112x128xf32, #tpu.memory_space<vmem_shared>> -> memref<128x128xf32, #tpu.memory_space<vmem_shared>>
      %dma_wait3A_97 = arith.constant 0 : i32
      %dma_wait3A_98 = tpu.memref_slice %arg6[%add3A_10, %dma_wait3A_97] : memref<10112x128xf32, #tpu.memory_space<vmem_shared>> -> memref<128x128xf32, #tpu.memory_space<vmem_shared>>
      %dma_wait3A_99 = arith.constant 0 : i32
      %dma_wait3A_100 = arith.constant 0 : i32
      %dma_wait3A_101 = tpu.memref_slice %arg8[%dma_wait3A_99, %dma_wait3A_100] : memref<128x128xf32, #tpu.memory_space<vmem>> -> memref<128x128xf32, #tpu.memory_space<vmem>>
      tpu.wait_dma2 semaphore(%run_scoped3A : memref<!tpu.dma_semaphore, #tpu.memory_space<semaphore_mem>>) src(%dma_wait3A_101 : memref<128x128xf32, #tpu.memory_space<vmem>>) dst(%dma_wait3A_98 : memref<128x128xf32, #tpu.memory_space<vmem_shared>>)
      tpu.yield
    }) : () -> ()
    %mul3A_11 = arith.constant 632 : i32
    %mul3A_12 = arith.muli %arg1, %mul3A_11 : i32
    %add3A_13 = arith.constant 256 : i32
    %add3A_14 = arith.addi %mul3A_12, %add3A_13 : i32
    "tpu.region"() ({
      %run_scoped3A = tpu.sem_alloc : memref<!tpu.dma_semaphore, #tpu.memory_space<semaphore_mem>>
      %dma_start3A = arith.constant 0 : i32
      %dma_start3A_84 = arith.constant 0 : i32
      %dma_start3A_85 = tpu.memref_slice %arg8[%dma_start3A, %dma_start3A_84] : memref<128x128xf32, #tpu.memory_space<vmem>> -> memref<128x128xf32, #tpu.memory_space<vmem>>
      %dma_start3A_86 = arith.constant 0 : i32
      %dma_start3A_87 = tpu.memref_slice %arg6[%add3A_14, %dma_start3A_86] : memref<10112x128xf32, #tpu.memory_space<vmem_shared>> -> memref<128x128xf32, #tpu.memory_space<vmem_shared>>
      %dma_start3A_88 = arith.constant 0 : i32
      %dma_start3A_89 = tpu.memref_slice %arg6[%add3A_14, %dma_start3A_88] : memref<10112x128xf32, #tpu.memory_space<vmem_shared>> -> memref<128x128xf32, #tpu.memory_space<vmem_shared>>
      %dma_start3A_90 = arith.constant 0 : i32
      %dma_start3A_91 = arith.constant 0 : i32
      %dma_start3A_92 = tpu.memref_slice %arg8[%dma_start3A_90, %dma_start3A_91] : memref<128x128xf32, #tpu.memory_space<vmem>> -> memref<128x128xf32, #tpu.memory_space<vmem>>
      tpu.enqueue_dma source(%dma_start3A_92 : memref<128x128xf32, #tpu.memory_space<vmem>>) target(%dma_start3A_89 : memref<128x128xf32, #tpu.memory_space<vmem_shared>>) target_semaphore(%run_scoped3A : memref<!tpu.dma_semaphore, #tpu.memory_space<semaphore_mem>>)
      %dma_wait3A = arith.constant 0 : i32
      %dma_wait3A_93 = arith.constant 0 : i32
      %dma_wait3A_94 = tpu.memref_slice %arg8[%dma_wait3A, %dma_wait3A_93] : memref<128x128xf32, #tpu.memory_space<vmem>> -> memref<128x128xf32, #tpu.memory_space<vmem>>
      %dma_wait3A_95 = arith.constant 0 : i32
      %dma_wait3A_96 = tpu.memref_slice %arg6[%add3A_14, %dma_wait3A_95] : memref<10112x128xf32, #tpu.memory_space<vmem_shared>> -> memref<128x128xf32, #tpu.memory_space<vmem_shared>>
      %dma_wait3A_97 = arith.constant 0 : i32
      %dma_wait3A_98 = tpu.memref_slice %arg6[%add3A_14, %dma_wait3A_97] : memref<10112x128xf32, #tpu.memory_space<vmem_shared>> -> memref<128x128xf32, #tpu.memory_space<vmem_shared>>
      %dma_wait3A_99 = arith.constant 0 : i32
      %dma_wait3A_100 = arith.constant 0 : i32
      %dma_wait3A_101 = tpu.memref_slice %arg8[%dma_wait3A_99, %dma_wait3A_100] : memref<128x128xf32, #tpu.memory_space<vmem>> -> memref<128x128xf32, #tpu.memory_space<vmem>>
      tpu.wait_dma2 semaphore(%run_scoped3A : memref<!tpu.dma_semaphore, #tpu.memory_space<semaphore_mem>>) src(%dma_wait3A_101 : memref<128x128xf32, #tpu.memory_space<vmem>>) dst(%dma_wait3A_98 : memref<128x128xf32, #tpu.memory_space<vmem_shared>>)
      tpu.yield
    }) : () -> ()
    %mul3A_15 = arith.constant 632 : i32
    %mul3A_16 = arith.muli %arg1, %mul3A_15 : i32
    %add3A_17 = arith.constant 384 : i32
    %add3A_18 = arith.addi %mul3A_16, %add3A_17 : i32
    "tpu.region"() ({
      %run_scoped3A = tpu.sem_alloc : memref<!tpu.dma_semaphore, #tpu.memory_space<semaphore_mem>>
      %dma_start3A = arith.constant 0 : i32
      %dma_start3A_84 = arith.constant 0 : i32
      %dma_start3A_85 = tpu.memref_slice %arg8[%dma_start3A, %dma_start3A_84] : memref<128x128xf32, #tpu.memory_space<vmem>> -> memref<128x128xf32, #tpu.memory_space<vmem>>
      %dma_start3A_86 = arith.constant 0 : i32
      %dma_start3A_87 = tpu.memref_slice %arg6[%add3A_18, %dma_start3A_86] : memref<10112x128xf32, #tpu.memory_space<vmem_shared>> -> memref<128x128xf32, #tpu.memory_space<vmem_shared>>
      %dma_start3A_88 = arith.constant 0 : i32
      %dma_start3A_89 = tpu.memref_slice %arg6[%add3A_18, %dma_start3A_88] : memref<10112x128xf32, #tpu.memory_space<vmem_shared>> -> memref<128x128xf32, #tpu.memory_space<vmem_shared>>
      %dma_start3A_90 = arith.constant 0 : i32
      %dma_start3A_91 = arith.constant 0 : i32
      %dma_start3A_92 = tpu.memref_slice %arg8[%dma_start3A_90, %dma_start3A_91] : memref<128x128xf32, #tpu.memory_space<vmem>> -> memref<128x128xf32, #tpu.memory_space<vmem>>
      tpu.enqueue_dma source(%dma_start3A_92 : memref<128x128xf32, #tpu.memory_space<vmem>>) target(%dma_start3A_89 : memref<128x128xf32, #tpu.memory_space<vmem_shared>>) target_semaphore(%run_scoped3A : memref<!tpu.dma_semaphore, #tpu.memory_space<semaphore_mem>>)
      %dma_wait3A = arith.constant 0 : i32
      %dma_wait3A_93 = arith.constant 0 : i32
      %dma_wait3A_94 = tpu.memref_slice %arg8[%dma_wait3A, %dma_wait3A_93] : memref<128x128xf32, #tpu.memory_space<vmem>> -> memref<128x128xf32, #tpu.memory_space<vmem>>
      %dma_wait3A_95 = arith.constant 0 : i32
      %dma_wait3A_96 = tpu.memref_slice %arg6[%add3A_18, %dma_wait3A_95] : memref<10112x128xf32, #tpu.memory_space<vmem_shared>> -> memref<128x128xf32, #tpu.memory_space<vmem_shared>>
      %dma_wait3A_97 = arith.constant 0 : i32
      %dma_wait3A_98 = tpu.memref_slice %arg6[%add3A_18, %dma_wait3A_97] : memref<10112x128xf32, #tpu.memory_space<vmem_shared>> -> memref<128x128xf32, #tpu.memory_space<vmem_shared>>
      %dma_wait3A_99 = arith.constant 0 : i32
      %dma_wait3A_100 = arith.constant 0 : i32
      %dma_wait3A_101 = tpu.memref_slice %arg8[%dma_wait3A_99, %dma_wait3A_100] : memref<128x128xf32, #tpu.memory_space<vmem>> -> memref<128x128xf32, #tpu.memory_space<vmem>>
      tpu.wait_dma2 semaphore(%run_scoped3A : memref<!tpu.dma_semaphore, #tpu.memory_space<semaphore_mem>>) src(%dma_wait3A_101 : memref<128x128xf32, #tpu.memory_space<vmem>>) dst(%dma_wait3A_98 : memref<128x128xf32, #tpu.memory_space<vmem_shared>>)
      tpu.yield
    }) : () -> ()
    %mul3A_19 = arith.constant 632 : i32
    %mul3A_20 = arith.muli %arg1, %mul3A_19 : i32
    %add3A_21 = arith.constant 512 : i32
    %add3A_22 = arith.addi %mul3A_20, %add3A_21 : i32
    "tpu.region"() ({
      %run_scoped3A = tpu.sem_alloc : memref<!tpu.dma_semaphore, #tpu.memory_space<semaphore_mem>>
      %dma_start3A = arith.constant 0 : i32
      %dma_start3A_84 = arith.constant 0 : i32
      %dma_start3A_85 = tpu.memref_slice %arg8[%dma_start3A, %dma_start3A_84] : memref<128x128xf32, #tpu.memory_space<vmem>> -> memref<120x128xf32, #tpu.memory_space<vmem>>
      %dma_start3A_86 = arith.constant 0 : i32
      %dma_start3A_87 = tpu.memref_slice %arg6[%add3A_22, %dma_start3A_86] : memref<10112x128xf32, #tpu.memory_space<vmem_shared>> -> memref<120x128xf32, #tpu.memory_space<vmem_shared>>
      %dma_start3A_88 = arith.constant 0 : i32
      %dma_start3A_89 = tpu.memref_slice %arg6[%add3A_22, %dma_start3A_88] : memref<10112x128xf32, #tpu.memory_space<vmem_shared>> -> memref<120x128xf32, #tpu.memory_space<vmem_shared>>
      %dma_start3A_90 = arith.constant 0 : i32
      %dma_start3A_91 = arith.constant 0 : i32
      %dma_start3A_92 = tpu.memref_slice %arg8[%dma_start3A_90, %dma_start3A_91] : memref<128x128xf32, #tpu.memory_space<vmem>> -> memref<120x128xf32, #tpu.memory_space<vmem>>
      tpu.enqueue_dma source(%dma_start3A_92 : memref<120x128xf32, #tpu.memory_space<vmem>>) target(%dma_start3A_89 : memref<120x128xf32, #tpu.memory_space<vmem_shared>>) target_semaphore(%run_scoped3A : memref<!tpu.dma_semaphore, #tpu.memory_space<semaphore_mem>>)
      %dma_wait3A = arith.constant 0 : i32
      %dma_wait3A_93 = arith.constant 0 : i32
      %dma_wait3A_94 = tpu.memref_slice %arg8[%dma_wait3A, %dma_wait3A_93] : memref<128x128xf32, #tpu.memory_space<vmem>> -> memref<120x128xf32, #tpu.memory_space<vmem>>
      %dma_wait3A_95 = arith.constant 0 : i32
      %dma_wait3A_96 = tpu.memref_slice %arg6[%add3A_22, %dma_wait3A_95] : memref<10112x128xf32, #tpu.memory_space<vmem_shared>> -> memref<120x128xf32, #tpu.memory_space<vmem_shared>>
      %dma_wait3A_97 = arith.constant 0 : i32
      %dma_wait3A_98 = tpu.memref_slice %arg6[%add3A_22, %dma_wait3A_97] : memref<10112x128xf32, #tpu.memory_space<vmem_shared>> -> memref<120x128xf32, #tpu.memory_space<vmem_shared>>
      %dma_wait3A_99 = arith.constant 0 : i32
      %dma_wait3A_100 = arith.constant 0 : i32
      %dma_wait3A_101 = tpu.memref_slice %arg8[%dma_wait3A_99, %dma_wait3A_100] : memref<128x128xf32, #tpu.memory_space<vmem>> -> memref<120x128xf32, #tpu.memory_space<vmem>>
      tpu.wait_dma2 semaphore(%run_scoped3A : memref<!tpu.dma_semaphore, #tpu.memory_space<semaphore_mem>>) src(%dma_wait3A_101 : memref<120x128xf32, #tpu.memory_space<vmem>>) dst(%dma_wait3A_98 : memref<120x128xf32, #tpu.memory_space<vmem_shared>>)
      tpu.yield
    }) : () -> ()
    "tpu.region"() ({
      %run_scoped3A = tpu.sem_alloc : memref<!tpu.dma_semaphore, #tpu.memory_space<semaphore_mem>>
      tpu.enqueue_dma source(%arg4 : memref<128x128xf32, #tpu.memory_space<hbm>>) target(%arg8 : memref<128x128xf32, #tpu.memory_space<vmem>>) target_semaphore(%run_scoped3A : memref<!tpu.dma_semaphore, #tpu.memory_space<semaphore_mem>>)
      tpu.wait_dma2 semaphore(%run_scoped3A : memref<!tpu.dma_semaphore, #tpu.memory_space<semaphore_mem>>) src(%arg4 : memref<128x128xf32, #tpu.memory_space<hbm>>) dst(%arg8 : memref<128x128xf32, #tpu.memory_space<vmem>>)
      tpu.yield
    }) : () -> ()
    %barrier3A = arith.constant 0 : index
    tpu.barrier barrier_id(%barrier3A)
    %scan3A = arith.constant 0 : i32
    %scan3A_23 = arith.constant 0 : i32
    %scan3A_24 = arith.constant 80 : i32
    %scan3A_25 = arith.addi %scan3A_23, %scan3A_24 : i32
    %scan3A_26 = arith.constant 1 : i32
    scf.for %scan3A_84 = %scan3A_23 to %scan3A_25 step %scan3A_26  : i32 {
      %mul3A_85 = arith.constant 128 : i32
      %mul3A_86 = arith.muli %scan3A_84, %mul3A_85 : i32
      %add3A_87 = arith.addi %mul3A_2, %mul3A_86 : i32
      "tpu.region"() ({
        %run_scoped3A = tpu.sem_alloc : memref<!tpu.dma_semaphore, #tpu.memory_space<semaphore_mem>>
        %dma_start3A = tpu.memref_slice %arg2[%add3A_87] : memref<327680xi32, #tpu.memory_space<hbm>> -> memref<128xi32, #tpu.memory_space<hbm>>
        %dma_start3A_88 = tpu.memref_slice %arg2[%add3A_87] : memref<327680xi32, #tpu.memory_space<hbm>> -> memref<128xi32, #tpu.memory_space<hbm>>
        tpu.enqueue_dma source(%dma_start3A_88 : memref<128xi32, #tpu.memory_space<hbm>>) target(%arg7 : memref<128xi32, #tpu.memory_space<vmem>>) target_semaphore(%run_scoped3A : memref<!tpu.dma_semaphore, #tpu.memory_space<semaphore_mem>>)
        %dma_wait3A = tpu.memref_slice %arg2[%add3A_87] : memref<327680xi32, #tpu.memory_space<hbm>> -> memref<128xi32, #tpu.memory_space<hbm>>
        %dma_wait3A_89 = tpu.memref_slice %arg2[%add3A_87] : memref<327680xi32, #tpu.memory_space<hbm>> -> memref<128xi32, #tpu.memory_space<hbm>>
        tpu.wait_dma2 semaphore(%run_scoped3A : memref<!tpu.dma_semaphore, #tpu.memory_space<semaphore_mem>>) src(%dma_wait3A_89 : memref<128xi32, #tpu.memory_space<hbm>>) dst(%arg7 : memref<128xi32, #tpu.memory_space<vmem>>)
        tpu.yield
      }) : () -> ()
      "tpu.region"() ({
        %run_scoped3A = tpu.sem_alloc : memref<!tpu.dma_semaphore, #tpu.memory_space<semaphore_mem>>
        %dma_start3A = arith.constant 0 : i32
        %dma_start3A_88 = arith.constant 0 : i32
        %dma_start3A_89 = tpu.memref_slice %arg6[%dma_start3A, %dma_start3A_88] : memref<10112x128xf32, #tpu.memory_space<vmem_shared>> -> memref<10112x128xf32, #tpu.memory_space<vmem_shared>>
        tpu.enqueue_indirect_dma source(%arg8 : memref<128x128xf32, #tpu.memory_space<vmem>>) target(%dma_start3A_89 : memref<10112x128xf32, #tpu.memory_space<vmem_shared>>) offsets(%arg7 : memref<128xi32, #tpu.memory_space<vmem>>) semaphore(%run_scoped3A : memref<!tpu.dma_semaphore, #tpu.memory_space<semaphore_mem>>) {add = true}
        %dma_wait3A = arith.constant 0 : i32
        %dma_wait3A_90 = arith.constant 0 : i32
        %dma_wait3A_91 = tpu.memref_slice %arg6[%dma_wait3A, %dma_wait3A_90] : memref<10112x128xf32, #tpu.memory_space<vmem_shared>> -> memref<10112x128xf32, #tpu.memory_space<vmem_shared>>
        tpu.wait_indirect_dma semaphore(%run_scoped3A : memref<!tpu.dma_semaphore, #tpu.memory_space<semaphore_mem>>) src(%arg8 : memref<128x128xf32, #tpu.memory_space<vmem>>) dst(%dma_wait3A_91 : memref<10112x128xf32, #tpu.memory_space<vmem_shared>>)
        tpu.yield
      }) : () -> ()
    }
    %scan3A_27 = arith.constant 80 : i32
    %barrier3A_28 = arith.constant 0 : index
    tpu.barrier barrier_id(%barrier3A_28)
    %mul3A_29 = arith.constant 632 : i32
    %mul3A_30 = arith.muli %arg1, %mul3A_29 : i32
    %add3A_31 = arith.constant 0 : i32
    %add3A_32 = arith.addi %mul3A_30, %add3A_31 : i32
    "tpu.region"() ({
      %run_scoped3A = tpu.sem_alloc : memref<!tpu.dma_semaphore, #tpu.memory_space<semaphore_mem>>
      %dma_start3A = arith.constant 0 : i32
      %dma_start3A_84 = arith.constant 0 : i32
      %dma_start3A_85 = tpu.memref_slice %arg8[%dma_start3A, %dma_start3A_84] : memref<128x128xf32, #tpu.memory_space<vmem>> -> memref<128x128xf32, #tpu.memory_space<vmem>>
      %dma_start3A_86 = arith.constant 0 : i32
      %dma_start3A_87 = tpu.memref_slice %arg6[%add3A_32, %dma_start3A_86] : memref<10112x128xf32, #tpu.memory_space<vmem_shared>> -> memref<128x128xf32, #tpu.memory_space<vmem_shared>>
      %dma_start3A_88 = arith.constant 0 : i32
      %dma_start3A_89 = arith.constant 0 : i32
      %dma_start3A_90 = tpu.memref_slice %arg8[%dma_start3A_88, %dma_start3A_89] : memref<128x128xf32, #tpu.memory_space<vmem>> -> memref<128x128xf32, #tpu.memory_space<vmem>>
      %dma_start3A_91 = arith.constant 0 : i32
      %dma_start3A_92 = tpu.memref_slice %arg6[%add3A_32, %dma_start3A_91] : memref<10112x128xf32, #tpu.memory_space<vmem_shared>> -> memref<128x128xf32, #tpu.memory_space<vmem_shared>>
      tpu.enqueue_dma source(%dma_start3A_92 : memref<128x128xf32, #tpu.memory_space<vmem_shared>>) target(%dma_start3A_90 : memref<128x128xf32, #tpu.memory_space<vmem>>) target_semaphore(%run_scoped3A : memref<!tpu.dma_semaphore, #tpu.memory_space<semaphore_mem>>)
      %dma_wait3A = arith.constant 0 : i32
      %dma_wait3A_93 = arith.constant 0 : i32
      %dma_wait3A_94 = tpu.memref_slice %arg8[%dma_wait3A, %dma_wait3A_93] : memref<128x128xf32, #tpu.memory_space<vmem>> -> memref<128x128xf32, #tpu.memory_space<vmem>>
      %dma_wait3A_95 = arith.constant 0 : i32
      %dma_wait3A_96 = tpu.memref_slice %arg6[%add3A_32, %dma_wait3A_95] : memref<10112x128xf32, #tpu.memory_space<vmem_shared>> -> memref<128x128xf32, #tpu.memory_space<vmem_shared>>
      %dma_wait3A_97 = arith.constant 0 : i32
      %dma_wait3A_98 = arith.constant 0 : i32
      %dma_wait3A_99 = tpu.memref_slice %arg8[%dma_wait3A_97, %dma_wait3A_98] : memref<128x128xf32, #tpu.memory_space<vmem>> -> memref<128x128xf32, #tpu.memory_space<vmem>>
      %dma_wait3A_100 = arith.constant 0 : i32
      %dma_wait3A_101 = tpu.memref_slice %arg6[%add3A_32, %dma_wait3A_100] : memref<10112x128xf32, #tpu.memory_space<vmem_shared>> -> memref<128x128xf32, #tpu.memory_space<vmem_shared>>
      tpu.wait_dma2 semaphore(%run_scoped3A : memref<!tpu.dma_semaphore, #tpu.memory_space<semaphore_mem>>) src(%dma_wait3A_101 : memref<128x128xf32, #tpu.memory_space<vmem_shared>>) dst(%dma_wait3A_99 : memref<128x128xf32, #tpu.memory_space<vmem>>)
      tpu.yield
    }) : () -> ()
    %mul3A_33 = arith.constant 10112 : i32
    %mul3A_34 = arith.muli %arg0, %mul3A_33 : i32
    %mul3A_35 = arith.constant 632 : i32
    %mul3A_36 = arith.muli %arg1, %mul3A_35 : i32
    %add3A_37 = arith.addi %mul3A_34, %mul3A_36 : i32
    %add3A_38 = arith.constant 0 : i32
    %add3A_39 = arith.addi %add3A_37, %add3A_38 : i32
    "tpu.region"() ({
      %run_scoped3A = tpu.sem_alloc : memref<!tpu.dma_semaphore, #tpu.memory_space<semaphore_mem>>
      %dma_start3A = arith.constant 0 : i32
      %dma_start3A_84 = arith.constant 0 : i32
      %dma_start3A_85 = tpu.memref_slice %arg8[%dma_start3A, %dma_start3A_84] : memref<128x128xf32, #tpu.memory_space<vmem>> -> memref<128x128xf32, #tpu.memory_space<vmem>>
      %dma_start3A_86 = arith.constant 0 : i32
      %dma_start3A_87 = tpu.memref_slice %arg5[%add3A_39, %dma_start3A_86] : memref<20224x128xf32, #tpu.memory_space<hbm>> -> memref<128x128xf32, #tpu.memory_space<hbm>>
      %dma_start3A_88 = arith.constant 0 : i32
      %dma_start3A_89 = tpu.memref_slice %arg5[%add3A_39, %dma_start3A_88] : memref<20224x128xf32, #tpu.memory_space<hbm>> -> memref<128x128xf32, #tpu.memory_space<hbm>>
      %dma_start3A_90 = arith.constant 0 : i32
      %dma_start3A_91 = arith.constant 0 : i32
      %dma_start3A_92 = tpu.memref_slice %arg8[%dma_start3A_90, %dma_start3A_91] : memref<128x128xf32, #tpu.memory_space<vmem>> -> memref<128x128xf32, #tpu.memory_space<vmem>>
      tpu.enqueue_dma source(%dma_start3A_92 : memref<128x128xf32, #tpu.memory_space<vmem>>) target(%dma_start3A_89 : memref<128x128xf32, #tpu.memory_space<hbm>>) target_semaphore(%run_scoped3A : memref<!tpu.dma_semaphore, #tpu.memory_space<semaphore_mem>>)
      %dma_wait3A = arith.constant 0 : i32
      %dma_wait3A_93 = arith.constant 0 : i32
      %dma_wait3A_94 = tpu.memref_slice %arg8[%dma_wait3A, %dma_wait3A_93] : memref<128x128xf32, #tpu.memory_space<vmem>> -> memref<128x128xf32, #tpu.memory_space<vmem>>
      %dma_wait3A_95 = arith.constant 0 : i32
      %dma_wait3A_96 = tpu.memref_slice %arg5[%add3A_39, %dma_wait3A_95] : memref<20224x128xf32, #tpu.memory_space<hbm>> -> memref<128x128xf32, #tpu.memory_space<hbm>>
      %dma_wait3A_97 = arith.constant 0 : i32
      %dma_wait3A_98 = tpu.memref_slice %arg5[%add3A_39, %dma_wait3A_97] : memref<20224x128xf32, #tpu.memory_space<hbm>> -> memref<128x128xf32, #tpu.memory_space<hbm>>
      %dma_wait3A_99 = arith.constant 0 : i32
      %dma_wait3A_100 = arith.constant 0 : i32
      %dma_wait3A_101 = tpu.memref_slice %arg8[%dma_wait3A_99, %dma_wait3A_100] : memref<128x128xf32, #tpu.memory_space<vmem>> -> memref<128x128xf32, #tpu.memory_space<vmem>>
      tpu.wait_dma2 semaphore(%run_scoped3A : memref<!tpu.dma_semaphore, #tpu.memory_space<semaphore_mem>>) src(%dma_wait3A_101 : memref<128x128xf32, #tpu.memory_space<vmem>>) dst(%dma_wait3A_98 : memref<128x128xf32, #tpu.memory_space<hbm>>)
      tpu.yield
    }) : () -> ()
    %mul3A_40 = arith.constant 632 : i32
    %mul3A_41 = arith.muli %arg1, %mul3A_40 : i32
    %add3A_42 = arith.constant 128 : i32
    %add3A_43 = arith.addi %mul3A_41, %add3A_42 : i32
    "tpu.region"() ({
      %run_scoped3A = tpu.sem_alloc : memref<!tpu.dma_semaphore, #tpu.memory_space<semaphore_mem>>
      %dma_start3A = arith.constant 0 : i32
      %dma_start3A_84 = arith.constant 0 : i32
      %dma_start3A_85 = tpu.memref_slice %arg8[%dma_start3A, %dma_start3A_84] : memref<128x128xf32, #tpu.memory_space<vmem>> -> memref<128x128xf32, #tpu.memory_space<vmem>>
      %dma_start3A_86 = arith.constant 0 : i32
      %dma_start3A_87 = tpu.memref_slice %arg6[%add3A_43, %dma_start3A_86] : memref<10112x128xf32, #tpu.memory_space<vmem_shared>> -> memref<128x128xf32, #tpu.memory_space<vmem_shared>>
      %dma_start3A_88 = arith.constant 0 : i32
      %dma_start3A_89 = arith.constant 0 : i32
      %dma_start3A_90 = tpu.memref_slice %arg8[%dma_start3A_88, %dma_start3A_89] : memref<128x128xf32, #tpu.memory_space<vmem>> -> memref<128x128xf32, #tpu.memory_space<vmem>>
      %dma_start3A_91 = arith.constant 0 : i32
      %dma_start3A_92 = tpu.memref_slice %arg6[%add3A_43, %dma_start3A_91] : memref<10112x128xf32, #tpu.memory_space<vmem_shared>> -> memref<128x128xf32, #tpu.memory_space<vmem_shared>>
      tpu.enqueue_dma source(%dma_start3A_92 : memref<128x128xf32, #tpu.memory_space<vmem_shared>>) target(%dma_start3A_90 : memref<128x128xf32, #tpu.memory_space<vmem>>) target_semaphore(%run_scoped3A : memref<!tpu.dma_semaphore, #tpu.memory_space<semaphore_mem>>)
      %dma_wait3A = arith.constant 0 : i32
      %dma_wait3A_93 = arith.constant 0 : i32
      %dma_wait3A_94 = tpu.memref_slice %arg8[%dma_wait3A, %dma_wait3A_93] : memref<128x128xf32, #tpu.memory_space<vmem>> -> memref<128x128xf32, #tpu.memory_space<vmem>>
      %dma_wait3A_95 = arith.constant 0 : i32
      %dma_wait3A_96 = tpu.memref_slice %arg6[%add3A_43, %dma_wait3A_95] : memref<10112x128xf32, #tpu.memory_space<vmem_shared>> -> memref<128x128xf32, #tpu.memory_space<vmem_shared>>
      %dma_wait3A_97 = arith.constant 0 : i32
      %dma_wait3A_98 = arith.constant 0 : i32
      %dma_wait3A_99 = tpu.memref_slice %arg8[%dma_wait3A_97, %dma_wait3A_98] : memref<128x128xf32, #tpu.memory_space<vmem>> -> memref<128x128xf32, #tpu.memory_space<vmem>>
      %dma_wait3A_100 = arith.constant 0 : i32
      %dma_wait3A_101 = tpu.memref_slice %arg6[%add3A_43, %dma_wait3A_100] : memref<10112x128xf32, #tpu.memory_space<vmem_shared>> -> memref<128x128xf32, #tpu.memory_space<vmem_shared>>
      tpu.wait_dma2 semaphore(%run_scoped3A : memref<!tpu.dma_semaphore, #tpu.memory_space<semaphore_mem>>) src(%dma_wait3A_101 : memref<128x128xf32, #tpu.memory_space<vmem_shared>>) dst(%dma_wait3A_99 : memref<128x128xf32, #tpu.memory_space<vmem>>)
      tpu.yield
    }) : () -> ()
    %mul3A_44 = arith.constant 10112 : i32
    %mul3A_45 = arith.muli %arg0, %mul3A_44 : i32
    %mul3A_46 = arith.constant 632 : i32
    %mul3A_47 = arith.muli %arg1, %mul3A_46 : i32
    %add3A_48 = arith.addi %mul3A_45, %mul3A_47 : i32
    %add3A_49 = arith.constant 128 : i32
    %add3A_50 = arith.addi %add3A_48, %add3A_49 : i32
    "tpu.region"() ({
      %run_scoped3A = tpu.sem_alloc : memref<!tpu.dma_semaphore, #tpu.memory_space<semaphore_mem>>
      %dma_start3A = arith.constant 0 : i32
      %dma_start3A_84 = arith.constant 0 : i32
      %dma_start3A_85 = tpu.memref_slice %arg8[%dma_start3A, %dma_start3A_84] : memref<128x128xf32, #tpu.memory_space<vmem>> -> memref<128x128xf32, #tpu.memory_space<vmem>>
      %dma_start3A_86 = arith.constant 0 : i32
      %dma_start3A_87 = tpu.memref_slice %arg5[%add3A_50, %dma_start3A_86] : memref<20224x128xf32, #tpu.memory_space<hbm>> -> memref<128x128xf32, #tpu.memory_space<hbm>>
      %dma_start3A_88 = arith.constant 0 : i32
      %dma_start3A_89 = tpu.memref_slice %arg5[%add3A_50, %dma_start3A_88] : memref<20224x128xf32, #tpu.memory_space<hbm>> -> memref<128x128xf32, #tpu.memory_space<hbm>>
      %dma_start3A_90 = arith.constant 0 : i32
      %dma_start3A_91 = arith.constant 0 : i32
      %dma_start3A_92 = tpu.memref_slice %arg8[%dma_start3A_90, %dma_start3A_91] : memref<128x128xf32, #tpu.memory_space<vmem>> -> memref<128x128xf32, #tpu.memory_space<vmem>>
      tpu.enqueue_dma source(%dma_start3A_92 : memref<128x128xf32, #tpu.memory_space<vmem>>) target(%dma_start3A_89 : memref<128x128xf32, #tpu.memory_space<hbm>>) target_semaphore(%run_scoped3A : memref<!tpu.dma_semaphore, #tpu.memory_space<semaphore_mem>>)
      %dma_wait3A = arith.constant 0 : i32
      %dma_wait3A_93 = arith.constant 0 : i32
      %dma_wait3A_94 = tpu.memref_slice %arg8[%dma_wait3A, %dma_wait3A_93] : memref<128x128xf32, #tpu.memory_space<vmem>> -> memref<128x128xf32, #tpu.memory_space<vmem>>
      %dma_wait3A_95 = arith.constant 0 : i32
      %dma_wait3A_96 = tpu.memref_slice %arg5[%add3A_50, %dma_wait3A_95] : memref<20224x128xf32, #tpu.memory_space<hbm>> -> memref<128x128xf32, #tpu.memory_space<hbm>>
      %dma_wait3A_97 = arith.constant 0 : i32
      %dma_wait3A_98 = tpu.memref_slice %arg5[%add3A_50, %dma_wait3A_97] : memref<20224x128xf32, #tpu.memory_space<hbm>> -> memref<128x128xf32, #tpu.memory_space<hbm>>
      %dma_wait3A_99 = arith.constant 0 : i32
      %dma_wait3A_100 = arith.constant 0 : i32
      %dma_wait3A_101 = tpu.memref_slice %arg8[%dma_wait3A_99, %dma_wait3A_100] : memref<128x128xf32, #tpu.memory_space<vmem>> -> memref<128x128xf32, #tpu.memory_space<vmem>>
      tpu.wait_dma2 semaphore(%run_scoped3A : memref<!tpu.dma_semaphore, #tpu.memory_space<semaphore_mem>>) src(%dma_wait3A_101 : memref<128x128xf32, #tpu.memory_space<vmem>>) dst(%dma_wait3A_98 : memref<128x128xf32, #tpu.memory_space<hbm>>)
      tpu.yield
    }) : () -> ()
    %mul3A_51 = arith.constant 632 : i32
    %mul3A_52 = arith.muli %arg1, %mul3A_51 : i32
    %add3A_53 = arith.constant 256 : i32
    %add3A_54 = arith.addi %mul3A_52, %add3A_53 : i32
    "tpu.region"() ({
      %run_scoped3A = tpu.sem_alloc : memref<!tpu.dma_semaphore, #tpu.memory_space<semaphore_mem>>
      %dma_start3A = arith.constant 0 : i32
      %dma_start3A_84 = arith.constant 0 : i32
      %dma_start3A_85 = tpu.memref_slice %arg8[%dma_start3A, %dma_start3A_84] : memref<128x128xf32, #tpu.memory_space<vmem>> -> memref<128x128xf32, #tpu.memory_space<vmem>>
      %dma_start3A_86 = arith.constant 0 : i32
      %dma_start3A_87 = tpu.memref_slice %arg6[%add3A_54, %dma_start3A_86] : memref<10112x128xf32, #tpu.memory_space<vmem_shared>> -> memref<128x128xf32, #tpu.memory_space<vmem_shared>>
      %dma_start3A_88 = arith.constant 0 : i32
      %dma_start3A_89 = arith.constant 0 : i32
      %dma_start3A_90 = tpu.memref_slice %arg8[%dma_start3A_88, %dma_start3A_89] : memref<128x128xf32, #tpu.memory_space<vmem>> -> memref<128x128xf32, #tpu.memory_space<vmem>>
      %dma_start3A_91 = arith.constant 0 : i32
      %dma_start3A_92 = tpu.memref_slice %arg6[%add3A_54, %dma_start3A_91] : memref<10112x128xf32, #tpu.memory_space<vmem_shared>> -> memref<128x128xf32, #tpu.memory_space<vmem_shared>>
      tpu.enqueue_dma source(%dma_start3A_92 : memref<128x128xf32, #tpu.memory_space<vmem_shared>>) target(%dma_start3A_90 : memref<128x128xf32, #tpu.memory_space<vmem>>) target_semaphore(%run_scoped3A : memref<!tpu.dma_semaphore, #tpu.memory_space<semaphore_mem>>)
      %dma_wait3A = arith.constant 0 : i32
      %dma_wait3A_93 = arith.constant 0 : i32
      %dma_wait3A_94 = tpu.memref_slice %arg8[%dma_wait3A, %dma_wait3A_93] : memref<128x128xf32, #tpu.memory_space<vmem>> -> memref<128x128xf32, #tpu.memory_space<vmem>>
      %dma_wait3A_95 = arith.constant 0 : i32
      %dma_wait3A_96 = tpu.memref_slice %arg6[%add3A_54, %dma_wait3A_95] : memref<10112x128xf32, #tpu.memory_space<vmem_shared>> -> memref<128x128xf32, #tpu.memory_space<vmem_shared>>
      %dma_wait3A_97 = arith.constant 0 : i32
      %dma_wait3A_98 = arith.constant 0 : i32
      %dma_wait3A_99 = tpu.memref_slice %arg8[%dma_wait3A_97, %dma_wait3A_98] : memref<128x128xf32, #tpu.memory_space<vmem>> -> memref<128x128xf32, #tpu.memory_space<vmem>>
      %dma_wait3A_100 = arith.constant 0 : i32
      %dma_wait3A_101 = tpu.memref_slice %arg6[%add3A_54, %dma_wait3A_100] : memref<10112x128xf32, #tpu.memory_space<vmem_shared>> -> memref<128x128xf32, #tpu.memory_space<vmem_shared>>
      tpu.wait_dma2 semaphore(%run_scoped3A : memref<!tpu.dma_semaphore, #tpu.memory_space<semaphore_mem>>) src(%dma_wait3A_101 : memref<128x128xf32, #tpu.memory_space<vmem_shared>>) dst(%dma_wait3A_99 : memref<128x128xf32, #tpu.memory_space<vmem>>)
      tpu.yield
    }) : () -> ()
    %mul3A_55 = arith.constant 10112 : i32
    %mul3A_56 = arith.muli %arg0, %mul3A_55 : i32
    %mul3A_57 = arith.constant 632 : i32
    %mul3A_58 = arith.muli %arg1, %mul3A_57 : i32
    %add3A_59 = arith.addi %mul3A_56, %mul3A_58 : i32
    %add3A_60 = arith.constant 256 : i32
    %add3A_61 = arith.addi %add3A_59, %add3A_60 : i32
    "tpu.region"() ({
      %run_scoped3A = tpu.sem_alloc : memref<!tpu.dma_semaphore, #tpu.memory_space<semaphore_mem>>
      %dma_start3A = arith.constant 0 : i32
      %dma_start3A_84 = arith.constant 0 : i32
      %dma_start3A_85 = tpu.memref_slice %arg8[%dma_start3A, %dma_start3A_84] : memref<128x128xf32, #tpu.memory_space<vmem>> -> memref<128x128xf32, #tpu.memory_space<vmem>>
      %dma_start3A_86 = arith.constant 0 : i32
      %dma_start3A_87 = tpu.memref_slice %arg5[%add3A_61, %dma_start3A_86] : memref<20224x128xf32, #tpu.memory_space<hbm>> -> memref<128x128xf32, #tpu.memory_space<hbm>>
      %dma_start3A_88 = arith.constant 0 : i32
      %dma_start3A_89 = tpu.memref_slice %arg5[%add3A_61, %dma_start3A_88] : memref<20224x128xf32, #tpu.memory_space<hbm>> -> memref<128x128xf32, #tpu.memory_space<hbm>>
      %dma_start3A_90 = arith.constant 0 : i32
      %dma_start3A_91 = arith.constant 0 : i32
      %dma_start3A_92 = tpu.memref_slice %arg8[%dma_start3A_90, %dma_start3A_91] : memref<128x128xf32, #tpu.memory_space<vmem>> -> memref<128x128xf32, #tpu.memory_space<vmem>>
      tpu.enqueue_dma source(%dma_start3A_92 : memref<128x128xf32, #tpu.memory_space<vmem>>) target(%dma_start3A_89 : memref<128x128xf32, #tpu.memory_space<hbm>>) target_semaphore(%run_scoped3A : memref<!tpu.dma_semaphore, #tpu.memory_space<semaphore_mem>>)
      %dma_wait3A = arith.constant 0 : i32
      %dma_wait3A_93 = arith.constant 0 : i32
      %dma_wait3A_94 = tpu.memref_slice %arg8[%dma_wait3A, %dma_wait3A_93] : memref<128x128xf32, #tpu.memory_space<vmem>> -> memref<128x128xf32, #tpu.memory_space<vmem>>
      %dma_wait3A_95 = arith.constant 0 : i32
      %dma_wait3A_96 = tpu.memref_slice %arg5[%add3A_61, %dma_wait3A_95] : memref<20224x128xf32, #tpu.memory_space<hbm>> -> memref<128x128xf32, #tpu.memory_space<hbm>>
      %dma_wait3A_97 = arith.constant 0 : i32
      %dma_wait3A_98 = tpu.memref_slice %arg5[%add3A_61, %dma_wait3A_97] : memref<20224x128xf32, #tpu.memory_space<hbm>> -> memref<128x128xf32, #tpu.memory_space<hbm>>
      %dma_wait3A_99 = arith.constant 0 : i32
      %dma_wait3A_100 = arith.constant 0 : i32
      %dma_wait3A_101 = tpu.memref_slice %arg8[%dma_wait3A_99, %dma_wait3A_100] : memref<128x128xf32, #tpu.memory_space<vmem>> -> memref<128x128xf32, #tpu.memory_space<vmem>>
      tpu.wait_dma2 semaphore(%run_scoped3A : memref<!tpu.dma_semaphore, #tpu.memory_space<semaphore_mem>>) src(%dma_wait3A_101 : memref<128x128xf32, #tpu.memory_space<vmem>>) dst(%dma_wait3A_98 : memref<128x128xf32, #tpu.memory_space<hbm>>)
      tpu.yield
    }) : () -> ()
    %mul3A_62 = arith.constant 632 : i32
    %mul3A_63 = arith.muli %arg1, %mul3A_62 : i32
    %add3A_64 = arith.constant 384 : i32
    %add3A_65 = arith.addi %mul3A_63, %add3A_64 : i32
    "tpu.region"() ({
      %run_scoped3A = tpu.sem_alloc : memref<!tpu.dma_semaphore, #tpu.memory_space<semaphore_mem>>
      %dma_start3A = arith.constant 0 : i32
      %dma_start3A_84 = arith.constant 0 : i32
      %dma_start3A_85 = tpu.memref_slice %arg8[%dma_start3A, %dma_start3A_84] : memref<128x128xf32, #tpu.memory_space<vmem>> -> memref<128x128xf32, #tpu.memory_space<vmem>>
      %dma_start3A_86 = arith.constant 0 : i32
      %dma_start3A_87 = tpu.memref_slice %arg6[%add3A_65, %dma_start3A_86] : memref<10112x128xf32, #tpu.memory_space<vmem_shared>> -> memref<128x128xf32, #tpu.memory_space<vmem_shared>>
      %dma_start3A_88 = arith.constant 0 : i32
      %dma_start3A_89 = arith.constant 0 : i32
      %dma_start3A_90 = tpu.memref_slice %arg8[%dma_start3A_88, %dma_start3A_89] : memref<128x128xf32, #tpu.memory_space<vmem>> -> memref<128x128xf32, #tpu.memory_space<vmem>>
      %dma_start3A_91 = arith.constant 0 : i32
      %dma_start3A_92 = tpu.memref_slice %arg6[%add3A_65, %dma_start3A_91] : memref<10112x128xf32, #tpu.memory_space<vmem_shared>> -> memref<128x128xf32, #tpu.memory_space<vmem_shared>>
      tpu.enqueue_dma source(%dma_start3A_92 : memref<128x128xf32, #tpu.memory_space<vmem_shared>>) target(%dma_start3A_90 : memref<128x128xf32, #tpu.memory_space<vmem>>) target_semaphore(%run_scoped3A : memref<!tpu.dma_semaphore, #tpu.memory_space<semaphore_mem>>)
      %dma_wait3A = arith.constant 0 : i32
      %dma_wait3A_93 = arith.constant 0 : i32
      %dma_wait3A_94 = tpu.memref_slice %arg8[%dma_wait3A, %dma_wait3A_93] : memref<128x128xf32, #tpu.memory_space<vmem>> -> memref<128x128xf32, #tpu.memory_space<vmem>>
      %dma_wait3A_95 = arith.constant 0 : i32
      %dma_wait3A_96 = tpu.memref_slice %arg6[%add3A_65, %dma_wait3A_95] : memref<10112x128xf32, #tpu.memory_space<vmem_shared>> -> memref<128x128xf32, #tpu.memory_space<vmem_shared>>
      %dma_wait3A_97 = arith.constant 0 : i32
      %dma_wait3A_98 = arith.constant 0 : i32
      %dma_wait3A_99 = tpu.memref_slice %arg8[%dma_wait3A_97, %dma_wait3A_98] : memref<128x128xf32, #tpu.memory_space<vmem>> -> memref<128x128xf32, #tpu.memory_space<vmem>>
      %dma_wait3A_100 = arith.constant 0 : i32
      %dma_wait3A_101 = tpu.memref_slice %arg6[%add3A_65, %dma_wait3A_100] : memref<10112x128xf32, #tpu.memory_space<vmem_shared>> -> memref<128x128xf32, #tpu.memory_space<vmem_shared>>
      tpu.wait_dma2 semaphore(%run_scoped3A : memref<!tpu.dma_semaphore, #tpu.memory_space<semaphore_mem>>) src(%dma_wait3A_101 : memref<128x128xf32, #tpu.memory_space<vmem_shared>>) dst(%dma_wait3A_99 : memref<128x128xf32, #tpu.memory_space<vmem>>)
      tpu.yield
    }) : () -> ()
    %mul3A_66 = arith.constant 10112 : i32
    %mul3A_67 = arith.muli %arg0, %mul3A_66 : i32
    %mul3A_68 = arith.constant 632 : i32
    %mul3A_69 = arith.muli %arg1, %mul3A_68 : i32
    %add3A_70 = arith.addi %mul3A_67, %mul3A_69 : i32
    %add3A_71 = arith.constant 384 : i32
    %add3A_72 = arith.addi %add3A_70, %add3A_71 : i32
    "tpu.region"() ({
      %run_scoped3A = tpu.sem_alloc : memref<!tpu.dma_semaphore, #tpu.memory_space<semaphore_mem>>
      %dma_start3A = arith.constant 0 : i32
      %dma_start3A_84 = arith.constant 0 : i32
      %dma_start3A_85 = tpu.memref_slice %arg8[%dma_start3A, %dma_start3A_84] : memref<128x128xf32, #tpu.memory_space<vmem>> -> memref<128x128xf32, #tpu.memory_space<vmem>>
      %dma_start3A_86 = arith.constant 0 : i32
      %dma_start3A_87 = tpu.memref_slice %arg5[%add3A_72, %dma_start3A_86] : memref<20224x128xf32, #tpu.memory_space<hbm>> -> memref<128x128xf32, #tpu.memory_space<hbm>>
      %dma_start3A_88 = arith.constant 0 : i32
      %dma_start3A_89 = tpu.memref_slice %arg5[%add3A_72, %dma_start3A_88] : memref<20224x128xf32, #tpu.memory_space<hbm>> -> memref<128x128xf32, #tpu.memory_space<hbm>>
      %dma_start3A_90 = arith.constant 0 : i32
      %dma_start3A_91 = arith.constant 0 : i32
      %dma_start3A_92 = tpu.memref_slice %arg8[%dma_start3A_90, %dma_start3A_91] : memref<128x128xf32, #tpu.memory_space<vmem>> -> memref<128x128xf32, #tpu.memory_space<vmem>>
      tpu.enqueue_dma source(%dma_start3A_92 : memref<128x128xf32, #tpu.memory_space<vmem>>) target(%dma_start3A_89 : memref<128x128xf32, #tpu.memory_space<hbm>>) target_semaphore(%run_scoped3A : memref<!tpu.dma_semaphore, #tpu.memory_space<semaphore_mem>>)
      %dma_wait3A = arith.constant 0 : i32
      %dma_wait3A_93 = arith.constant 0 : i32
      %dma_wait3A_94 = tpu.memref_slice %arg8[%dma_wait3A, %dma_wait3A_93] : memref<128x128xf32, #tpu.memory_space<vmem>> -> memref<128x128xf32, #tpu.memory_space<vmem>>
      %dma_wait3A_95 = arith.constant 0 : i32
      %dma_wait3A_96 = tpu.memref_slice %arg5[%add3A_72, %dma_wait3A_95] : memref<20224x128xf32, #tpu.memory_space<hbm>> -> memref<128x128xf32, #tpu.memory_space<hbm>>
      %dma_wait3A_97 = arith.constant 0 : i32
      %dma_wait3A_98 = tpu.memref_slice %arg5[%add3A_72, %dma_wait3A_97] : memref<20224x128xf32, #tpu.memory_space<hbm>> -> memref<128x128xf32, #tpu.memory_space<hbm>>
      %dma_wait3A_99 = arith.constant 0 : i32
      %dma_wait3A_100 = arith.constant 0 : i32
      %dma_wait3A_101 = tpu.memref_slice %arg8[%dma_wait3A_99, %dma_wait3A_100] : memref<128x128xf32, #tpu.memory_space<vmem>> -> memref<128x128xf32, #tpu.memory_space<vmem>>
      tpu.wait_dma2 semaphore(%run_scoped3A : memref<!tpu.dma_semaphore, #tpu.memory_space<semaphore_mem>>) src(%dma_wait3A_101 : memref<128x128xf32, #tpu.memory_space<vmem>>) dst(%dma_wait3A_98 : memref<128x128xf32, #tpu.memory_space<hbm>>)
      tpu.yield
    }) : () -> ()
    %mul3A_73 = arith.constant 632 : i32
    %mul3A_74 = arith.muli %arg1, %mul3A_73 : i32
    %add3A_75 = arith.constant 512 : i32
    %add3A_76 = arith.addi %mul3A_74, %add3A_75 : i32
    "tpu.region"() ({
      %run_scoped3A = tpu.sem_alloc : memref<!tpu.dma_semaphore, #tpu.memory_space<semaphore_mem>>
      %dma_start3A = arith.constant 0 : i32
      %dma_start3A_84 = arith.constant 0 : i32
      %dma_start3A_85 = tpu.memref_slice %arg8[%dma_start3A, %dma_start3A_84] : memref<128x128xf32, #tpu.memory_space<vmem>> -> memref<120x128xf32, #tpu.memory_space<vmem>>
      %dma_start3A_86 = arith.constant 0 : i32
      %dma_start3A_87 = tpu.memref_slice %arg6[%add3A_76, %dma_start3A_86] : memref<10112x128xf32, #tpu.memory_space<vmem_shared>> -> memref<120x128xf32, #tpu.memory_space<vmem_shared>>
      %dma_start3A_88 = arith.constant 0 : i32
      %dma_start3A_89 = arith.constant 0 : i32
      %dma_start3A_90 = tpu.memref_slice %arg8[%dma_start3A_88, %dma_start3A_89] : memref<128x128xf32, #tpu.memory_space<vmem>> -> memref<120x128xf32, #tpu.memory_space<vmem>>
      %dma_start3A_91 = arith.constant 0 : i32
      %dma_start3A_92 = tpu.memref_slice %arg6[%add3A_76, %dma_start3A_91] : memref<10112x128xf32, #tpu.memory_space<vmem_shared>> -> memref<120x128xf32, #tpu.memory_space<vmem_shared>>
      tpu.enqueue_dma source(%dma_start3A_92 : memref<120x128xf32, #tpu.memory_space<vmem_shared>>) target(%dma_start3A_90 : memref<120x128xf32, #tpu.memory_space<vmem>>) target_semaphore(%run_scoped3A : memref<!tpu.dma_semaphore, #tpu.memory_space<semaphore_mem>>)
      %dma_wait3A = arith.constant 0 : i32
      %dma_wait3A_93 = arith.constant 0 : i32
      %dma_wait3A_94 = tpu.memref_slice %arg8[%dma_wait3A, %dma_wait3A_93] : memref<128x128xf32, #tpu.memory_space<vmem>> -> memref<120x128xf32, #tpu.memory_space<vmem>>
      %dma_wait3A_95 = arith.constant 0 : i32
      %dma_wait3A_96 = tpu.memref_slice %arg6[%add3A_76, %dma_wait3A_95] : memref<10112x128xf32, #tpu.memory_space<vmem_shared>> -> memref<120x128xf32, #tpu.memory_space<vmem_shared>>
      %dma_wait3A_97 = arith.constant 0 : i32
      %dma_wait3A_98 = arith.constant 0 : i32
      %dma_wait3A_99 = tpu.memref_slice %arg8[%dma_wait3A_97, %dma_wait3A_98] : memref<128x128xf32, #tpu.memory_space<vmem>> -> memref<120x128xf32, #tpu.memory_space<vmem>>
      %dma_wait3A_100 = arith.constant 0 : i32
      %dma_wait3A_101 = tpu.memref_slice %arg6[%add3A_76, %dma_wait3A_100] : memref<10112x128xf32, #tpu.memory_space<vmem_shared>> -> memref<120x128xf32, #tpu.memory_space<vmem_shared>>
      tpu.wait_dma2 semaphore(%run_scoped3A : memref<!tpu.dma_semaphore, #tpu.memory_space<semaphore_mem>>) src(%dma_wait3A_101 : memref<120x128xf32, #tpu.memory_space<vmem_shared>>) dst(%dma_wait3A_99 : memref<120x128xf32, #tpu.memory_space<vmem>>)
      tpu.yield
    }) : () -> ()
    %mul3A_77 = arith.constant 10112 : i32
    %mul3A_78 = arith.muli %arg0, %mul3A_77 : i32
    %mul3A_79 = arith.constant 632 : i32
    %mul3A_80 = arith.muli %arg1, %mul3A_79 : i32
    %add3A_81 = arith.addi %mul3A_78, %mul3A_80 : i32
    %add3A_82 = arith.constant 512 : i32
    %add3A_83 = arith.addi %add3A_81, %add3A_82 : i32
    "tpu.region"() ({
      %run_scoped3A = tpu.sem_alloc : memref<!tpu.dma_semaphore, #tpu.memory_space<semaphore_mem>>
      %dma_start3A = arith.constant 0 : i32
      %dma_start3A_84 = arith.constant 0 : i32
      %dma_start3A_85 = tpu.memref_slice %arg8[%dma_start3A, %dma_start3A_84] : memref<128x128xf32, #tpu.memory_space<vmem>> -> memref<120x128xf32, #tpu.memory_space<vmem>>
      %dma_start3A_86 = arith.constant 0 : i32
      %dma_start3A_87 = tpu.memref_slice %arg5[%add3A_83, %dma_start3A_86] : memref<20224x128xf32, #tpu.memory_space<hbm>> -> memref<120x128xf32, #tpu.memory_space<hbm>>
      %dma_start3A_88 = arith.constant 0 : i32
      %dma_start3A_89 = tpu.memref_slice %arg5[%add3A_83, %dma_start3A_88] : memref<20224x128xf32, #tpu.memory_space<hbm>> -> memref<120x128xf32, #tpu.memory_space<hbm>>
      %dma_start3A_90 = arith.constant 0 : i32
      %dma_start3A_91 = arith.constant 0 : i32
      %dma_start3A_92 = tpu.memref_slice %arg8[%dma_start3A_90, %dma_start3A_91] : memref<128x128xf32, #tpu.memory_space<vmem>> -> memref<120x128xf32, #tpu.memory_space<vmem>>
      tpu.enqueue_dma source(%dma_start3A_92 : memref<120x128xf32, #tpu.memory_space<vmem>>) target(%dma_start3A_89 : memref<120x128xf32, #tpu.memory_space<hbm>>) target_semaphore(%run_scoped3A : memref<!tpu.dma_semaphore, #tpu.memory_space<semaphore_mem>>)
      %dma_wait3A = arith.constant 0 : i32
      %dma_wait3A_93 = arith.constant 0 : i32
      %dma_wait3A_94 = tpu.memref_slice %arg8[%dma_wait3A, %dma_wait3A_93] : memref<128x128xf32, #tpu.memory_space<vmem>> -> memref<120x128xf32, #tpu.memory_space<vmem>>
      %dma_wait3A_95 = arith.constant 0 : i32
      %dma_wait3A_96 = tpu.memref_slice %arg5[%add3A_83, %dma_wait3A_95] : memref<20224x128xf32, #tpu.memory_space<hbm>> -> memref<120x128xf32, #tpu.memory_space<hbm>>
      %dma_wait3A_97 = arith.constant 0 : i32
      %dma_wait3A_98 = tpu.memref_slice %arg5[%add3A_83, %dma_wait3A_97] : memref<20224x128xf32, #tpu.memory_space<hbm>> -> memref<120x128xf32, #tpu.memory_space<hbm>>
      %dma_wait3A_99 = arith.constant 0 : i32
      %dma_wait3A_100 = arith.constant 0 : i32
      %dma_wait3A_101 = tpu.memref_slice %arg8[%dma_wait3A_99, %dma_wait3A_100] : memref<128x128xf32, #tpu.memory_space<vmem>> -> memref<120x128xf32, #tpu.memory_space<vmem>>
      tpu.wait_dma2 semaphore(%run_scoped3A : memref<!tpu.dma_semaphore, #tpu.memory_space<semaphore_mem>>) src(%dma_wait3A_101 : memref<120x128xf32, #tpu.memory_space<vmem>>) dst(%dma_wait3A_98 : memref<120x128xf32, #tpu.memory_space<hbm>>)
      tpu.yield
    }) : () -> ()
    return
  }
}

#map = affine_map<(d0, d1) -> (0, 0)>
#map1 = affine_map<(d0, d1) -> (0)>
module attributes {stable_mosaic.version = 14 : i64} {
  func.func @_sc_agg(%arg0: i32, %arg1: i32, %arg2: memref<10000x128xf32, #tpu.memory_space<hbm>>, %arg3: memref<327680xi32, #tpu.memory_space<hbm>>, %arg4: memref<327680xi32, #tpu.memory_space<hbm>>, %arg5: memref<128x128xf32, #tpu.memory_space<hbm>>, %arg6: memref<20224x128xf32, #tpu.memory_space<hbm>>, %arg7: memref<10112x128xf32, #tpu.memory_space<vmem_shared>>, %arg8: memref<128xi32, #tpu.memory_space<vmem>>, %arg9: memref<128xi32, #tpu.memory_space<vmem>>, %arg10: memref<128xi32, #tpu.memory_space<vmem>>, %arg11: memref<128xi32, #tpu.memory_space<vmem>>, %arg12: memref<128x128xf32, #tpu.memory_space<vmem>>, %arg13: memref<128x128xf32, #tpu.memory_space<vmem>>, %arg14: memref<!tpu.dma_semaphore, #tpu.memory_space<semaphore_mem>>, %arg15: memref<!tpu.dma_semaphore, #tpu.memory_space<semaphore_mem>>, %arg16: memref<!tpu.dma_semaphore, #tpu.memory_space<semaphore_mem>>, %arg17: memref<!tpu.dma_semaphore, #tpu.memory_space<semaphore_mem>>) attributes {dimension_semantics = [#tpu.dimension_semantics<core_parallel>, #tpu.dimension_semantics<subcore_parallel>], iteration_bounds = array<i64: 2, 16>, scalar_prefetch = 0 : i64, scratch_operands = 11 : i64, tpu.core_type = #tpu.core_type<sc_vector_subcore>, window_params = [{transform_indices = #map}, {transform_indices = #map1}, {transform_indices = #map1}, {transform_indices = #map}, {transform_indices = #map}]} {
    %mul3A = arith.constant 16 : i32
    %mul3A_0 = arith.muli %arg0, %mul3A : i32
    %add3A = arith.addi %mul3A_0, %arg1 : i32
    %mul3A_1 = arith.constant 10240 : i32
    %mul3A_2 = arith.muli %add3A, %mul3A_1 : i32
    "tpu.region"() ({
      %run_scoped3A = tpu.sem_alloc : memref<!tpu.dma_semaphore, #tpu.memory_space<semaphore_mem>>
      tpu.enqueue_dma source(%arg5 : memref<128x128xf32, #tpu.memory_space<hbm>>) target(%arg12 : memref<128x128xf32, #tpu.memory_space<vmem>>) target_semaphore(%run_scoped3A : memref<!tpu.dma_semaphore, #tpu.memory_space<semaphore_mem>>)
      tpu.wait_dma2 semaphore(%run_scoped3A : memref<!tpu.dma_semaphore, #tpu.memory_space<semaphore_mem>>) src(%arg5 : memref<128x128xf32, #tpu.memory_space<hbm>>) dst(%arg12 : memref<128x128xf32, #tpu.memory_space<vmem>>)
      tpu.yield
    }) : () -> ()
    %mul3A_3 = arith.constant 632 : i32
    %mul3A_4 = arith.muli %arg1, %mul3A_3 : i32
    %add3A_5 = arith.constant 0 : i32
    %add3A_6 = arith.addi %mul3A_4, %add3A_5 : i32
    "tpu.region"() ({
      %run_scoped3A = tpu.sem_alloc : memref<!tpu.dma_semaphore, #tpu.memory_space<semaphore_mem>>
      %dma_start3A_94 = arith.constant 0 : i32
      %dma_start3A_95 = arith.constant 0 : i32
      %dma_start3A_96 = tpu.memref_slice %arg12[%dma_start3A_94, %dma_start3A_95] : memref<128x128xf32, #tpu.memory_space<vmem>> -> memref<128x128xf32, #tpu.memory_space<vmem>>
      %dma_start3A_97 = arith.constant 0 : i32
      %dma_start3A_98 = tpu.memref_slice %arg7[%add3A_6, %dma_start3A_97] : memref<10112x128xf32, #tpu.memory_space<vmem_shared>> -> memref<128x128xf32, #tpu.memory_space<vmem_shared>>
      %dma_start3A_99 = arith.constant 0 : i32
      %dma_start3A_100 = tpu.memref_slice %arg7[%add3A_6, %dma_start3A_99] : memref<10112x128xf32, #tpu.memory_space<vmem_shared>> -> memref<128x128xf32, #tpu.memory_space<vmem_shared>>
      %dma_start3A_101 = arith.constant 0 : i32
      %dma_start3A_102 = arith.constant 0 : i32
      %dma_start3A_103 = tpu.memref_slice %arg12[%dma_start3A_101, %dma_start3A_102] : memref<128x128xf32, #tpu.memory_space<vmem>> -> memref<128x128xf32, #tpu.memory_space<vmem>>
      tpu.enqueue_dma source(%dma_start3A_103 : memref<128x128xf32, #tpu.memory_space<vmem>>) target(%dma_start3A_100 : memref<128x128xf32, #tpu.memory_space<vmem_shared>>) target_semaphore(%run_scoped3A : memref<!tpu.dma_semaphore, #tpu.memory_space<semaphore_mem>>)
      %dma_wait3A = arith.constant 0 : i32
      %dma_wait3A_104 = arith.constant 0 : i32
      %dma_wait3A_105 = tpu.memref_slice %arg12[%dma_wait3A, %dma_wait3A_104] : memref<128x128xf32, #tpu.memory_space<vmem>> -> memref<128x128xf32, #tpu.memory_space<vmem>>
      %dma_wait3A_106 = arith.constant 0 : i32
      %dma_wait3A_107 = tpu.memref_slice %arg7[%add3A_6, %dma_wait3A_106] : memref<10112x128xf32, #tpu.memory_space<vmem_shared>> -> memref<128x128xf32, #tpu.memory_space<vmem_shared>>
      %dma_wait3A_108 = arith.constant 0 : i32
      %dma_wait3A_109 = tpu.memref_slice %arg7[%add3A_6, %dma_wait3A_108] : memref<10112x128xf32, #tpu.memory_space<vmem_shared>> -> memref<128x128xf32, #tpu.memory_space<vmem_shared>>
      %dma_wait3A_110 = arith.constant 0 : i32
      %dma_wait3A_111 = arith.constant 0 : i32
      %dma_wait3A_112 = tpu.memref_slice %arg12[%dma_wait3A_110, %dma_wait3A_111] : memref<128x128xf32, #tpu.memory_space<vmem>> -> memref<128x128xf32, #tpu.memory_space<vmem>>
      tpu.wait_dma2 semaphore(%run_scoped3A : memref<!tpu.dma_semaphore, #tpu.memory_space<semaphore_mem>>) src(%dma_wait3A_112 : memref<128x128xf32, #tpu.memory_space<vmem>>) dst(%dma_wait3A_109 : memref<128x128xf32, #tpu.memory_space<vmem_shared>>)
      tpu.yield
    }) : () -> ()
    %mul3A_7 = arith.constant 632 : i32
    %mul3A_8 = arith.muli %arg1, %mul3A_7 : i32
    %add3A_9 = arith.constant 128 : i32
    %add3A_10 = arith.addi %mul3A_8, %add3A_9 : i32
    "tpu.region"() ({
      %run_scoped3A = tpu.sem_alloc : memref<!tpu.dma_semaphore, #tpu.memory_space<semaphore_mem>>
      %dma_start3A_94 = arith.constant 0 : i32
      %dma_start3A_95 = arith.constant 0 : i32
      %dma_start3A_96 = tpu.memref_slice %arg12[%dma_start3A_94, %dma_start3A_95] : memref<128x128xf32, #tpu.memory_space<vmem>> -> memref<128x128xf32, #tpu.memory_space<vmem>>
      %dma_start3A_97 = arith.constant 0 : i32
      %dma_start3A_98 = tpu.memref_slice %arg7[%add3A_10, %dma_start3A_97] : memref<10112x128xf32, #tpu.memory_space<vmem_shared>> -> memref<128x128xf32, #tpu.memory_space<vmem_shared>>
      %dma_start3A_99 = arith.constant 0 : i32
      %dma_start3A_100 = tpu.memref_slice %arg7[%add3A_10, %dma_start3A_99] : memref<10112x128xf32, #tpu.memory_space<vmem_shared>> -> memref<128x128xf32, #tpu.memory_space<vmem_shared>>
      %dma_start3A_101 = arith.constant 0 : i32
      %dma_start3A_102 = arith.constant 0 : i32
      %dma_start3A_103 = tpu.memref_slice %arg12[%dma_start3A_101, %dma_start3A_102] : memref<128x128xf32, #tpu.memory_space<vmem>> -> memref<128x128xf32, #tpu.memory_space<vmem>>
      tpu.enqueue_dma source(%dma_start3A_103 : memref<128x128xf32, #tpu.memory_space<vmem>>) target(%dma_start3A_100 : memref<128x128xf32, #tpu.memory_space<vmem_shared>>) target_semaphore(%run_scoped3A : memref<!tpu.dma_semaphore, #tpu.memory_space<semaphore_mem>>)
      %dma_wait3A = arith.constant 0 : i32
      %dma_wait3A_104 = arith.constant 0 : i32
      %dma_wait3A_105 = tpu.memref_slice %arg12[%dma_wait3A, %dma_wait3A_104] : memref<128x128xf32, #tpu.memory_space<vmem>> -> memref<128x128xf32, #tpu.memory_space<vmem>>
      %dma_wait3A_106 = arith.constant 0 : i32
      %dma_wait3A_107 = tpu.memref_slice %arg7[%add3A_10, %dma_wait3A_106] : memref<10112x128xf32, #tpu.memory_space<vmem_shared>> -> memref<128x128xf32, #tpu.memory_space<vmem_shared>>
      %dma_wait3A_108 = arith.constant 0 : i32
      %dma_wait3A_109 = tpu.memref_slice %arg7[%add3A_10, %dma_wait3A_108] : memref<10112x128xf32, #tpu.memory_space<vmem_shared>> -> memref<128x128xf32, #tpu.memory_space<vmem_shared>>
      %dma_wait3A_110 = arith.constant 0 : i32
      %dma_wait3A_111 = arith.constant 0 : i32
      %dma_wait3A_112 = tpu.memref_slice %arg12[%dma_wait3A_110, %dma_wait3A_111] : memref<128x128xf32, #tpu.memory_space<vmem>> -> memref<128x128xf32, #tpu.memory_space<vmem>>
      tpu.wait_dma2 semaphore(%run_scoped3A : memref<!tpu.dma_semaphore, #tpu.memory_space<semaphore_mem>>) src(%dma_wait3A_112 : memref<128x128xf32, #tpu.memory_space<vmem>>) dst(%dma_wait3A_109 : memref<128x128xf32, #tpu.memory_space<vmem_shared>>)
      tpu.yield
    }) : () -> ()
    %mul3A_11 = arith.constant 632 : i32
    %mul3A_12 = arith.muli %arg1, %mul3A_11 : i32
    %add3A_13 = arith.constant 256 : i32
    %add3A_14 = arith.addi %mul3A_12, %add3A_13 : i32
    "tpu.region"() ({
      %run_scoped3A = tpu.sem_alloc : memref<!tpu.dma_semaphore, #tpu.memory_space<semaphore_mem>>
      %dma_start3A_94 = arith.constant 0 : i32
      %dma_start3A_95 = arith.constant 0 : i32
      %dma_start3A_96 = tpu.memref_slice %arg12[%dma_start3A_94, %dma_start3A_95] : memref<128x128xf32, #tpu.memory_space<vmem>> -> memref<128x128xf32, #tpu.memory_space<vmem>>
      %dma_start3A_97 = arith.constant 0 : i32
      %dma_start3A_98 = tpu.memref_slice %arg7[%add3A_14, %dma_start3A_97] : memref<10112x128xf32, #tpu.memory_space<vmem_shared>> -> memref<128x128xf32, #tpu.memory_space<vmem_shared>>
      %dma_start3A_99 = arith.constant 0 : i32
      %dma_start3A_100 = tpu.memref_slice %arg7[%add3A_14, %dma_start3A_99] : memref<10112x128xf32, #tpu.memory_space<vmem_shared>> -> memref<128x128xf32, #tpu.memory_space<vmem_shared>>
      %dma_start3A_101 = arith.constant 0 : i32
      %dma_start3A_102 = arith.constant 0 : i32
      %dma_start3A_103 = tpu.memref_slice %arg12[%dma_start3A_101, %dma_start3A_102] : memref<128x128xf32, #tpu.memory_space<vmem>> -> memref<128x128xf32, #tpu.memory_space<vmem>>
      tpu.enqueue_dma source(%dma_start3A_103 : memref<128x128xf32, #tpu.memory_space<vmem>>) target(%dma_start3A_100 : memref<128x128xf32, #tpu.memory_space<vmem_shared>>) target_semaphore(%run_scoped3A : memref<!tpu.dma_semaphore, #tpu.memory_space<semaphore_mem>>)
      %dma_wait3A = arith.constant 0 : i32
      %dma_wait3A_104 = arith.constant 0 : i32
      %dma_wait3A_105 = tpu.memref_slice %arg12[%dma_wait3A, %dma_wait3A_104] : memref<128x128xf32, #tpu.memory_space<vmem>> -> memref<128x128xf32, #tpu.memory_space<vmem>>
      %dma_wait3A_106 = arith.constant 0 : i32
      %dma_wait3A_107 = tpu.memref_slice %arg7[%add3A_14, %dma_wait3A_106] : memref<10112x128xf32, #tpu.memory_space<vmem_shared>> -> memref<128x128xf32, #tpu.memory_space<vmem_shared>>
      %dma_wait3A_108 = arith.constant 0 : i32
      %dma_wait3A_109 = tpu.memref_slice %arg7[%add3A_14, %dma_wait3A_108] : memref<10112x128xf32, #tpu.memory_space<vmem_shared>> -> memref<128x128xf32, #tpu.memory_space<vmem_shared>>
      %dma_wait3A_110 = arith.constant 0 : i32
      %dma_wait3A_111 = arith.constant 0 : i32
      %dma_wait3A_112 = tpu.memref_slice %arg12[%dma_wait3A_110, %dma_wait3A_111] : memref<128x128xf32, #tpu.memory_space<vmem>> -> memref<128x128xf32, #tpu.memory_space<vmem>>
      tpu.wait_dma2 semaphore(%run_scoped3A : memref<!tpu.dma_semaphore, #tpu.memory_space<semaphore_mem>>) src(%dma_wait3A_112 : memref<128x128xf32, #tpu.memory_space<vmem>>) dst(%dma_wait3A_109 : memref<128x128xf32, #tpu.memory_space<vmem_shared>>)
      tpu.yield
    }) : () -> ()
    %mul3A_15 = arith.constant 632 : i32
    %mul3A_16 = arith.muli %arg1, %mul3A_15 : i32
    %add3A_17 = arith.constant 384 : i32
    %add3A_18 = arith.addi %mul3A_16, %add3A_17 : i32
    "tpu.region"() ({
      %run_scoped3A = tpu.sem_alloc : memref<!tpu.dma_semaphore, #tpu.memory_space<semaphore_mem>>
      %dma_start3A_94 = arith.constant 0 : i32
      %dma_start3A_95 = arith.constant 0 : i32
      %dma_start3A_96 = tpu.memref_slice %arg12[%dma_start3A_94, %dma_start3A_95] : memref<128x128xf32, #tpu.memory_space<vmem>> -> memref<128x128xf32, #tpu.memory_space<vmem>>
      %dma_start3A_97 = arith.constant 0 : i32
      %dma_start3A_98 = tpu.memref_slice %arg7[%add3A_18, %dma_start3A_97] : memref<10112x128xf32, #tpu.memory_space<vmem_shared>> -> memref<128x128xf32, #tpu.memory_space<vmem_shared>>
      %dma_start3A_99 = arith.constant 0 : i32
      %dma_start3A_100 = tpu.memref_slice %arg7[%add3A_18, %dma_start3A_99] : memref<10112x128xf32, #tpu.memory_space<vmem_shared>> -> memref<128x128xf32, #tpu.memory_space<vmem_shared>>
      %dma_start3A_101 = arith.constant 0 : i32
      %dma_start3A_102 = arith.constant 0 : i32
      %dma_start3A_103 = tpu.memref_slice %arg12[%dma_start3A_101, %dma_start3A_102] : memref<128x128xf32, #tpu.memory_space<vmem>> -> memref<128x128xf32, #tpu.memory_space<vmem>>
      tpu.enqueue_dma source(%dma_start3A_103 : memref<128x128xf32, #tpu.memory_space<vmem>>) target(%dma_start3A_100 : memref<128x128xf32, #tpu.memory_space<vmem_shared>>) target_semaphore(%run_scoped3A : memref<!tpu.dma_semaphore, #tpu.memory_space<semaphore_mem>>)
      %dma_wait3A = arith.constant 0 : i32
      %dma_wait3A_104 = arith.constant 0 : i32
      %dma_wait3A_105 = tpu.memref_slice %arg12[%dma_wait3A, %dma_wait3A_104] : memref<128x128xf32, #tpu.memory_space<vmem>> -> memref<128x128xf32, #tpu.memory_space<vmem>>
      %dma_wait3A_106 = arith.constant 0 : i32
      %dma_wait3A_107 = tpu.memref_slice %arg7[%add3A_18, %dma_wait3A_106] : memref<10112x128xf32, #tpu.memory_space<vmem_shared>> -> memref<128x128xf32, #tpu.memory_space<vmem_shared>>
      %dma_wait3A_108 = arith.constant 0 : i32
      %dma_wait3A_109 = tpu.memref_slice %arg7[%add3A_18, %dma_wait3A_108] : memref<10112x128xf32, #tpu.memory_space<vmem_shared>> -> memref<128x128xf32, #tpu.memory_space<vmem_shared>>
      %dma_wait3A_110 = arith.constant 0 : i32
      %dma_wait3A_111 = arith.constant 0 : i32
      %dma_wait3A_112 = tpu.memref_slice %arg12[%dma_wait3A_110, %dma_wait3A_111] : memref<128x128xf32, #tpu.memory_space<vmem>> -> memref<128x128xf32, #tpu.memory_space<vmem>>
      tpu.wait_dma2 semaphore(%run_scoped3A : memref<!tpu.dma_semaphore, #tpu.memory_space<semaphore_mem>>) src(%dma_wait3A_112 : memref<128x128xf32, #tpu.memory_space<vmem>>) dst(%dma_wait3A_109 : memref<128x128xf32, #tpu.memory_space<vmem_shared>>)
      tpu.yield
    }) : () -> ()
    %mul3A_19 = arith.constant 632 : i32
    %mul3A_20 = arith.muli %arg1, %mul3A_19 : i32
    %add3A_21 = arith.constant 512 : i32
    %add3A_22 = arith.addi %mul3A_20, %add3A_21 : i32
    "tpu.region"() ({
      %run_scoped3A = tpu.sem_alloc : memref<!tpu.dma_semaphore, #tpu.memory_space<semaphore_mem>>
      %dma_start3A_94 = arith.constant 0 : i32
      %dma_start3A_95 = arith.constant 0 : i32
      %dma_start3A_96 = tpu.memref_slice %arg12[%dma_start3A_94, %dma_start3A_95] : memref<128x128xf32, #tpu.memory_space<vmem>> -> memref<120x128xf32, #tpu.memory_space<vmem>>
      %dma_start3A_97 = arith.constant 0 : i32
      %dma_start3A_98 = tpu.memref_slice %arg7[%add3A_22, %dma_start3A_97] : memref<10112x128xf32, #tpu.memory_space<vmem_shared>> -> memref<120x128xf32, #tpu.memory_space<vmem_shared>>
      %dma_start3A_99 = arith.constant 0 : i32
      %dma_start3A_100 = tpu.memref_slice %arg7[%add3A_22, %dma_start3A_99] : memref<10112x128xf32, #tpu.memory_space<vmem_shared>> -> memref<120x128xf32, #tpu.memory_space<vmem_shared>>
      %dma_start3A_101 = arith.constant 0 : i32
      %dma_start3A_102 = arith.constant 0 : i32
      %dma_start3A_103 = tpu.memref_slice %arg12[%dma_start3A_101, %dma_start3A_102] : memref<128x128xf32, #tpu.memory_space<vmem>> -> memref<120x128xf32, #tpu.memory_space<vmem>>
      tpu.enqueue_dma source(%dma_start3A_103 : memref<120x128xf32, #tpu.memory_space<vmem>>) target(%dma_start3A_100 : memref<120x128xf32, #tpu.memory_space<vmem_shared>>) target_semaphore(%run_scoped3A : memref<!tpu.dma_semaphore, #tpu.memory_space<semaphore_mem>>)
      %dma_wait3A = arith.constant 0 : i32
      %dma_wait3A_104 = arith.constant 0 : i32
      %dma_wait3A_105 = tpu.memref_slice %arg12[%dma_wait3A, %dma_wait3A_104] : memref<128x128xf32, #tpu.memory_space<vmem>> -> memref<120x128xf32, #tpu.memory_space<vmem>>
      %dma_wait3A_106 = arith.constant 0 : i32
      %dma_wait3A_107 = tpu.memref_slice %arg7[%add3A_22, %dma_wait3A_106] : memref<10112x128xf32, #tpu.memory_space<vmem_shared>> -> memref<120x128xf32, #tpu.memory_space<vmem_shared>>
      %dma_wait3A_108 = arith.constant 0 : i32
      %dma_wait3A_109 = tpu.memref_slice %arg7[%add3A_22, %dma_wait3A_108] : memref<10112x128xf32, #tpu.memory_space<vmem_shared>> -> memref<120x128xf32, #tpu.memory_space<vmem_shared>>
      %dma_wait3A_110 = arith.constant 0 : i32
      %dma_wait3A_111 = arith.constant 0 : i32
      %dma_wait3A_112 = tpu.memref_slice %arg12[%dma_wait3A_110, %dma_wait3A_111] : memref<128x128xf32, #tpu.memory_space<vmem>> -> memref<120x128xf32, #tpu.memory_space<vmem>>
      tpu.wait_dma2 semaphore(%run_scoped3A : memref<!tpu.dma_semaphore, #tpu.memory_space<semaphore_mem>>) src(%dma_wait3A_112 : memref<120x128xf32, #tpu.memory_space<vmem>>) dst(%dma_wait3A_109 : memref<120x128xf32, #tpu.memory_space<vmem_shared>>)
      tpu.yield
    }) : () -> ()
    %barrier3A = arith.constant 0 : index
    tpu.barrier barrier_id(%barrier3A)
    "tpu.region"() ({
      %run_scoped3A = tpu.sem_alloc : memref<!tpu.dma_semaphore, #tpu.memory_space<semaphore_mem>>
      %dma_start3A_94 = tpu.memref_slice %arg3[%mul3A_2] : memref<327680xi32, #tpu.memory_space<hbm>> -> memref<128xi32, #tpu.memory_space<hbm>>
      %dma_start3A_95 = tpu.memref_slice %arg3[%mul3A_2] : memref<327680xi32, #tpu.memory_space<hbm>> -> memref<128xi32, #tpu.memory_space<hbm>>
      tpu.enqueue_dma source(%dma_start3A_95 : memref<128xi32, #tpu.memory_space<hbm>>) target(%arg8 : memref<128xi32, #tpu.memory_space<vmem>>) target_semaphore(%run_scoped3A : memref<!tpu.dma_semaphore, #tpu.memory_space<semaphore_mem>>)
      %dma_wait3A = tpu.memref_slice %arg3[%mul3A_2] : memref<327680xi32, #tpu.memory_space<hbm>> -> memref<128xi32, #tpu.memory_space<hbm>>
      %dma_wait3A_96 = tpu.memref_slice %arg3[%mul3A_2] : memref<327680xi32, #tpu.memory_space<hbm>> -> memref<128xi32, #tpu.memory_space<hbm>>
      tpu.wait_dma2 semaphore(%run_scoped3A : memref<!tpu.dma_semaphore, #tpu.memory_space<semaphore_mem>>) src(%dma_wait3A_96 : memref<128xi32, #tpu.memory_space<hbm>>) dst(%arg8 : memref<128xi32, #tpu.memory_space<vmem>>)
      tpu.yield
    }) : () -> ()
    "tpu.region"() ({
      %run_scoped3A = tpu.sem_alloc : memref<!tpu.dma_semaphore, #tpu.memory_space<semaphore_mem>>
      %dma_start3A_94 = tpu.memref_slice %arg4[%mul3A_2] : memref<327680xi32, #tpu.memory_space<hbm>> -> memref<128xi32, #tpu.memory_space<hbm>>
      %dma_start3A_95 = tpu.memref_slice %arg4[%mul3A_2] : memref<327680xi32, #tpu.memory_space<hbm>> -> memref<128xi32, #tpu.memory_space<hbm>>
      tpu.enqueue_dma source(%dma_start3A_95 : memref<128xi32, #tpu.memory_space<hbm>>) target(%arg10 : memref<128xi32, #tpu.memory_space<vmem>>) target_semaphore(%run_scoped3A : memref<!tpu.dma_semaphore, #tpu.memory_space<semaphore_mem>>)
      %dma_wait3A = tpu.memref_slice %arg4[%mul3A_2] : memref<327680xi32, #tpu.memory_space<hbm>> -> memref<128xi32, #tpu.memory_space<hbm>>
      %dma_wait3A_96 = tpu.memref_slice %arg4[%mul3A_2] : memref<327680xi32, #tpu.memory_space<hbm>> -> memref<128xi32, #tpu.memory_space<hbm>>
      tpu.wait_dma2 semaphore(%run_scoped3A : memref<!tpu.dma_semaphore, #tpu.memory_space<semaphore_mem>>) src(%dma_wait3A_96 : memref<128xi32, #tpu.memory_space<hbm>>) dst(%arg10 : memref<128xi32, #tpu.memory_space<vmem>>)
      tpu.yield
    }) : () -> ()
    %dma_start3A = arith.constant 0 : i32
    %dma_start3A_23 = arith.constant 0 : i32
    %dma_start3A_24 = tpu.memref_slice %arg2[%dma_start3A, %dma_start3A_23] : memref<10000x128xf32, #tpu.memory_space<hbm>> -> memref<10000x128xf32, #tpu.memory_space<hbm>>
    tpu.enqueue_indirect_dma source(%dma_start3A_24 : memref<10000x128xf32, #tpu.memory_space<hbm>>) target(%arg12 : memref<128x128xf32, #tpu.memory_space<vmem>>) offsets(%arg8 : memref<128xi32, #tpu.memory_space<vmem>>) semaphore(%arg14 : memref<!tpu.dma_semaphore, #tpu.memory_space<semaphore_mem>>)
    %add3A_25 = arith.constant 128 : i32
    %add3A_26 = arith.addi %mul3A_2, %add3A_25 : i32
    %dma_start3A_27 = tpu.memref_slice %arg3[%add3A_26] : memref<327680xi32, #tpu.memory_space<hbm>> -> memref<128xi32, #tpu.memory_space<hbm>>
    %dma_start3A_28 = tpu.memref_slice %arg3[%add3A_26] : memref<327680xi32, #tpu.memory_space<hbm>> -> memref<128xi32, #tpu.memory_space<hbm>>
    tpu.enqueue_dma source(%dma_start3A_28 : memref<128xi32, #tpu.memory_space<hbm>>) target(%arg9 : memref<128xi32, #tpu.memory_space<vmem>>) target_semaphore(%arg17 : memref<!tpu.dma_semaphore, #tpu.memory_space<semaphore_mem>>)
    %add3A_29 = arith.constant 128 : i32
    %add3A_30 = arith.addi %mul3A_2, %add3A_29 : i32
    %dma_start3A_31 = tpu.memref_slice %arg4[%add3A_30] : memref<327680xi32, #tpu.memory_space<hbm>> -> memref<128xi32, #tpu.memory_space<hbm>>
    %dma_start3A_32 = tpu.memref_slice %arg4[%add3A_30] : memref<327680xi32, #tpu.memory_space<hbm>> -> memref<128xi32, #tpu.memory_space<hbm>>
    tpu.enqueue_dma source(%dma_start3A_32 : memref<128xi32, #tpu.memory_space<hbm>>) target(%arg11 : memref<128xi32, #tpu.memory_space<vmem>>) target_semaphore(%arg17 : memref<!tpu.dma_semaphore, #tpu.memory_space<semaphore_mem>>)
    %scan3A = arith.constant 0 : i32
    %scan3A_33 = arith.constant 0 : i32
    %scan3A_34 = arith.constant 40 : i32
    %scan3A_35 = arith.addi %scan3A_33, %scan3A_34 : i32
    %scan3A_36 = arith.constant 1 : i32
    scf.for %scan3A_94 = %scan3A_33 to %scan3A_35 step %scan3A_36  : i32 {
      %mul3A_95 = arith.constant 2 : i32
      %mul3A_96 = arith.muli %scan3A_94, %mul3A_95 : i32
      %add3A_97 = arith.constant 1 : i32
      %add3A_98 = arith.addi %mul3A_96, %add3A_97 : i32
      %mul3A_99 = arith.constant 128 : i32
      %mul3A_100 = arith.muli %add3A_98, %mul3A_99 : i32
      %add3A_101 = arith.addi %mul3A_2, %mul3A_100 : i32
      %dma_wait3A = tpu.memref_slice %arg3[%add3A_101] : memref<327680xi32, #tpu.memory_space<hbm>> -> memref<128xi32, #tpu.memory_space<hbm>>
      %dma_wait3A_102 = tpu.memref_slice %arg3[%add3A_101] : memref<327680xi32, #tpu.memory_space<hbm>> -> memref<128xi32, #tpu.memory_space<hbm>>
      tpu.wait_dma2 semaphore(%arg17 : memref<!tpu.dma_semaphore, #tpu.memory_space<semaphore_mem>>) src(%dma_wait3A_102 : memref<128xi32, #tpu.memory_space<hbm>>) dst(%arg9 : memref<128xi32, #tpu.memory_space<vmem>>)
      %mul3A_103 = arith.constant 128 : i32
      %mul3A_104 = arith.muli %add3A_98, %mul3A_103 : i32
      %add3A_105 = arith.addi %mul3A_2, %mul3A_104 : i32
      %dma_wait3A_106 = tpu.memref_slice %arg4[%add3A_105] : memref<327680xi32, #tpu.memory_space<hbm>> -> memref<128xi32, #tpu.memory_space<hbm>>
      %dma_wait3A_107 = tpu.memref_slice %arg4[%add3A_105] : memref<327680xi32, #tpu.memory_space<hbm>> -> memref<128xi32, #tpu.memory_space<hbm>>
      tpu.wait_dma2 semaphore(%arg17 : memref<!tpu.dma_semaphore, #tpu.memory_space<semaphore_mem>>) src(%dma_wait3A_107 : memref<128xi32, #tpu.memory_space<hbm>>) dst(%arg11 : memref<128xi32, #tpu.memory_space<vmem>>)
      %dma_start3A_108 = arith.constant 0 : i32
      %dma_start3A_109 = arith.constant 0 : i32
      %dma_start3A_110 = tpu.memref_slice %arg2[%dma_start3A_108, %dma_start3A_109] : memref<10000x128xf32, #tpu.memory_space<hbm>> -> memref<10000x128xf32, #tpu.memory_space<hbm>>
      tpu.enqueue_indirect_dma source(%dma_start3A_110 : memref<10000x128xf32, #tpu.memory_space<hbm>>) target(%arg13 : memref<128x128xf32, #tpu.memory_space<vmem>>) offsets(%arg9 : memref<128xi32, #tpu.memory_space<vmem>>) semaphore(%arg15 : memref<!tpu.dma_semaphore, #tpu.memory_space<semaphore_mem>>)
      %dma_wait3A_111 = arith.constant 0 : i32
      %dma_wait3A_112 = arith.constant 0 : i32
      %dma_wait3A_113 = tpu.memref_slice %arg2[%dma_wait3A_111, %dma_wait3A_112] : memref<10000x128xf32, #tpu.memory_space<hbm>> -> memref<10000x128xf32, #tpu.memory_space<hbm>>
      tpu.wait_indirect_dma semaphore(%arg14 : memref<!tpu.dma_semaphore, #tpu.memory_space<semaphore_mem>>) src(%dma_wait3A_113 : memref<10000x128xf32, #tpu.memory_space<hbm>>) dst(%arg12 : memref<128x128xf32, #tpu.memory_space<vmem>>)
      "tpu.region"() ({
        %run_scoped3A = tpu.sem_alloc : memref<!tpu.dma_semaphore, #tpu.memory_space<semaphore_mem>>
        %dma_start3A_135 = arith.constant 0 : i32
        %dma_start3A_136 = arith.constant 0 : i32
        %dma_start3A_137 = tpu.memref_slice %arg7[%dma_start3A_135, %dma_start3A_136] : memref<10112x128xf32, #tpu.memory_space<vmem_shared>> -> memref<10112x128xf32, #tpu.memory_space<vmem_shared>>
        tpu.enqueue_indirect_dma source(%arg12 : memref<128x128xf32, #tpu.memory_space<vmem>>) target(%dma_start3A_137 : memref<10112x128xf32, #tpu.memory_space<vmem_shared>>) offsets(%arg10 : memref<128xi32, #tpu.memory_space<vmem>>) semaphore(%run_scoped3A : memref<!tpu.dma_semaphore, #tpu.memory_space<semaphore_mem>>) {add = true}
        %dma_wait3A_138 = arith.constant 0 : i32
        %dma_wait3A_139 = arith.constant 0 : i32
        %dma_wait3A_140 = tpu.memref_slice %arg7[%dma_wait3A_138, %dma_wait3A_139] : memref<10112x128xf32, #tpu.memory_space<vmem_shared>> -> memref<10112x128xf32, #tpu.memory_space<vmem_shared>>
        tpu.wait_indirect_dma semaphore(%run_scoped3A : memref<!tpu.dma_semaphore, #tpu.memory_space<semaphore_mem>>) src(%arg12 : memref<128x128xf32, #tpu.memory_space<vmem>>) dst(%dma_wait3A_140 : memref<10112x128xf32, #tpu.memory_space<vmem_shared>>)
        tpu.yield
      }) : () -> ()
      %add3A_114 = arith.constant 2 : i32
      %add3A_115 = arith.addi %mul3A_96, %add3A_114 : i32
      %lt3A = arith.constant 80 : i32
      %lt3A_116 = arith.cmpi slt, %add3A_115, %lt3A : i32
      %convert_element_type3A = arith.extui %lt3A_116 : i1 to i32
      %cond3A = arith.constant 0 : i32
      %cond3A_117 = arith.cmpi ne, %convert_element_type3A, %cond3A : i32
      scf.if %cond3A_117 {
        %add3A_135 = arith.constant 2 : i32
        %add3A_136 = arith.addi %mul3A_96, %add3A_135 : i32
        %mul3A_137 = arith.constant 128 : i32
        %mul3A_138 = arith.muli %add3A_136, %mul3A_137 : i32
        %add3A_139 = arith.addi %mul3A_2, %mul3A_138 : i32
        %dma_start3A_140 = tpu.memref_slice %arg3[%add3A_139] : memref<327680xi32, #tpu.memory_space<hbm>> -> memref<128xi32, #tpu.memory_space<hbm>>
        %dma_start3A_141 = tpu.memref_slice %arg3[%add3A_139] : memref<327680xi32, #tpu.memory_space<hbm>> -> memref<128xi32, #tpu.memory_space<hbm>>
        tpu.enqueue_dma source(%dma_start3A_141 : memref<128xi32, #tpu.memory_space<hbm>>) target(%arg8 : memref<128xi32, #tpu.memory_space<vmem>>) target_semaphore(%arg16 : memref<!tpu.dma_semaphore, #tpu.memory_space<semaphore_mem>>)
        %mul3A_142 = arith.constant 128 : i32
        %mul3A_143 = arith.muli %add3A_136, %mul3A_142 : i32
        %add3A_144 = arith.addi %mul3A_2, %mul3A_143 : i32
        %dma_start3A_145 = tpu.memref_slice %arg4[%add3A_144] : memref<327680xi32, #tpu.memory_space<hbm>> -> memref<128xi32, #tpu.memory_space<hbm>>
        %dma_start3A_146 = tpu.memref_slice %arg4[%add3A_144] : memref<327680xi32, #tpu.memory_space<hbm>> -> memref<128xi32, #tpu.memory_space<hbm>>
        tpu.enqueue_dma source(%dma_start3A_146 : memref<128xi32, #tpu.memory_space<hbm>>) target(%arg10 : memref<128xi32, #tpu.memory_space<vmem>>) target_semaphore(%arg16 : memref<!tpu.dma_semaphore, #tpu.memory_space<semaphore_mem>>)
      } else {
      }
      %dma_wait3A_118 = arith.constant 0 : i32
      %dma_wait3A_119 = arith.constant 0 : i32
      %dma_wait3A_120 = tpu.memref_slice %arg2[%dma_wait3A_118, %dma_wait3A_119] : memref<10000x128xf32, #tpu.memory_space<hbm>> -> memref<10000x128xf32, #tpu.memory_space<hbm>>
      tpu.wait_indirect_dma semaphore(%arg15 : memref<!tpu.dma_semaphore, #tpu.memory_space<semaphore_mem>>) src(%dma_wait3A_120 : memref<10000x128xf32, #tpu.memory_space<hbm>>) dst(%arg13 : memref<128x128xf32, #tpu.memory_space<vmem>>)
      "tpu.region"() ({
        %run_scoped3A = tpu.sem_alloc : memref<!tpu.dma_semaphore, #tpu.memory_space<semaphore_mem>>
        %dma_start3A_135 = arith.constant 0 : i32
        %dma_start3A_136 = arith.constant 0 : i32
        %dma_start3A_137 = tpu.memref_slice %arg7[%dma_start3A_135, %dma_start3A_136] : memref<10112x128xf32, #tpu.memory_space<vmem_shared>> -> memref<10112x128xf32, #tpu.memory_space<vmem_shared>>
        tpu.enqueue_indirect_dma source(%arg13 : memref<128x128xf32, #tpu.memory_space<vmem>>) target(%dma_start3A_137 : memref<10112x128xf32, #tpu.memory_space<vmem_shared>>) offsets(%arg11 : memref<128xi32, #tpu.memory_space<vmem>>) semaphore(%run_scoped3A : memref<!tpu.dma_semaphore, #tpu.memory_space<semaphore_mem>>) {add = true}
        %dma_wait3A_138 = arith.constant 0 : i32
        %dma_wait3A_139 = arith.constant 0 : i32
        %dma_wait3A_140 = tpu.memref_slice %arg7[%dma_wait3A_138, %dma_wait3A_139] : memref<10112x128xf32, #tpu.memory_space<vmem_shared>> -> memref<10112x128xf32, #tpu.memory_space<vmem_shared>>
        tpu.wait_indirect_dma semaphore(%run_scoped3A : memref<!tpu.dma_semaphore, #tpu.memory_space<semaphore_mem>>) src(%arg13 : memref<128x128xf32, #tpu.memory_space<vmem>>) dst(%dma_wait3A_140 : memref<10112x128xf32, #tpu.memory_space<vmem_shared>>)
        tpu.yield
      }) : () -> ()
      %add3A_121 = arith.constant 3 : i32
      %add3A_122 = arith.addi %mul3A_96, %add3A_121 : i32
      %lt3A_123 = arith.constant 80 : i32
      %lt3A_124 = arith.cmpi slt, %add3A_122, %lt3A_123 : i32
      %convert_element_type3A_125 = arith.extui %lt3A_124 : i1 to i32
      %cond3A_126 = arith.constant 0 : i32
      %cond3A_127 = arith.cmpi ne, %convert_element_type3A_125, %cond3A_126 : i32
      scf.if %cond3A_127 {
        %add3A_135 = arith.constant 3 : i32
        %add3A_136 = arith.addi %mul3A_96, %add3A_135 : i32
        %mul3A_137 = arith.constant 128 : i32
        %mul3A_138 = arith.muli %add3A_136, %mul3A_137 : i32
        %add3A_139 = arith.addi %mul3A_2, %mul3A_138 : i32
        %dma_start3A_140 = tpu.memref_slice %arg3[%add3A_139] : memref<327680xi32, #tpu.memory_space<hbm>> -> memref<128xi32, #tpu.memory_space<hbm>>
        %dma_start3A_141 = tpu.memref_slice %arg3[%add3A_139] : memref<327680xi32, #tpu.memory_space<hbm>> -> memref<128xi32, #tpu.memory_space<hbm>>
        tpu.enqueue_dma source(%dma_start3A_141 : memref<128xi32, #tpu.memory_space<hbm>>) target(%arg9 : memref<128xi32, #tpu.memory_space<vmem>>) target_semaphore(%arg17 : memref<!tpu.dma_semaphore, #tpu.memory_space<semaphore_mem>>)
        %mul3A_142 = arith.constant 128 : i32
        %mul3A_143 = arith.muli %add3A_136, %mul3A_142 : i32
        %add3A_144 = arith.addi %mul3A_2, %mul3A_143 : i32
        %dma_start3A_145 = tpu.memref_slice %arg4[%add3A_144] : memref<327680xi32, #tpu.memory_space<hbm>> -> memref<128xi32, #tpu.memory_space<hbm>>
        %dma_start3A_146 = tpu.memref_slice %arg4[%add3A_144] : memref<327680xi32, #tpu.memory_space<hbm>> -> memref<128xi32, #tpu.memory_space<hbm>>
        tpu.enqueue_dma source(%dma_start3A_146 : memref<128xi32, #tpu.memory_space<hbm>>) target(%arg11 : memref<128xi32, #tpu.memory_space<vmem>>) target_semaphore(%arg17 : memref<!tpu.dma_semaphore, #tpu.memory_space<semaphore_mem>>)
      } else {
      }
      %add3A_128 = arith.constant 2 : i32
      %add3A_129 = arith.addi %mul3A_96, %add3A_128 : i32
      %lt3A_130 = arith.constant 80 : i32
      %lt3A_131 = arith.cmpi slt, %add3A_129, %lt3A_130 : i32
      %convert_element_type3A_132 = arith.extui %lt3A_131 : i1 to i32
      %cond3A_133 = arith.constant 0 : i32
      %cond3A_134 = arith.cmpi ne, %convert_element_type3A_132, %cond3A_133 : i32
      scf.if %cond3A_134 {
        %add3A_135 = arith.constant 2 : i32
        %add3A_136 = arith.addi %mul3A_96, %add3A_135 : i32
        %mul3A_137 = arith.constant 128 : i32
        %mul3A_138 = arith.muli %add3A_136, %mul3A_137 : i32
        %add3A_139 = arith.addi %mul3A_2, %mul3A_138 : i32
        %dma_wait3A_140 = tpu.memref_slice %arg3[%add3A_139] : memref<327680xi32, #tpu.memory_space<hbm>> -> memref<128xi32, #tpu.memory_space<hbm>>
        %dma_wait3A_141 = tpu.memref_slice %arg3[%add3A_139] : memref<327680xi32, #tpu.memory_space<hbm>> -> memref<128xi32, #tpu.memory_space<hbm>>
        tpu.wait_dma2 semaphore(%arg16 : memref<!tpu.dma_semaphore, #tpu.memory_space<semaphore_mem>>) src(%dma_wait3A_141 : memref<128xi32, #tpu.memory_space<hbm>>) dst(%arg8 : memref<128xi32, #tpu.memory_space<vmem>>)
        %mul3A_142 = arith.constant 128 : i32
        %mul3A_143 = arith.muli %add3A_136, %mul3A_142 : i32
        %add3A_144 = arith.addi %mul3A_2, %mul3A_143 : i32
        %dma_wait3A_145 = tpu.memref_slice %arg4[%add3A_144] : memref<327680xi32, #tpu.memory_space<hbm>> -> memref<128xi32, #tpu.memory_space<hbm>>
        %dma_wait3A_146 = tpu.memref_slice %arg4[%add3A_144] : memref<327680xi32, #tpu.memory_space<hbm>> -> memref<128xi32, #tpu.memory_space<hbm>>
        tpu.wait_dma2 semaphore(%arg16 : memref<!tpu.dma_semaphore, #tpu.memory_space<semaphore_mem>>) src(%dma_wait3A_146 : memref<128xi32, #tpu.memory_space<hbm>>) dst(%arg10 : memref<128xi32, #tpu.memory_space<vmem>>)
        %dma_start3A_147 = arith.constant 0 : i32
        %dma_start3A_148 = arith.constant 0 : i32
        %dma_start3A_149 = tpu.memref_slice %arg2[%dma_start3A_147, %dma_start3A_148] : memref<10000x128xf32, #tpu.memory_space<hbm>> -> memref<10000x128xf32, #tpu.memory_space<hbm>>
        tpu.enqueue_indirect_dma source(%dma_start3A_149 : memref<10000x128xf32, #tpu.memory_space<hbm>>) target(%arg12 : memref<128x128xf32, #tpu.memory_space<vmem>>) offsets(%arg8 : memref<128xi32, #tpu.memory_space<vmem>>) semaphore(%arg14 : memref<!tpu.dma_semaphore, #tpu.memory_space<semaphore_mem>>)
      } else {
      }
    }
    %scan3A_37 = arith.constant 40 : i32
    %barrier3A_38 = arith.constant 0 : index
    tpu.barrier barrier_id(%barrier3A_38)
    %mul3A_39 = arith.constant 632 : i32
    %mul3A_40 = arith.muli %arg1, %mul3A_39 : i32
    %add3A_41 = arith.constant 0 : i32
    %add3A_42 = arith.addi %mul3A_40, %add3A_41 : i32
    "tpu.region"() ({
      %run_scoped3A = tpu.sem_alloc : memref<!tpu.dma_semaphore, #tpu.memory_space<semaphore_mem>>
      %dma_start3A_94 = arith.constant 0 : i32
      %dma_start3A_95 = arith.constant 0 : i32
      %dma_start3A_96 = tpu.memref_slice %arg12[%dma_start3A_94, %dma_start3A_95] : memref<128x128xf32, #tpu.memory_space<vmem>> -> memref<128x128xf32, #tpu.memory_space<vmem>>
      %dma_start3A_97 = arith.constant 0 : i32
      %dma_start3A_98 = tpu.memref_slice %arg7[%add3A_42, %dma_start3A_97] : memref<10112x128xf32, #tpu.memory_space<vmem_shared>> -> memref<128x128xf32, #tpu.memory_space<vmem_shared>>
      %dma_start3A_99 = arith.constant 0 : i32
      %dma_start3A_100 = arith.constant 0 : i32
      %dma_start3A_101 = tpu.memref_slice %arg12[%dma_start3A_99, %dma_start3A_100] : memref<128x128xf32, #tpu.memory_space<vmem>> -> memref<128x128xf32, #tpu.memory_space<vmem>>
      %dma_start3A_102 = arith.constant 0 : i32
      %dma_start3A_103 = tpu.memref_slice %arg7[%add3A_42, %dma_start3A_102] : memref<10112x128xf32, #tpu.memory_space<vmem_shared>> -> memref<128x128xf32, #tpu.memory_space<vmem_shared>>
      tpu.enqueue_dma source(%dma_start3A_103 : memref<128x128xf32, #tpu.memory_space<vmem_shared>>) target(%dma_start3A_101 : memref<128x128xf32, #tpu.memory_space<vmem>>) target_semaphore(%run_scoped3A : memref<!tpu.dma_semaphore, #tpu.memory_space<semaphore_mem>>)
      %dma_wait3A = arith.constant 0 : i32
      %dma_wait3A_104 = arith.constant 0 : i32
      %dma_wait3A_105 = tpu.memref_slice %arg12[%dma_wait3A, %dma_wait3A_104] : memref<128x128xf32, #tpu.memory_space<vmem>> -> memref<128x128xf32, #tpu.memory_space<vmem>>
      %dma_wait3A_106 = arith.constant 0 : i32
      %dma_wait3A_107 = tpu.memref_slice %arg7[%add3A_42, %dma_wait3A_106] : memref<10112x128xf32, #tpu.memory_space<vmem_shared>> -> memref<128x128xf32, #tpu.memory_space<vmem_shared>>
      %dma_wait3A_108 = arith.constant 0 : i32
      %dma_wait3A_109 = arith.constant 0 : i32
      %dma_wait3A_110 = tpu.memref_slice %arg12[%dma_wait3A_108, %dma_wait3A_109] : memref<128x128xf32, #tpu.memory_space<vmem>> -> memref<128x128xf32, #tpu.memory_space<vmem>>
      %dma_wait3A_111 = arith.constant 0 : i32
      %dma_wait3A_112 = tpu.memref_slice %arg7[%add3A_42, %dma_wait3A_111] : memref<10112x128xf32, #tpu.memory_space<vmem_shared>> -> memref<128x128xf32, #tpu.memory_space<vmem_shared>>
      tpu.wait_dma2 semaphore(%run_scoped3A : memref<!tpu.dma_semaphore, #tpu.memory_space<semaphore_mem>>) src(%dma_wait3A_112 : memref<128x128xf32, #tpu.memory_space<vmem_shared>>) dst(%dma_wait3A_110 : memref<128x128xf32, #tpu.memory_space<vmem>>)
      tpu.yield
    }) : () -> ()
    %mul3A_43 = arith.constant 10112 : i32
    %mul3A_44 = arith.muli %arg0, %mul3A_43 : i32
    %mul3A_45 = arith.constant 632 : i32
    %mul3A_46 = arith.muli %arg1, %mul3A_45 : i32
    %add3A_47 = arith.addi %mul3A_44, %mul3A_46 : i32
    %add3A_48 = arith.constant 0 : i32
    %add3A_49 = arith.addi %add3A_47, %add3A_48 : i32
    "tpu.region"() ({
      %run_scoped3A = tpu.sem_alloc : memref<!tpu.dma_semaphore, #tpu.memory_space<semaphore_mem>>
      %dma_start3A_94 = arith.constant 0 : i32
      %dma_start3A_95 = arith.constant 0 : i32
      %dma_start3A_96 = tpu.memref_slice %arg12[%dma_start3A_94, %dma_start3A_95] : memref<128x128xf32, #tpu.memory_space<vmem>> -> memref<128x128xf32, #tpu.memory_space<vmem>>
      %dma_start3A_97 = arith.constant 0 : i32
      %dma_start3A_98 = tpu.memref_slice %arg6[%add3A_49, %dma_start3A_97] : memref<20224x128xf32, #tpu.memory_space<hbm>> -> memref<128x128xf32, #tpu.memory_space<hbm>>
      %dma_start3A_99 = arith.constant 0 : i32
      %dma_start3A_100 = tpu.memref_slice %arg6[%add3A_49, %dma_start3A_99] : memref<20224x128xf32, #tpu.memory_space<hbm>> -> memref<128x128xf32, #tpu.memory_space<hbm>>
      %dma_start3A_101 = arith.constant 0 : i32
      %dma_start3A_102 = arith.constant 0 : i32
      %dma_start3A_103 = tpu.memref_slice %arg12[%dma_start3A_101, %dma_start3A_102] : memref<128x128xf32, #tpu.memory_space<vmem>> -> memref<128x128xf32, #tpu.memory_space<vmem>>
      tpu.enqueue_dma source(%dma_start3A_103 : memref<128x128xf32, #tpu.memory_space<vmem>>) target(%dma_start3A_100 : memref<128x128xf32, #tpu.memory_space<hbm>>) target_semaphore(%run_scoped3A : memref<!tpu.dma_semaphore, #tpu.memory_space<semaphore_mem>>)
      %dma_wait3A = arith.constant 0 : i32
      %dma_wait3A_104 = arith.constant 0 : i32
      %dma_wait3A_105 = tpu.memref_slice %arg12[%dma_wait3A, %dma_wait3A_104] : memref<128x128xf32, #tpu.memory_space<vmem>> -> memref<128x128xf32, #tpu.memory_space<vmem>>
      %dma_wait3A_106 = arith.constant 0 : i32
      %dma_wait3A_107 = tpu.memref_slice %arg6[%add3A_49, %dma_wait3A_106] : memref<20224x128xf32, #tpu.memory_space<hbm>> -> memref<128x128xf32, #tpu.memory_space<hbm>>
      %dma_wait3A_108 = arith.constant 0 : i32
      %dma_wait3A_109 = tpu.memref_slice %arg6[%add3A_49, %dma_wait3A_108] : memref<20224x128xf32, #tpu.memory_space<hbm>> -> memref<128x128xf32, #tpu.memory_space<hbm>>
      %dma_wait3A_110 = arith.constant 0 : i32
      %dma_wait3A_111 = arith.constant 0 : i32
      %dma_wait3A_112 = tpu.memref_slice %arg12[%dma_wait3A_110, %dma_wait3A_111] : memref<128x128xf32, #tpu.memory_space<vmem>> -> memref<128x128xf32, #tpu.memory_space<vmem>>
      tpu.wait_dma2 semaphore(%run_scoped3A : memref<!tpu.dma_semaphore, #tpu.memory_space<semaphore_mem>>) src(%dma_wait3A_112 : memref<128x128xf32, #tpu.memory_space<vmem>>) dst(%dma_wait3A_109 : memref<128x128xf32, #tpu.memory_space<hbm>>)
      tpu.yield
    }) : () -> ()
    %mul3A_50 = arith.constant 632 : i32
    %mul3A_51 = arith.muli %arg1, %mul3A_50 : i32
    %add3A_52 = arith.constant 128 : i32
    %add3A_53 = arith.addi %mul3A_51, %add3A_52 : i32
    "tpu.region"() ({
      %run_scoped3A = tpu.sem_alloc : memref<!tpu.dma_semaphore, #tpu.memory_space<semaphore_mem>>
      %dma_start3A_94 = arith.constant 0 : i32
      %dma_start3A_95 = arith.constant 0 : i32
      %dma_start3A_96 = tpu.memref_slice %arg12[%dma_start3A_94, %dma_start3A_95] : memref<128x128xf32, #tpu.memory_space<vmem>> -> memref<128x128xf32, #tpu.memory_space<vmem>>
      %dma_start3A_97 = arith.constant 0 : i32
      %dma_start3A_98 = tpu.memref_slice %arg7[%add3A_53, %dma_start3A_97] : memref<10112x128xf32, #tpu.memory_space<vmem_shared>> -> memref<128x128xf32, #tpu.memory_space<vmem_shared>>
      %dma_start3A_99 = arith.constant 0 : i32
      %dma_start3A_100 = arith.constant 0 : i32
      %dma_start3A_101 = tpu.memref_slice %arg12[%dma_start3A_99, %dma_start3A_100] : memref<128x128xf32, #tpu.memory_space<vmem>> -> memref<128x128xf32, #tpu.memory_space<vmem>>
      %dma_start3A_102 = arith.constant 0 : i32
      %dma_start3A_103 = tpu.memref_slice %arg7[%add3A_53, %dma_start3A_102] : memref<10112x128xf32, #tpu.memory_space<vmem_shared>> -> memref<128x128xf32, #tpu.memory_space<vmem_shared>>
      tpu.enqueue_dma source(%dma_start3A_103 : memref<128x128xf32, #tpu.memory_space<vmem_shared>>) target(%dma_start3A_101 : memref<128x128xf32, #tpu.memory_space<vmem>>) target_semaphore(%run_scoped3A : memref<!tpu.dma_semaphore, #tpu.memory_space<semaphore_mem>>)
      %dma_wait3A = arith.constant 0 : i32
      %dma_wait3A_104 = arith.constant 0 : i32
      %dma_wait3A_105 = tpu.memref_slice %arg12[%dma_wait3A, %dma_wait3A_104] : memref<128x128xf32, #tpu.memory_space<vmem>> -> memref<128x128xf32, #tpu.memory_space<vmem>>
      %dma_wait3A_106 = arith.constant 0 : i32
      %dma_wait3A_107 = tpu.memref_slice %arg7[%add3A_53, %dma_wait3A_106] : memref<10112x128xf32, #tpu.memory_space<vmem_shared>> -> memref<128x128xf32, #tpu.memory_space<vmem_shared>>
      %dma_wait3A_108 = arith.constant 0 : i32
      %dma_wait3A_109 = arith.constant 0 : i32
      %dma_wait3A_110 = tpu.memref_slice %arg12[%dma_wait3A_108, %dma_wait3A_109] : memref<128x128xf32, #tpu.memory_space<vmem>> -> memref<128x128xf32, #tpu.memory_space<vmem>>
      %dma_wait3A_111 = arith.constant 0 : i32
      %dma_wait3A_112 = tpu.memref_slice %arg7[%add3A_53, %dma_wait3A_111] : memref<10112x128xf32, #tpu.memory_space<vmem_shared>> -> memref<128x128xf32, #tpu.memory_space<vmem_shared>>
      tpu.wait_dma2 semaphore(%run_scoped3A : memref<!tpu.dma_semaphore, #tpu.memory_space<semaphore_mem>>) src(%dma_wait3A_112 : memref<128x128xf32, #tpu.memory_space<vmem_shared>>) dst(%dma_wait3A_110 : memref<128x128xf32, #tpu.memory_space<vmem>>)
      tpu.yield
    }) : () -> ()
    %mul3A_54 = arith.constant 10112 : i32
    %mul3A_55 = arith.muli %arg0, %mul3A_54 : i32
    %mul3A_56 = arith.constant 632 : i32
    %mul3A_57 = arith.muli %arg1, %mul3A_56 : i32
    %add3A_58 = arith.addi %mul3A_55, %mul3A_57 : i32
    %add3A_59 = arith.constant 128 : i32
    %add3A_60 = arith.addi %add3A_58, %add3A_59 : i32
    "tpu.region"() ({
      %run_scoped3A = tpu.sem_alloc : memref<!tpu.dma_semaphore, #tpu.memory_space<semaphore_mem>>
      %dma_start3A_94 = arith.constant 0 : i32
      %dma_start3A_95 = arith.constant 0 : i32
      %dma_start3A_96 = tpu.memref_slice %arg12[%dma_start3A_94, %dma_start3A_95] : memref<128x128xf32, #tpu.memory_space<vmem>> -> memref<128x128xf32, #tpu.memory_space<vmem>>
      %dma_start3A_97 = arith.constant 0 : i32
      %dma_start3A_98 = tpu.memref_slice %arg6[%add3A_60, %dma_start3A_97] : memref<20224x128xf32, #tpu.memory_space<hbm>> -> memref<128x128xf32, #tpu.memory_space<hbm>>
      %dma_start3A_99 = arith.constant 0 : i32
      %dma_start3A_100 = tpu.memref_slice %arg6[%add3A_60, %dma_start3A_99] : memref<20224x128xf32, #tpu.memory_space<hbm>> -> memref<128x128xf32, #tpu.memory_space<hbm>>
      %dma_start3A_101 = arith.constant 0 : i32
      %dma_start3A_102 = arith.constant 0 : i32
      %dma_start3A_103 = tpu.memref_slice %arg12[%dma_start3A_101, %dma_start3A_102] : memref<128x128xf32, #tpu.memory_space<vmem>> -> memref<128x128xf32, #tpu.memory_space<vmem>>
      tpu.enqueue_dma source(%dma_start3A_103 : memref<128x128xf32, #tpu.memory_space<vmem>>) target(%dma_start3A_100 : memref<128x128xf32, #tpu.memory_space<hbm>>) target_semaphore(%run_scoped3A : memref<!tpu.dma_semaphore, #tpu.memory_space<semaphore_mem>>)
      %dma_wait3A = arith.constant 0 : i32
      %dma_wait3A_104 = arith.constant 0 : i32
      %dma_wait3A_105 = tpu.memref_slice %arg12[%dma_wait3A, %dma_wait3A_104] : memref<128x128xf32, #tpu.memory_space<vmem>> -> memref<128x128xf32, #tpu.memory_space<vmem>>
      %dma_wait3A_106 = arith.constant 0 : i32
      %dma_wait3A_107 = tpu.memref_slice %arg6[%add3A_60, %dma_wait3A_106] : memref<20224x128xf32, #tpu.memory_space<hbm>> -> memref<128x128xf32, #tpu.memory_space<hbm>>
      %dma_wait3A_108 = arith.constant 0 : i32
      %dma_wait3A_109 = tpu.memref_slice %arg6[%add3A_60, %dma_wait3A_108] : memref<20224x128xf32, #tpu.memory_space<hbm>> -> memref<128x128xf32, #tpu.memory_space<hbm>>
      %dma_wait3A_110 = arith.constant 0 : i32
      %dma_wait3A_111 = arith.constant 0 : i32
      %dma_wait3A_112 = tpu.memref_slice %arg12[%dma_wait3A_110, %dma_wait3A_111] : memref<128x128xf32, #tpu.memory_space<vmem>> -> memref<128x128xf32, #tpu.memory_space<vmem>>
      tpu.wait_dma2 semaphore(%run_scoped3A : memref<!tpu.dma_semaphore, #tpu.memory_space<semaphore_mem>>) src(%dma_wait3A_112 : memref<128x128xf32, #tpu.memory_space<vmem>>) dst(%dma_wait3A_109 : memref<128x128xf32, #tpu.memory_space<hbm>>)
      tpu.yield
    }) : () -> ()
    %mul3A_61 = arith.constant 632 : i32
    %mul3A_62 = arith.muli %arg1, %mul3A_61 : i32
    %add3A_63 = arith.constant 256 : i32
    %add3A_64 = arith.addi %mul3A_62, %add3A_63 : i32
    "tpu.region"() ({
      %run_scoped3A = tpu.sem_alloc : memref<!tpu.dma_semaphore, #tpu.memory_space<semaphore_mem>>
      %dma_start3A_94 = arith.constant 0 : i32
      %dma_start3A_95 = arith.constant 0 : i32
      %dma_start3A_96 = tpu.memref_slice %arg12[%dma_start3A_94, %dma_start3A_95] : memref<128x128xf32, #tpu.memory_space<vmem>> -> memref<128x128xf32, #tpu.memory_space<vmem>>
      %dma_start3A_97 = arith.constant 0 : i32
      %dma_start3A_98 = tpu.memref_slice %arg7[%add3A_64, %dma_start3A_97] : memref<10112x128xf32, #tpu.memory_space<vmem_shared>> -> memref<128x128xf32, #tpu.memory_space<vmem_shared>>
      %dma_start3A_99 = arith.constant 0 : i32
      %dma_start3A_100 = arith.constant 0 : i32
      %dma_start3A_101 = tpu.memref_slice %arg12[%dma_start3A_99, %dma_start3A_100] : memref<128x128xf32, #tpu.memory_space<vmem>> -> memref<128x128xf32, #tpu.memory_space<vmem>>
      %dma_start3A_102 = arith.constant 0 : i32
      %dma_start3A_103 = tpu.memref_slice %arg7[%add3A_64, %dma_start3A_102] : memref<10112x128xf32, #tpu.memory_space<vmem_shared>> -> memref<128x128xf32, #tpu.memory_space<vmem_shared>>
      tpu.enqueue_dma source(%dma_start3A_103 : memref<128x128xf32, #tpu.memory_space<vmem_shared>>) target(%dma_start3A_101 : memref<128x128xf32, #tpu.memory_space<vmem>>) target_semaphore(%run_scoped3A : memref<!tpu.dma_semaphore, #tpu.memory_space<semaphore_mem>>)
      %dma_wait3A = arith.constant 0 : i32
      %dma_wait3A_104 = arith.constant 0 : i32
      %dma_wait3A_105 = tpu.memref_slice %arg12[%dma_wait3A, %dma_wait3A_104] : memref<128x128xf32, #tpu.memory_space<vmem>> -> memref<128x128xf32, #tpu.memory_space<vmem>>
      %dma_wait3A_106 = arith.constant 0 : i32
      %dma_wait3A_107 = tpu.memref_slice %arg7[%add3A_64, %dma_wait3A_106] : memref<10112x128xf32, #tpu.memory_space<vmem_shared>> -> memref<128x128xf32, #tpu.memory_space<vmem_shared>>
      %dma_wait3A_108 = arith.constant 0 : i32
      %dma_wait3A_109 = arith.constant 0 : i32
      %dma_wait3A_110 = tpu.memref_slice %arg12[%dma_wait3A_108, %dma_wait3A_109] : memref<128x128xf32, #tpu.memory_space<vmem>> -> memref<128x128xf32, #tpu.memory_space<vmem>>
      %dma_wait3A_111 = arith.constant 0 : i32
      %dma_wait3A_112 = tpu.memref_slice %arg7[%add3A_64, %dma_wait3A_111] : memref<10112x128xf32, #tpu.memory_space<vmem_shared>> -> memref<128x128xf32, #tpu.memory_space<vmem_shared>>
      tpu.wait_dma2 semaphore(%run_scoped3A : memref<!tpu.dma_semaphore, #tpu.memory_space<semaphore_mem>>) src(%dma_wait3A_112 : memref<128x128xf32, #tpu.memory_space<vmem_shared>>) dst(%dma_wait3A_110 : memref<128x128xf32, #tpu.memory_space<vmem>>)
      tpu.yield
    }) : () -> ()
    %mul3A_65 = arith.constant 10112 : i32
    %mul3A_66 = arith.muli %arg0, %mul3A_65 : i32
    %mul3A_67 = arith.constant 632 : i32
    %mul3A_68 = arith.muli %arg1, %mul3A_67 : i32
    %add3A_69 = arith.addi %mul3A_66, %mul3A_68 : i32
    %add3A_70 = arith.constant 256 : i32
    %add3A_71 = arith.addi %add3A_69, %add3A_70 : i32
    "tpu.region"() ({
      %run_scoped3A = tpu.sem_alloc : memref<!tpu.dma_semaphore, #tpu.memory_space<semaphore_mem>>
      %dma_start3A_94 = arith.constant 0 : i32
      %dma_start3A_95 = arith.constant 0 : i32
      %dma_start3A_96 = tpu.memref_slice %arg12[%dma_start3A_94, %dma_start3A_95] : memref<128x128xf32, #tpu.memory_space<vmem>> -> memref<128x128xf32, #tpu.memory_space<vmem>>
      %dma_start3A_97 = arith.constant 0 : i32
      %dma_start3A_98 = tpu.memref_slice %arg6[%add3A_71, %dma_start3A_97] : memref<20224x128xf32, #tpu.memory_space<hbm>> -> memref<128x128xf32, #tpu.memory_space<hbm>>
      %dma_start3A_99 = arith.constant 0 : i32
      %dma_start3A_100 = tpu.memref_slice %arg6[%add3A_71, %dma_start3A_99] : memref<20224x128xf32, #tpu.memory_space<hbm>> -> memref<128x128xf32, #tpu.memory_space<hbm>>
      %dma_start3A_101 = arith.constant 0 : i32
      %dma_start3A_102 = arith.constant 0 : i32
      %dma_start3A_103 = tpu.memref_slice %arg12[%dma_start3A_101, %dma_start3A_102] : memref<128x128xf32, #tpu.memory_space<vmem>> -> memref<128x128xf32, #tpu.memory_space<vmem>>
      tpu.enqueue_dma source(%dma_start3A_103 : memref<128x128xf32, #tpu.memory_space<vmem>>) target(%dma_start3A_100 : memref<128x128xf32, #tpu.memory_space<hbm>>) target_semaphore(%run_scoped3A : memref<!tpu.dma_semaphore, #tpu.memory_space<semaphore_mem>>)
      %dma_wait3A = arith.constant 0 : i32
      %dma_wait3A_104 = arith.constant 0 : i32
      %dma_wait3A_105 = tpu.memref_slice %arg12[%dma_wait3A, %dma_wait3A_104] : memref<128x128xf32, #tpu.memory_space<vmem>> -> memref<128x128xf32, #tpu.memory_space<vmem>>
      %dma_wait3A_106 = arith.constant 0 : i32
      %dma_wait3A_107 = tpu.memref_slice %arg6[%add3A_71, %dma_wait3A_106] : memref<20224x128xf32, #tpu.memory_space<hbm>> -> memref<128x128xf32, #tpu.memory_space<hbm>>
      %dma_wait3A_108 = arith.constant 0 : i32
      %dma_wait3A_109 = tpu.memref_slice %arg6[%add3A_71, %dma_wait3A_108] : memref<20224x128xf32, #tpu.memory_space<hbm>> -> memref<128x128xf32, #tpu.memory_space<hbm>>
      %dma_wait3A_110 = arith.constant 0 : i32
      %dma_wait3A_111 = arith.constant 0 : i32
      %dma_wait3A_112 = tpu.memref_slice %arg12[%dma_wait3A_110, %dma_wait3A_111] : memref<128x128xf32, #tpu.memory_space<vmem>> -> memref<128x128xf32, #tpu.memory_space<vmem>>
      tpu.wait_dma2 semaphore(%run_scoped3A : memref<!tpu.dma_semaphore, #tpu.memory_space<semaphore_mem>>) src(%dma_wait3A_112 : memref<128x128xf32, #tpu.memory_space<vmem>>) dst(%dma_wait3A_109 : memref<128x128xf32, #tpu.memory_space<hbm>>)
      tpu.yield
    }) : () -> ()
    %mul3A_72 = arith.constant 632 : i32
    %mul3A_73 = arith.muli %arg1, %mul3A_72 : i32
    %add3A_74 = arith.constant 384 : i32
    %add3A_75 = arith.addi %mul3A_73, %add3A_74 : i32
    "tpu.region"() ({
      %run_scoped3A = tpu.sem_alloc : memref<!tpu.dma_semaphore, #tpu.memory_space<semaphore_mem>>
      %dma_start3A_94 = arith.constant 0 : i32
      %dma_start3A_95 = arith.constant 0 : i32
      %dma_start3A_96 = tpu.memref_slice %arg12[%dma_start3A_94, %dma_start3A_95] : memref<128x128xf32, #tpu.memory_space<vmem>> -> memref<128x128xf32, #tpu.memory_space<vmem>>
      %dma_start3A_97 = arith.constant 0 : i32
      %dma_start3A_98 = tpu.memref_slice %arg7[%add3A_75, %dma_start3A_97] : memref<10112x128xf32, #tpu.memory_space<vmem_shared>> -> memref<128x128xf32, #tpu.memory_space<vmem_shared>>
      %dma_start3A_99 = arith.constant 0 : i32
      %dma_start3A_100 = arith.constant 0 : i32
      %dma_start3A_101 = tpu.memref_slice %arg12[%dma_start3A_99, %dma_start3A_100] : memref<128x128xf32, #tpu.memory_space<vmem>> -> memref<128x128xf32, #tpu.memory_space<vmem>>
      %dma_start3A_102 = arith.constant 0 : i32
      %dma_start3A_103 = tpu.memref_slice %arg7[%add3A_75, %dma_start3A_102] : memref<10112x128xf32, #tpu.memory_space<vmem_shared>> -> memref<128x128xf32, #tpu.memory_space<vmem_shared>>
      tpu.enqueue_dma source(%dma_start3A_103 : memref<128x128xf32, #tpu.memory_space<vmem_shared>>) target(%dma_start3A_101 : memref<128x128xf32, #tpu.memory_space<vmem>>) target_semaphore(%run_scoped3A : memref<!tpu.dma_semaphore, #tpu.memory_space<semaphore_mem>>)
      %dma_wait3A = arith.constant 0 : i32
      %dma_wait3A_104 = arith.constant 0 : i32
      %dma_wait3A_105 = tpu.memref_slice %arg12[%dma_wait3A, %dma_wait3A_104] : memref<128x128xf32, #tpu.memory_space<vmem>> -> memref<128x128xf32, #tpu.memory_space<vmem>>
      %dma_wait3A_106 = arith.constant 0 : i32
      %dma_wait3A_107 = tpu.memref_slice %arg7[%add3A_75, %dma_wait3A_106] : memref<10112x128xf32, #tpu.memory_space<vmem_shared>> -> memref<128x128xf32, #tpu.memory_space<vmem_shared>>
      %dma_wait3A_108 = arith.constant 0 : i32
      %dma_wait3A_109 = arith.constant 0 : i32
      %dma_wait3A_110 = tpu.memref_slice %arg12[%dma_wait3A_108, %dma_wait3A_109] : memref<128x128xf32, #tpu.memory_space<vmem>> -> memref<128x128xf32, #tpu.memory_space<vmem>>
      %dma_wait3A_111 = arith.constant 0 : i32
      %dma_wait3A_112 = tpu.memref_slice %arg7[%add3A_75, %dma_wait3A_111] : memref<10112x128xf32, #tpu.memory_space<vmem_shared>> -> memref<128x128xf32, #tpu.memory_space<vmem_shared>>
      tpu.wait_dma2 semaphore(%run_scoped3A : memref<!tpu.dma_semaphore, #tpu.memory_space<semaphore_mem>>) src(%dma_wait3A_112 : memref<128x128xf32, #tpu.memory_space<vmem_shared>>) dst(%dma_wait3A_110 : memref<128x128xf32, #tpu.memory_space<vmem>>)
      tpu.yield
    }) : () -> ()
    %mul3A_76 = arith.constant 10112 : i32
    %mul3A_77 = arith.muli %arg0, %mul3A_76 : i32
    %mul3A_78 = arith.constant 632 : i32
    %mul3A_79 = arith.muli %arg1, %mul3A_78 : i32
    %add3A_80 = arith.addi %mul3A_77, %mul3A_79 : i32
    %add3A_81 = arith.constant 384 : i32
    %add3A_82 = arith.addi %add3A_80, %add3A_81 : i32
    "tpu.region"() ({
      %run_scoped3A = tpu.sem_alloc : memref<!tpu.dma_semaphore, #tpu.memory_space<semaphore_mem>>
      %dma_start3A_94 = arith.constant 0 : i32
      %dma_start3A_95 = arith.constant 0 : i32
      %dma_start3A_96 = tpu.memref_slice %arg12[%dma_start3A_94, %dma_start3A_95] : memref<128x128xf32, #tpu.memory_space<vmem>> -> memref<128x128xf32, #tpu.memory_space<vmem>>
      %dma_start3A_97 = arith.constant 0 : i32
      %dma_start3A_98 = tpu.memref_slice %arg6[%add3A_82, %dma_start3A_97] : memref<20224x128xf32, #tpu.memory_space<hbm>> -> memref<128x128xf32, #tpu.memory_space<hbm>>
      %dma_start3A_99 = arith.constant 0 : i32
      %dma_start3A_100 = tpu.memref_slice %arg6[%add3A_82, %dma_start3A_99] : memref<20224x128xf32, #tpu.memory_space<hbm>> -> memref<128x128xf32, #tpu.memory_space<hbm>>
      %dma_start3A_101 = arith.constant 0 : i32
      %dma_start3A_102 = arith.constant 0 : i32
      %dma_start3A_103 = tpu.memref_slice %arg12[%dma_start3A_101, %dma_start3A_102] : memref<128x128xf32, #tpu.memory_space<vmem>> -> memref<128x128xf32, #tpu.memory_space<vmem>>
      tpu.enqueue_dma source(%dma_start3A_103 : memref<128x128xf32, #tpu.memory_space<vmem>>) target(%dma_start3A_100 : memref<128x128xf32, #tpu.memory_space<hbm>>) target_semaphore(%run_scoped3A : memref<!tpu.dma_semaphore, #tpu.memory_space<semaphore_mem>>)
      %dma_wait3A = arith.constant 0 : i32
      %dma_wait3A_104 = arith.constant 0 : i32
      %dma_wait3A_105 = tpu.memref_slice %arg12[%dma_wait3A, %dma_wait3A_104] : memref<128x128xf32, #tpu.memory_space<vmem>> -> memref<128x128xf32, #tpu.memory_space<vmem>>
      %dma_wait3A_106 = arith.constant 0 : i32
      %dma_wait3A_107 = tpu.memref_slice %arg6[%add3A_82, %dma_wait3A_106] : memref<20224x128xf32, #tpu.memory_space<hbm>> -> memref<128x128xf32, #tpu.memory_space<hbm>>
      %dma_wait3A_108 = arith.constant 0 : i32
      %dma_wait3A_109 = tpu.memref_slice %arg6[%add3A_82, %dma_wait3A_108] : memref<20224x128xf32, #tpu.memory_space<hbm>> -> memref<128x128xf32, #tpu.memory_space<hbm>>
      %dma_wait3A_110 = arith.constant 0 : i32
      %dma_wait3A_111 = arith.constant 0 : i32
      %dma_wait3A_112 = tpu.memref_slice %arg12[%dma_wait3A_110, %dma_wait3A_111] : memref<128x128xf32, #tpu.memory_space<vmem>> -> memref<128x128xf32, #tpu.memory_space<vmem>>
      tpu.wait_dma2 semaphore(%run_scoped3A : memref<!tpu.dma_semaphore, #tpu.memory_space<semaphore_mem>>) src(%dma_wait3A_112 : memref<128x128xf32, #tpu.memory_space<vmem>>) dst(%dma_wait3A_109 : memref<128x128xf32, #tpu.memory_space<hbm>>)
      tpu.yield
    }) : () -> ()
    %mul3A_83 = arith.constant 632 : i32
    %mul3A_84 = arith.muli %arg1, %mul3A_83 : i32
    %add3A_85 = arith.constant 512 : i32
    %add3A_86 = arith.addi %mul3A_84, %add3A_85 : i32
    "tpu.region"() ({
      %run_scoped3A = tpu.sem_alloc : memref<!tpu.dma_semaphore, #tpu.memory_space<semaphore_mem>>
      %dma_start3A_94 = arith.constant 0 : i32
      %dma_start3A_95 = arith.constant 0 : i32
      %dma_start3A_96 = tpu.memref_slice %arg12[%dma_start3A_94, %dma_start3A_95] : memref<128x128xf32, #tpu.memory_space<vmem>> -> memref<120x128xf32, #tpu.memory_space<vmem>>
      %dma_start3A_97 = arith.constant 0 : i32
      %dma_start3A_98 = tpu.memref_slice %arg7[%add3A_86, %dma_start3A_97] : memref<10112x128xf32, #tpu.memory_space<vmem_shared>> -> memref<120x128xf32, #tpu.memory_space<vmem_shared>>
      %dma_start3A_99 = arith.constant 0 : i32
      %dma_start3A_100 = arith.constant 0 : i32
      %dma_start3A_101 = tpu.memref_slice %arg12[%dma_start3A_99, %dma_start3A_100] : memref<128x128xf32, #tpu.memory_space<vmem>> -> memref<120x128xf32, #tpu.memory_space<vmem>>
      %dma_start3A_102 = arith.constant 0 : i32
      %dma_start3A_103 = tpu.memref_slice %arg7[%add3A_86, %dma_start3A_102] : memref<10112x128xf32, #tpu.memory_space<vmem_shared>> -> memref<120x128xf32, #tpu.memory_space<vmem_shared>>
      tpu.enqueue_dma source(%dma_start3A_103 : memref<120x128xf32, #tpu.memory_space<vmem_shared>>) target(%dma_start3A_101 : memref<120x128xf32, #tpu.memory_space<vmem>>) target_semaphore(%run_scoped3A : memref<!tpu.dma_semaphore, #tpu.memory_space<semaphore_mem>>)
      %dma_wait3A = arith.constant 0 : i32
      %dma_wait3A_104 = arith.constant 0 : i32
      %dma_wait3A_105 = tpu.memref_slice %arg12[%dma_wait3A, %dma_wait3A_104] : memref<128x128xf32, #tpu.memory_space<vmem>> -> memref<120x128xf32, #tpu.memory_space<vmem>>
      %dma_wait3A_106 = arith.constant 0 : i32
      %dma_wait3A_107 = tpu.memref_slice %arg7[%add3A_86, %dma_wait3A_106] : memref<10112x128xf32, #tpu.memory_space<vmem_shared>> -> memref<120x128xf32, #tpu.memory_space<vmem_shared>>
      %dma_wait3A_108 = arith.constant 0 : i32
      %dma_wait3A_109 = arith.constant 0 : i32
      %dma_wait3A_110 = tpu.memref_slice %arg12[%dma_wait3A_108, %dma_wait3A_109] : memref<128x128xf32, #tpu.memory_space<vmem>> -> memref<120x128xf32, #tpu.memory_space<vmem>>
      %dma_wait3A_111 = arith.constant 0 : i32
      %dma_wait3A_112 = tpu.memref_slice %arg7[%add3A_86, %dma_wait3A_111] : memref<10112x128xf32, #tpu.memory_space<vmem_shared>> -> memref<120x128xf32, #tpu.memory_space<vmem_shared>>
      tpu.wait_dma2 semaphore(%run_scoped3A : memref<!tpu.dma_semaphore, #tpu.memory_space<semaphore_mem>>) src(%dma_wait3A_112 : memref<120x128xf32, #tpu.memory_space<vmem_shared>>) dst(%dma_wait3A_110 : memref<120x128xf32, #tpu.memory_space<vmem>>)
      tpu.yield
    }) : () -> ()
    %mul3A_87 = arith.constant 10112 : i32
    %mul3A_88 = arith.muli %arg0, %mul3A_87 : i32
    %mul3A_89 = arith.constant 632 : i32
    %mul3A_90 = arith.muli %arg1, %mul3A_89 : i32
    %add3A_91 = arith.addi %mul3A_88, %mul3A_90 : i32
    %add3A_92 = arith.constant 512 : i32
    %add3A_93 = arith.addi %add3A_91, %add3A_92 : i32
    "tpu.region"() ({
      %run_scoped3A = tpu.sem_alloc : memref<!tpu.dma_semaphore, #tpu.memory_space<semaphore_mem>>
      %dma_start3A_94 = arith.constant 0 : i32
      %dma_start3A_95 = arith.constant 0 : i32
      %dma_start3A_96 = tpu.memref_slice %arg12[%dma_start3A_94, %dma_start3A_95] : memref<128x128xf32, #tpu.memory_space<vmem>> -> memref<120x128xf32, #tpu.memory_space<vmem>>
      %dma_start3A_97 = arith.constant 0 : i32
      %dma_start3A_98 = tpu.memref_slice %arg6[%add3A_93, %dma_start3A_97] : memref<20224x128xf32, #tpu.memory_space<hbm>> -> memref<120x128xf32, #tpu.memory_space<hbm>>
      %dma_start3A_99 = arith.constant 0 : i32
      %dma_start3A_100 = tpu.memref_slice %arg6[%add3A_93, %dma_start3A_99] : memref<20224x128xf32, #tpu.memory_space<hbm>> -> memref<120x128xf32, #tpu.memory_space<hbm>>
      %dma_start3A_101 = arith.constant 0 : i32
      %dma_start3A_102 = arith.constant 0 : i32
      %dma_start3A_103 = tpu.memref_slice %arg12[%dma_start3A_101, %dma_start3A_102] : memref<128x128xf32, #tpu.memory_space<vmem>> -> memref<120x128xf32, #tpu.memory_space<vmem>>
      tpu.enqueue_dma source(%dma_start3A_103 : memref<120x128xf32, #tpu.memory_space<vmem>>) target(%dma_start3A_100 : memref<120x128xf32, #tpu.memory_space<hbm>>) target_semaphore(%run_scoped3A : memref<!tpu.dma_semaphore, #tpu.memory_space<semaphore_mem>>)
      %dma_wait3A = arith.constant 0 : i32
      %dma_wait3A_104 = arith.constant 0 : i32
      %dma_wait3A_105 = tpu.memref_slice %arg12[%dma_wait3A, %dma_wait3A_104] : memref<128x128xf32, #tpu.memory_space<vmem>> -> memref<120x128xf32, #tpu.memory_space<vmem>>
      %dma_wait3A_106 = arith.constant 0 : i32
      %dma_wait3A_107 = tpu.memref_slice %arg6[%add3A_93, %dma_wait3A_106] : memref<20224x128xf32, #tpu.memory_space<hbm>> -> memref<120x128xf32, #tpu.memory_space<hbm>>
      %dma_wait3A_108 = arith.constant 0 : i32
      %dma_wait3A_109 = tpu.memref_slice %arg6[%add3A_93, %dma_wait3A_108] : memref<20224x128xf32, #tpu.memory_space<hbm>> -> memref<120x128xf32, #tpu.memory_space<hbm>>
      %dma_wait3A_110 = arith.constant 0 : i32
      %dma_wait3A_111 = arith.constant 0 : i32
      %dma_wait3A_112 = tpu.memref_slice %arg12[%dma_wait3A_110, %dma_wait3A_111] : memref<128x128xf32, #tpu.memory_space<vmem>> -> memref<120x128xf32, #tpu.memory_space<vmem>>
      tpu.wait_dma2 semaphore(%run_scoped3A : memref<!tpu.dma_semaphore, #tpu.memory_space<semaphore_mem>>) src(%dma_wait3A_112 : memref<120x128xf32, #tpu.memory_space<vmem>>) dst(%dma_wait3A_109 : memref<120x128xf32, #tpu.memory_space<hbm>>)
      tpu.yield
    }) : () -> ()
    return
  }
}

#map = affine_map<(d0, d1) -> (0, 0)>
#map1 = affine_map<(d0, d1) -> (0)>
module attributes {stable_mosaic.version = 14 : i64} {
  func.func @_sc_agg(%arg0: i32, %arg1: i32, %arg2: memref<10000x128xf32, #tpu.memory_space<hbm>>, %arg3: memref<327680xi32, #tpu.memory_space<hbm>>, %arg4: memref<327680xi32, #tpu.memory_space<hbm>>, %arg5: memref<128x128xf32, #tpu.memory_space<hbm>>, %arg6: memref<20224x128xf32, #tpu.memory_space<hbm>>, %arg7: memref<10112x128xf32, #tpu.memory_space<vmem_shared>>, %arg8: memref<128xi32, #tpu.memory_space<vmem>>, %arg9: memref<128xi32, #tpu.memory_space<vmem>>, %arg10: memref<128xi32, #tpu.memory_space<vmem>>, %arg11: memref<128xi32, #tpu.memory_space<vmem>>, %arg12: memref<128x128xf32, #tpu.memory_space<vmem>>, %arg13: memref<128x128xf32, #tpu.memory_space<vmem>>, %arg14: memref<!tpu.dma_semaphore, #tpu.memory_space<semaphore_mem>>, %arg15: memref<!tpu.dma_semaphore, #tpu.memory_space<semaphore_mem>>, %arg16: memref<!tpu.dma_semaphore, #tpu.memory_space<semaphore_mem>>, %arg17: memref<!tpu.dma_semaphore, #tpu.memory_space<semaphore_mem>>) attributes {dimension_semantics = [#tpu.dimension_semantics<core_parallel>, #tpu.dimension_semantics<subcore_parallel>], iteration_bounds = array<i64: 2, 16>, scalar_prefetch = 0 : i64, scratch_operands = 11 : i64, tpu.core_type = #tpu.core_type<sc_vector_subcore>, window_params = [{transform_indices = #map}, {transform_indices = #map1}, {transform_indices = #map1}, {transform_indices = #map}, {transform_indices = #map}]} {
    %mul3A = arith.constant 16 : i32
    %mul3A_0 = arith.muli %arg0, %mul3A : i32
    %add3A = arith.addi %mul3A_0, %arg1 : i32
    %mul3A_1 = arith.constant 10240 : i32
    %mul3A_2 = arith.muli %add3A, %mul3A_1 : i32
    "tpu.region"() ({
      %run_scoped3A = tpu.sem_alloc : memref<!tpu.dma_semaphore, #tpu.memory_space<semaphore_mem>>
      tpu.enqueue_dma source(%arg5 : memref<128x128xf32, #tpu.memory_space<hbm>>) target(%arg12 : memref<128x128xf32, #tpu.memory_space<vmem>>) target_semaphore(%run_scoped3A : memref<!tpu.dma_semaphore, #tpu.memory_space<semaphore_mem>>)
      tpu.wait_dma2 semaphore(%run_scoped3A : memref<!tpu.dma_semaphore, #tpu.memory_space<semaphore_mem>>) src(%arg5 : memref<128x128xf32, #tpu.memory_space<hbm>>) dst(%arg12 : memref<128x128xf32, #tpu.memory_space<vmem>>)
      tpu.yield
    }) : () -> ()
    %mul3A_3 = arith.constant 632 : i32
    %mul3A_4 = arith.muli %arg1, %mul3A_3 : i32
    %add3A_5 = arith.constant 0 : i32
    %add3A_6 = arith.addi %mul3A_4, %add3A_5 : i32
    "tpu.region"() ({
      %run_scoped3A = tpu.sem_alloc : memref<!tpu.dma_semaphore, #tpu.memory_space<semaphore_mem>>
      %dma_start3A_94 = arith.constant 0 : i32
      %dma_start3A_95 = arith.constant 0 : i32
      %dma_start3A_96 = tpu.memref_slice %arg12[%dma_start3A_94, %dma_start3A_95] : memref<128x128xf32, #tpu.memory_space<vmem>> -> memref<128x128xf32, #tpu.memory_space<vmem>>
      %dma_start3A_97 = arith.constant 0 : i32
      %dma_start3A_98 = tpu.memref_slice %arg7[%add3A_6, %dma_start3A_97] : memref<10112x128xf32, #tpu.memory_space<vmem_shared>> -> memref<128x128xf32, #tpu.memory_space<vmem_shared>>
      %dma_start3A_99 = arith.constant 0 : i32
      %dma_start3A_100 = tpu.memref_slice %arg7[%add3A_6, %dma_start3A_99] : memref<10112x128xf32, #tpu.memory_space<vmem_shared>> -> memref<128x128xf32, #tpu.memory_space<vmem_shared>>
      %dma_start3A_101 = arith.constant 0 : i32
      %dma_start3A_102 = arith.constant 0 : i32
      %dma_start3A_103 = tpu.memref_slice %arg12[%dma_start3A_101, %dma_start3A_102] : memref<128x128xf32, #tpu.memory_space<vmem>> -> memref<128x128xf32, #tpu.memory_space<vmem>>
      tpu.enqueue_dma source(%dma_start3A_103 : memref<128x128xf32, #tpu.memory_space<vmem>>) target(%dma_start3A_100 : memref<128x128xf32, #tpu.memory_space<vmem_shared>>) target_semaphore(%run_scoped3A : memref<!tpu.dma_semaphore, #tpu.memory_space<semaphore_mem>>)
      %dma_wait3A = arith.constant 0 : i32
      %dma_wait3A_104 = arith.constant 0 : i32
      %dma_wait3A_105 = tpu.memref_slice %arg12[%dma_wait3A, %dma_wait3A_104] : memref<128x128xf32, #tpu.memory_space<vmem>> -> memref<128x128xf32, #tpu.memory_space<vmem>>
      %dma_wait3A_106 = arith.constant 0 : i32
      %dma_wait3A_107 = tpu.memref_slice %arg7[%add3A_6, %dma_wait3A_106] : memref<10112x128xf32, #tpu.memory_space<vmem_shared>> -> memref<128x128xf32, #tpu.memory_space<vmem_shared>>
      %dma_wait3A_108 = arith.constant 0 : i32
      %dma_wait3A_109 = tpu.memref_slice %arg7[%add3A_6, %dma_wait3A_108] : memref<10112x128xf32, #tpu.memory_space<vmem_shared>> -> memref<128x128xf32, #tpu.memory_space<vmem_shared>>
      %dma_wait3A_110 = arith.constant 0 : i32
      %dma_wait3A_111 = arith.constant 0 : i32
      %dma_wait3A_112 = tpu.memref_slice %arg12[%dma_wait3A_110, %dma_wait3A_111] : memref<128x128xf32, #tpu.memory_space<vmem>> -> memref<128x128xf32, #tpu.memory_space<vmem>>
      tpu.wait_dma2 semaphore(%run_scoped3A : memref<!tpu.dma_semaphore, #tpu.memory_space<semaphore_mem>>) src(%dma_wait3A_112 : memref<128x128xf32, #tpu.memory_space<vmem>>) dst(%dma_wait3A_109 : memref<128x128xf32, #tpu.memory_space<vmem_shared>>)
      tpu.yield
    }) : () -> ()
    %mul3A_7 = arith.constant 632 : i32
    %mul3A_8 = arith.muli %arg1, %mul3A_7 : i32
    %add3A_9 = arith.constant 128 : i32
    %add3A_10 = arith.addi %mul3A_8, %add3A_9 : i32
    "tpu.region"() ({
      %run_scoped3A = tpu.sem_alloc : memref<!tpu.dma_semaphore, #tpu.memory_space<semaphore_mem>>
      %dma_start3A_94 = arith.constant 0 : i32
      %dma_start3A_95 = arith.constant 0 : i32
      %dma_start3A_96 = tpu.memref_slice %arg12[%dma_start3A_94, %dma_start3A_95] : memref<128x128xf32, #tpu.memory_space<vmem>> -> memref<128x128xf32, #tpu.memory_space<vmem>>
      %dma_start3A_97 = arith.constant 0 : i32
      %dma_start3A_98 = tpu.memref_slice %arg7[%add3A_10, %dma_start3A_97] : memref<10112x128xf32, #tpu.memory_space<vmem_shared>> -> memref<128x128xf32, #tpu.memory_space<vmem_shared>>
      %dma_start3A_99 = arith.constant 0 : i32
      %dma_start3A_100 = tpu.memref_slice %arg7[%add3A_10, %dma_start3A_99] : memref<10112x128xf32, #tpu.memory_space<vmem_shared>> -> memref<128x128xf32, #tpu.memory_space<vmem_shared>>
      %dma_start3A_101 = arith.constant 0 : i32
      %dma_start3A_102 = arith.constant 0 : i32
      %dma_start3A_103 = tpu.memref_slice %arg12[%dma_start3A_101, %dma_start3A_102] : memref<128x128xf32, #tpu.memory_space<vmem>> -> memref<128x128xf32, #tpu.memory_space<vmem>>
      tpu.enqueue_dma source(%dma_start3A_103 : memref<128x128xf32, #tpu.memory_space<vmem>>) target(%dma_start3A_100 : memref<128x128xf32, #tpu.memory_space<vmem_shared>>) target_semaphore(%run_scoped3A : memref<!tpu.dma_semaphore, #tpu.memory_space<semaphore_mem>>)
      %dma_wait3A = arith.constant 0 : i32
      %dma_wait3A_104 = arith.constant 0 : i32
      %dma_wait3A_105 = tpu.memref_slice %arg12[%dma_wait3A, %dma_wait3A_104] : memref<128x128xf32, #tpu.memory_space<vmem>> -> memref<128x128xf32, #tpu.memory_space<vmem>>
      %dma_wait3A_106 = arith.constant 0 : i32
      %dma_wait3A_107 = tpu.memref_slice %arg7[%add3A_10, %dma_wait3A_106] : memref<10112x128xf32, #tpu.memory_space<vmem_shared>> -> memref<128x128xf32, #tpu.memory_space<vmem_shared>>
      %dma_wait3A_108 = arith.constant 0 : i32
      %dma_wait3A_109 = tpu.memref_slice %arg7[%add3A_10, %dma_wait3A_108] : memref<10112x128xf32, #tpu.memory_space<vmem_shared>> -> memref<128x128xf32, #tpu.memory_space<vmem_shared>>
      %dma_wait3A_110 = arith.constant 0 : i32
      %dma_wait3A_111 = arith.constant 0 : i32
      %dma_wait3A_112 = tpu.memref_slice %arg12[%dma_wait3A_110, %dma_wait3A_111] : memref<128x128xf32, #tpu.memory_space<vmem>> -> memref<128x128xf32, #tpu.memory_space<vmem>>
      tpu.wait_dma2 semaphore(%run_scoped3A : memref<!tpu.dma_semaphore, #tpu.memory_space<semaphore_mem>>) src(%dma_wait3A_112 : memref<128x128xf32, #tpu.memory_space<vmem>>) dst(%dma_wait3A_109 : memref<128x128xf32, #tpu.memory_space<vmem_shared>>)
      tpu.yield
    }) : () -> ()
    %mul3A_11 = arith.constant 632 : i32
    %mul3A_12 = arith.muli %arg1, %mul3A_11 : i32
    %add3A_13 = arith.constant 256 : i32
    %add3A_14 = arith.addi %mul3A_12, %add3A_13 : i32
    "tpu.region"() ({
      %run_scoped3A = tpu.sem_alloc : memref<!tpu.dma_semaphore, #tpu.memory_space<semaphore_mem>>
      %dma_start3A_94 = arith.constant 0 : i32
      %dma_start3A_95 = arith.constant 0 : i32
      %dma_start3A_96 = tpu.memref_slice %arg12[%dma_start3A_94, %dma_start3A_95] : memref<128x128xf32, #tpu.memory_space<vmem>> -> memref<128x128xf32, #tpu.memory_space<vmem>>
      %dma_start3A_97 = arith.constant 0 : i32
      %dma_start3A_98 = tpu.memref_slice %arg7[%add3A_14, %dma_start3A_97] : memref<10112x128xf32, #tpu.memory_space<vmem_shared>> -> memref<128x128xf32, #tpu.memory_space<vmem_shared>>
      %dma_start3A_99 = arith.constant 0 : i32
      %dma_start3A_100 = tpu.memref_slice %arg7[%add3A_14, %dma_start3A_99] : memref<10112x128xf32, #tpu.memory_space<vmem_shared>> -> memref<128x128xf32, #tpu.memory_space<vmem_shared>>
      %dma_start3A_101 = arith.constant 0 : i32
      %dma_start3A_102 = arith.constant 0 : i32
      %dma_start3A_103 = tpu.memref_slice %arg12[%dma_start3A_101, %dma_start3A_102] : memref<128x128xf32, #tpu.memory_space<vmem>> -> memref<128x128xf32, #tpu.memory_space<vmem>>
      tpu.enqueue_dma source(%dma_start3A_103 : memref<128x128xf32, #tpu.memory_space<vmem>>) target(%dma_start3A_100 : memref<128x128xf32, #tpu.memory_space<vmem_shared>>) target_semaphore(%run_scoped3A : memref<!tpu.dma_semaphore, #tpu.memory_space<semaphore_mem>>)
      %dma_wait3A = arith.constant 0 : i32
      %dma_wait3A_104 = arith.constant 0 : i32
      %dma_wait3A_105 = tpu.memref_slice %arg12[%dma_wait3A, %dma_wait3A_104] : memref<128x128xf32, #tpu.memory_space<vmem>> -> memref<128x128xf32, #tpu.memory_space<vmem>>
      %dma_wait3A_106 = arith.constant 0 : i32
      %dma_wait3A_107 = tpu.memref_slice %arg7[%add3A_14, %dma_wait3A_106] : memref<10112x128xf32, #tpu.memory_space<vmem_shared>> -> memref<128x128xf32, #tpu.memory_space<vmem_shared>>
      %dma_wait3A_108 = arith.constant 0 : i32
      %dma_wait3A_109 = tpu.memref_slice %arg7[%add3A_14, %dma_wait3A_108] : memref<10112x128xf32, #tpu.memory_space<vmem_shared>> -> memref<128x128xf32, #tpu.memory_space<vmem_shared>>
      %dma_wait3A_110 = arith.constant 0 : i32
      %dma_wait3A_111 = arith.constant 0 : i32
      %dma_wait3A_112 = tpu.memref_slice %arg12[%dma_wait3A_110, %dma_wait3A_111] : memref<128x128xf32, #tpu.memory_space<vmem>> -> memref<128x128xf32, #tpu.memory_space<vmem>>
      tpu.wait_dma2 semaphore(%run_scoped3A : memref<!tpu.dma_semaphore, #tpu.memory_space<semaphore_mem>>) src(%dma_wait3A_112 : memref<128x128xf32, #tpu.memory_space<vmem>>) dst(%dma_wait3A_109 : memref<128x128xf32, #tpu.memory_space<vmem_shared>>)
      tpu.yield
    }) : () -> ()
    %mul3A_15 = arith.constant 632 : i32
    %mul3A_16 = arith.muli %arg1, %mul3A_15 : i32
    %add3A_17 = arith.constant 384 : i32
    %add3A_18 = arith.addi %mul3A_16, %add3A_17 : i32
    "tpu.region"() ({
      %run_scoped3A = tpu.sem_alloc : memref<!tpu.dma_semaphore, #tpu.memory_space<semaphore_mem>>
      %dma_start3A_94 = arith.constant 0 : i32
      %dma_start3A_95 = arith.constant 0 : i32
      %dma_start3A_96 = tpu.memref_slice %arg12[%dma_start3A_94, %dma_start3A_95] : memref<128x128xf32, #tpu.memory_space<vmem>> -> memref<128x128xf32, #tpu.memory_space<vmem>>
      %dma_start3A_97 = arith.constant 0 : i32
      %dma_start3A_98 = tpu.memref_slice %arg7[%add3A_18, %dma_start3A_97] : memref<10112x128xf32, #tpu.memory_space<vmem_shared>> -> memref<128x128xf32, #tpu.memory_space<vmem_shared>>
      %dma_start3A_99 = arith.constant 0 : i32
      %dma_start3A_100 = tpu.memref_slice %arg7[%add3A_18, %dma_start3A_99] : memref<10112x128xf32, #tpu.memory_space<vmem_shared>> -> memref<128x128xf32, #tpu.memory_space<vmem_shared>>
      %dma_start3A_101 = arith.constant 0 : i32
      %dma_start3A_102 = arith.constant 0 : i32
      %dma_start3A_103 = tpu.memref_slice %arg12[%dma_start3A_101, %dma_start3A_102] : memref<128x128xf32, #tpu.memory_space<vmem>> -> memref<128x128xf32, #tpu.memory_space<vmem>>
      tpu.enqueue_dma source(%dma_start3A_103 : memref<128x128xf32, #tpu.memory_space<vmem>>) target(%dma_start3A_100 : memref<128x128xf32, #tpu.memory_space<vmem_shared>>) target_semaphore(%run_scoped3A : memref<!tpu.dma_semaphore, #tpu.memory_space<semaphore_mem>>)
      %dma_wait3A = arith.constant 0 : i32
      %dma_wait3A_104 = arith.constant 0 : i32
      %dma_wait3A_105 = tpu.memref_slice %arg12[%dma_wait3A, %dma_wait3A_104] : memref<128x128xf32, #tpu.memory_space<vmem>> -> memref<128x128xf32, #tpu.memory_space<vmem>>
      %dma_wait3A_106 = arith.constant 0 : i32
      %dma_wait3A_107 = tpu.memref_slice %arg7[%add3A_18, %dma_wait3A_106] : memref<10112x128xf32, #tpu.memory_space<vmem_shared>> -> memref<128x128xf32, #tpu.memory_space<vmem_shared>>
      %dma_wait3A_108 = arith.constant 0 : i32
      %dma_wait3A_109 = tpu.memref_slice %arg7[%add3A_18, %dma_wait3A_108] : memref<10112x128xf32, #tpu.memory_space<vmem_shared>> -> memref<128x128xf32, #tpu.memory_space<vmem_shared>>
      %dma_wait3A_110 = arith.constant 0 : i32
      %dma_wait3A_111 = arith.constant 0 : i32
      %dma_wait3A_112 = tpu.memref_slice %arg12[%dma_wait3A_110, %dma_wait3A_111] : memref<128x128xf32, #tpu.memory_space<vmem>> -> memref<128x128xf32, #tpu.memory_space<vmem>>
      tpu.wait_dma2 semaphore(%run_scoped3A : memref<!tpu.dma_semaphore, #tpu.memory_space<semaphore_mem>>) src(%dma_wait3A_112 : memref<128x128xf32, #tpu.memory_space<vmem>>) dst(%dma_wait3A_109 : memref<128x128xf32, #tpu.memory_space<vmem_shared>>)
      tpu.yield
    }) : () -> ()
    %mul3A_19 = arith.constant 632 : i32
    %mul3A_20 = arith.muli %arg1, %mul3A_19 : i32
    %add3A_21 = arith.constant 512 : i32
    %add3A_22 = arith.addi %mul3A_20, %add3A_21 : i32
    "tpu.region"() ({
      %run_scoped3A = tpu.sem_alloc : memref<!tpu.dma_semaphore, #tpu.memory_space<semaphore_mem>>
      %dma_start3A_94 = arith.constant 0 : i32
      %dma_start3A_95 = arith.constant 0 : i32
      %dma_start3A_96 = tpu.memref_slice %arg12[%dma_start3A_94, %dma_start3A_95] : memref<128x128xf32, #tpu.memory_space<vmem>> -> memref<120x128xf32, #tpu.memory_space<vmem>>
      %dma_start3A_97 = arith.constant 0 : i32
      %dma_start3A_98 = tpu.memref_slice %arg7[%add3A_22, %dma_start3A_97] : memref<10112x128xf32, #tpu.memory_space<vmem_shared>> -> memref<120x128xf32, #tpu.memory_space<vmem_shared>>
      %dma_start3A_99 = arith.constant 0 : i32
      %dma_start3A_100 = tpu.memref_slice %arg7[%add3A_22, %dma_start3A_99] : memref<10112x128xf32, #tpu.memory_space<vmem_shared>> -> memref<120x128xf32, #tpu.memory_space<vmem_shared>>
      %dma_start3A_101 = arith.constant 0 : i32
      %dma_start3A_102 = arith.constant 0 : i32
      %dma_start3A_103 = tpu.memref_slice %arg12[%dma_start3A_101, %dma_start3A_102] : memref<128x128xf32, #tpu.memory_space<vmem>> -> memref<120x128xf32, #tpu.memory_space<vmem>>
      tpu.enqueue_dma source(%dma_start3A_103 : memref<120x128xf32, #tpu.memory_space<vmem>>) target(%dma_start3A_100 : memref<120x128xf32, #tpu.memory_space<vmem_shared>>) target_semaphore(%run_scoped3A : memref<!tpu.dma_semaphore, #tpu.memory_space<semaphore_mem>>)
      %dma_wait3A = arith.constant 0 : i32
      %dma_wait3A_104 = arith.constant 0 : i32
      %dma_wait3A_105 = tpu.memref_slice %arg12[%dma_wait3A, %dma_wait3A_104] : memref<128x128xf32, #tpu.memory_space<vmem>> -> memref<120x128xf32, #tpu.memory_space<vmem>>
      %dma_wait3A_106 = arith.constant 0 : i32
      %dma_wait3A_107 = tpu.memref_slice %arg7[%add3A_22, %dma_wait3A_106] : memref<10112x128xf32, #tpu.memory_space<vmem_shared>> -> memref<120x128xf32, #tpu.memory_space<vmem_shared>>
      %dma_wait3A_108 = arith.constant 0 : i32
      %dma_wait3A_109 = tpu.memref_slice %arg7[%add3A_22, %dma_wait3A_108] : memref<10112x128xf32, #tpu.memory_space<vmem_shared>> -> memref<120x128xf32, #tpu.memory_space<vmem_shared>>
      %dma_wait3A_110 = arith.constant 0 : i32
      %dma_wait3A_111 = arith.constant 0 : i32
      %dma_wait3A_112 = tpu.memref_slice %arg12[%dma_wait3A_110, %dma_wait3A_111] : memref<128x128xf32, #tpu.memory_space<vmem>> -> memref<120x128xf32, #tpu.memory_space<vmem>>
      tpu.wait_dma2 semaphore(%run_scoped3A : memref<!tpu.dma_semaphore, #tpu.memory_space<semaphore_mem>>) src(%dma_wait3A_112 : memref<120x128xf32, #tpu.memory_space<vmem>>) dst(%dma_wait3A_109 : memref<120x128xf32, #tpu.memory_space<vmem_shared>>)
      tpu.yield
    }) : () -> ()
    %barrier3A = arith.constant 0 : index
    tpu.barrier barrier_id(%barrier3A)
    "tpu.region"() ({
      %run_scoped3A = tpu.sem_alloc : memref<!tpu.dma_semaphore, #tpu.memory_space<semaphore_mem>>
      %dma_start3A_94 = tpu.memref_slice %arg3[%mul3A_2] : memref<327680xi32, #tpu.memory_space<hbm>> -> memref<128xi32, #tpu.memory_space<hbm>>
      %dma_start3A_95 = tpu.memref_slice %arg3[%mul3A_2] : memref<327680xi32, #tpu.memory_space<hbm>> -> memref<128xi32, #tpu.memory_space<hbm>>
      tpu.enqueue_dma source(%dma_start3A_95 : memref<128xi32, #tpu.memory_space<hbm>>) target(%arg8 : memref<128xi32, #tpu.memory_space<vmem>>) target_semaphore(%run_scoped3A : memref<!tpu.dma_semaphore, #tpu.memory_space<semaphore_mem>>)
      %dma_wait3A = tpu.memref_slice %arg3[%mul3A_2] : memref<327680xi32, #tpu.memory_space<hbm>> -> memref<128xi32, #tpu.memory_space<hbm>>
      %dma_wait3A_96 = tpu.memref_slice %arg3[%mul3A_2] : memref<327680xi32, #tpu.memory_space<hbm>> -> memref<128xi32, #tpu.memory_space<hbm>>
      tpu.wait_dma2 semaphore(%run_scoped3A : memref<!tpu.dma_semaphore, #tpu.memory_space<semaphore_mem>>) src(%dma_wait3A_96 : memref<128xi32, #tpu.memory_space<hbm>>) dst(%arg8 : memref<128xi32, #tpu.memory_space<vmem>>)
      tpu.yield
    }) : () -> ()
    "tpu.region"() ({
      %run_scoped3A = tpu.sem_alloc : memref<!tpu.dma_semaphore, #tpu.memory_space<semaphore_mem>>
      %dma_start3A_94 = tpu.memref_slice %arg4[%mul3A_2] : memref<327680xi32, #tpu.memory_space<hbm>> -> memref<128xi32, #tpu.memory_space<hbm>>
      %dma_start3A_95 = tpu.memref_slice %arg4[%mul3A_2] : memref<327680xi32, #tpu.memory_space<hbm>> -> memref<128xi32, #tpu.memory_space<hbm>>
      tpu.enqueue_dma source(%dma_start3A_95 : memref<128xi32, #tpu.memory_space<hbm>>) target(%arg10 : memref<128xi32, #tpu.memory_space<vmem>>) target_semaphore(%run_scoped3A : memref<!tpu.dma_semaphore, #tpu.memory_space<semaphore_mem>>)
      %dma_wait3A = tpu.memref_slice %arg4[%mul3A_2] : memref<327680xi32, #tpu.memory_space<hbm>> -> memref<128xi32, #tpu.memory_space<hbm>>
      %dma_wait3A_96 = tpu.memref_slice %arg4[%mul3A_2] : memref<327680xi32, #tpu.memory_space<hbm>> -> memref<128xi32, #tpu.memory_space<hbm>>
      tpu.wait_dma2 semaphore(%run_scoped3A : memref<!tpu.dma_semaphore, #tpu.memory_space<semaphore_mem>>) src(%dma_wait3A_96 : memref<128xi32, #tpu.memory_space<hbm>>) dst(%arg10 : memref<128xi32, #tpu.memory_space<vmem>>)
      tpu.yield
    }) : () -> ()
    %dma_start3A = arith.constant 0 : i32
    %dma_start3A_23 = arith.constant 0 : i32
    %dma_start3A_24 = tpu.memref_slice %arg2[%dma_start3A, %dma_start3A_23] : memref<10000x128xf32, #tpu.memory_space<hbm>> -> memref<10000x128xf32, #tpu.memory_space<hbm>>
    tpu.enqueue_indirect_dma source(%dma_start3A_24 : memref<10000x128xf32, #tpu.memory_space<hbm>>) target(%arg12 : memref<128x128xf32, #tpu.memory_space<vmem>>) offsets(%arg8 : memref<128xi32, #tpu.memory_space<vmem>>) semaphore(%arg14 : memref<!tpu.dma_semaphore, #tpu.memory_space<semaphore_mem>>)
    %add3A_25 = arith.constant 128 : i32
    %add3A_26 = arith.addi %mul3A_2, %add3A_25 : i32
    %dma_start3A_27 = tpu.memref_slice %arg3[%add3A_26] : memref<327680xi32, #tpu.memory_space<hbm>> -> memref<128xi32, #tpu.memory_space<hbm>>
    %dma_start3A_28 = tpu.memref_slice %arg3[%add3A_26] : memref<327680xi32, #tpu.memory_space<hbm>> -> memref<128xi32, #tpu.memory_space<hbm>>
    tpu.enqueue_dma source(%dma_start3A_28 : memref<128xi32, #tpu.memory_space<hbm>>) target(%arg9 : memref<128xi32, #tpu.memory_space<vmem>>) target_semaphore(%arg17 : memref<!tpu.dma_semaphore, #tpu.memory_space<semaphore_mem>>)
    %add3A_29 = arith.constant 128 : i32
    %add3A_30 = arith.addi %mul3A_2, %add3A_29 : i32
    %dma_start3A_31 = tpu.memref_slice %arg4[%add3A_30] : memref<327680xi32, #tpu.memory_space<hbm>> -> memref<128xi32, #tpu.memory_space<hbm>>
    %dma_start3A_32 = tpu.memref_slice %arg4[%add3A_30] : memref<327680xi32, #tpu.memory_space<hbm>> -> memref<128xi32, #tpu.memory_space<hbm>>
    tpu.enqueue_dma source(%dma_start3A_32 : memref<128xi32, #tpu.memory_space<hbm>>) target(%arg11 : memref<128xi32, #tpu.memory_space<vmem>>) target_semaphore(%arg17 : memref<!tpu.dma_semaphore, #tpu.memory_space<semaphore_mem>>)
    %scan3A = arith.constant 0 : i32
    %scan3A_33 = arith.constant 0 : i32
    %scan3A_34 = arith.constant 40 : i32
    %scan3A_35 = arith.addi %scan3A_33, %scan3A_34 : i32
    %scan3A_36 = arith.constant 1 : i32
    scf.for %scan3A_94 = %scan3A_33 to %scan3A_35 step %scan3A_36  : i32 {
      %mul3A_95 = arith.constant 2 : i32
      %mul3A_96 = arith.muli %scan3A_94, %mul3A_95 : i32
      %add3A_97 = arith.constant 1 : i32
      %add3A_98 = arith.addi %mul3A_96, %add3A_97 : i32
      %mul3A_99 = arith.constant 128 : i32
      %mul3A_100 = arith.muli %add3A_98, %mul3A_99 : i32
      %add3A_101 = arith.addi %mul3A_2, %mul3A_100 : i32
      %dma_wait3A = tpu.memref_slice %arg3[%add3A_101] : memref<327680xi32, #tpu.memory_space<hbm>> -> memref<128xi32, #tpu.memory_space<hbm>>
      %dma_wait3A_102 = tpu.memref_slice %arg3[%add3A_101] : memref<327680xi32, #tpu.memory_space<hbm>> -> memref<128xi32, #tpu.memory_space<hbm>>
      tpu.wait_dma2 semaphore(%arg17 : memref<!tpu.dma_semaphore, #tpu.memory_space<semaphore_mem>>) src(%dma_wait3A_102 : memref<128xi32, #tpu.memory_space<hbm>>) dst(%arg9 : memref<128xi32, #tpu.memory_space<vmem>>)
      %mul3A_103 = arith.constant 128 : i32
      %mul3A_104 = arith.muli %add3A_98, %mul3A_103 : i32
      %add3A_105 = arith.addi %mul3A_2, %mul3A_104 : i32
      %dma_wait3A_106 = tpu.memref_slice %arg4[%add3A_105] : memref<327680xi32, #tpu.memory_space<hbm>> -> memref<128xi32, #tpu.memory_space<hbm>>
      %dma_wait3A_107 = tpu.memref_slice %arg4[%add3A_105] : memref<327680xi32, #tpu.memory_space<hbm>> -> memref<128xi32, #tpu.memory_space<hbm>>
      tpu.wait_dma2 semaphore(%arg17 : memref<!tpu.dma_semaphore, #tpu.memory_space<semaphore_mem>>) src(%dma_wait3A_107 : memref<128xi32, #tpu.memory_space<hbm>>) dst(%arg11 : memref<128xi32, #tpu.memory_space<vmem>>)
      %dma_start3A_108 = arith.constant 0 : i32
      %dma_start3A_109 = arith.constant 0 : i32
      %dma_start3A_110 = tpu.memref_slice %arg2[%dma_start3A_108, %dma_start3A_109] : memref<10000x128xf32, #tpu.memory_space<hbm>> -> memref<10000x128xf32, #tpu.memory_space<hbm>>
      tpu.enqueue_indirect_dma source(%dma_start3A_110 : memref<10000x128xf32, #tpu.memory_space<hbm>>) target(%arg13 : memref<128x128xf32, #tpu.memory_space<vmem>>) offsets(%arg9 : memref<128xi32, #tpu.memory_space<vmem>>) semaphore(%arg15 : memref<!tpu.dma_semaphore, #tpu.memory_space<semaphore_mem>>)
      %dma_wait3A_111 = arith.constant 0 : i32
      %dma_wait3A_112 = arith.constant 0 : i32
      %dma_wait3A_113 = tpu.memref_slice %arg2[%dma_wait3A_111, %dma_wait3A_112] : memref<10000x128xf32, #tpu.memory_space<hbm>> -> memref<10000x128xf32, #tpu.memory_space<hbm>>
      tpu.wait_indirect_dma semaphore(%arg14 : memref<!tpu.dma_semaphore, #tpu.memory_space<semaphore_mem>>) src(%dma_wait3A_113 : memref<10000x128xf32, #tpu.memory_space<hbm>>) dst(%arg12 : memref<128x128xf32, #tpu.memory_space<vmem>>)
      "tpu.region"() ({
        %run_scoped3A = tpu.sem_alloc : memref<!tpu.dma_semaphore, #tpu.memory_space<semaphore_mem>>
        %dma_start3A_135 = arith.constant 0 : i32
        %dma_start3A_136 = arith.constant 0 : i32
        %dma_start3A_137 = tpu.memref_slice %arg7[%dma_start3A_135, %dma_start3A_136] : memref<10112x128xf32, #tpu.memory_space<vmem_shared>> -> memref<10112x128xf32, #tpu.memory_space<vmem_shared>>
        tpu.enqueue_indirect_dma source(%arg12 : memref<128x128xf32, #tpu.memory_space<vmem>>) target(%dma_start3A_137 : memref<10112x128xf32, #tpu.memory_space<vmem_shared>>) offsets(%arg10 : memref<128xi32, #tpu.memory_space<vmem>>) semaphore(%run_scoped3A : memref<!tpu.dma_semaphore, #tpu.memory_space<semaphore_mem>>) {add = true}
        %dma_wait3A_138 = arith.constant 0 : i32
        %dma_wait3A_139 = arith.constant 0 : i32
        %dma_wait3A_140 = tpu.memref_slice %arg7[%dma_wait3A_138, %dma_wait3A_139] : memref<10112x128xf32, #tpu.memory_space<vmem_shared>> -> memref<10112x128xf32, #tpu.memory_space<vmem_shared>>
        tpu.wait_indirect_dma semaphore(%run_scoped3A : memref<!tpu.dma_semaphore, #tpu.memory_space<semaphore_mem>>) src(%arg12 : memref<128x128xf32, #tpu.memory_space<vmem>>) dst(%dma_wait3A_140 : memref<10112x128xf32, #tpu.memory_space<vmem_shared>>)
        tpu.yield
      }) : () -> ()
      %add3A_114 = arith.constant 2 : i32
      %add3A_115 = arith.addi %mul3A_96, %add3A_114 : i32
      %lt3A = arith.constant 80 : i32
      %lt3A_116 = arith.cmpi slt, %add3A_115, %lt3A : i32
      %convert_element_type3A = arith.extui %lt3A_116 : i1 to i32
      %cond3A = arith.constant 0 : i32
      %cond3A_117 = arith.cmpi ne, %convert_element_type3A, %cond3A : i32
      scf.if %cond3A_117 {
        %add3A_135 = arith.constant 2 : i32
        %add3A_136 = arith.addi %mul3A_96, %add3A_135 : i32
        %mul3A_137 = arith.constant 128 : i32
        %mul3A_138 = arith.muli %add3A_136, %mul3A_137 : i32
        %add3A_139 = arith.addi %mul3A_2, %mul3A_138 : i32
        %dma_start3A_140 = tpu.memref_slice %arg3[%add3A_139] : memref<327680xi32, #tpu.memory_space<hbm>> -> memref<128xi32, #tpu.memory_space<hbm>>
        %dma_start3A_141 = tpu.memref_slice %arg3[%add3A_139] : memref<327680xi32, #tpu.memory_space<hbm>> -> memref<128xi32, #tpu.memory_space<hbm>>
        tpu.enqueue_dma source(%dma_start3A_141 : memref<128xi32, #tpu.memory_space<hbm>>) target(%arg8 : memref<128xi32, #tpu.memory_space<vmem>>) target_semaphore(%arg16 : memref<!tpu.dma_semaphore, #tpu.memory_space<semaphore_mem>>)
        %mul3A_142 = arith.constant 128 : i32
        %mul3A_143 = arith.muli %add3A_136, %mul3A_142 : i32
        %add3A_144 = arith.addi %mul3A_2, %mul3A_143 : i32
        %dma_start3A_145 = tpu.memref_slice %arg4[%add3A_144] : memref<327680xi32, #tpu.memory_space<hbm>> -> memref<128xi32, #tpu.memory_space<hbm>>
        %dma_start3A_146 = tpu.memref_slice %arg4[%add3A_144] : memref<327680xi32, #tpu.memory_space<hbm>> -> memref<128xi32, #tpu.memory_space<hbm>>
        tpu.enqueue_dma source(%dma_start3A_146 : memref<128xi32, #tpu.memory_space<hbm>>) target(%arg10 : memref<128xi32, #tpu.memory_space<vmem>>) target_semaphore(%arg16 : memref<!tpu.dma_semaphore, #tpu.memory_space<semaphore_mem>>)
      } else {
      }
      %dma_wait3A_118 = arith.constant 0 : i32
      %dma_wait3A_119 = arith.constant 0 : i32
      %dma_wait3A_120 = tpu.memref_slice %arg2[%dma_wait3A_118, %dma_wait3A_119] : memref<10000x128xf32, #tpu.memory_space<hbm>> -> memref<10000x128xf32, #tpu.memory_space<hbm>>
      tpu.wait_indirect_dma semaphore(%arg15 : memref<!tpu.dma_semaphore, #tpu.memory_space<semaphore_mem>>) src(%dma_wait3A_120 : memref<10000x128xf32, #tpu.memory_space<hbm>>) dst(%arg13 : memref<128x128xf32, #tpu.memory_space<vmem>>)
      "tpu.region"() ({
        %run_scoped3A = tpu.sem_alloc : memref<!tpu.dma_semaphore, #tpu.memory_space<semaphore_mem>>
        %dma_start3A_135 = arith.constant 0 : i32
        %dma_start3A_136 = arith.constant 0 : i32
        %dma_start3A_137 = tpu.memref_slice %arg7[%dma_start3A_135, %dma_start3A_136] : memref<10112x128xf32, #tpu.memory_space<vmem_shared>> -> memref<10112x128xf32, #tpu.memory_space<vmem_shared>>
        tpu.enqueue_indirect_dma source(%arg13 : memref<128x128xf32, #tpu.memory_space<vmem>>) target(%dma_start3A_137 : memref<10112x128xf32, #tpu.memory_space<vmem_shared>>) offsets(%arg11 : memref<128xi32, #tpu.memory_space<vmem>>) semaphore(%run_scoped3A : memref<!tpu.dma_semaphore, #tpu.memory_space<semaphore_mem>>) {add = true}
        %dma_wait3A_138 = arith.constant 0 : i32
        %dma_wait3A_139 = arith.constant 0 : i32
        %dma_wait3A_140 = tpu.memref_slice %arg7[%dma_wait3A_138, %dma_wait3A_139] : memref<10112x128xf32, #tpu.memory_space<vmem_shared>> -> memref<10112x128xf32, #tpu.memory_space<vmem_shared>>
        tpu.wait_indirect_dma semaphore(%run_scoped3A : memref<!tpu.dma_semaphore, #tpu.memory_space<semaphore_mem>>) src(%arg13 : memref<128x128xf32, #tpu.memory_space<vmem>>) dst(%dma_wait3A_140 : memref<10112x128xf32, #tpu.memory_space<vmem_shared>>)
        tpu.yield
      }) : () -> ()
      %add3A_121 = arith.constant 3 : i32
      %add3A_122 = arith.addi %mul3A_96, %add3A_121 : i32
      %lt3A_123 = arith.constant 80 : i32
      %lt3A_124 = arith.cmpi slt, %add3A_122, %lt3A_123 : i32
      %convert_element_type3A_125 = arith.extui %lt3A_124 : i1 to i32
      %cond3A_126 = arith.constant 0 : i32
      %cond3A_127 = arith.cmpi ne, %convert_element_type3A_125, %cond3A_126 : i32
      scf.if %cond3A_127 {
        %add3A_135 = arith.constant 3 : i32
        %add3A_136 = arith.addi %mul3A_96, %add3A_135 : i32
        %mul3A_137 = arith.constant 128 : i32
        %mul3A_138 = arith.muli %add3A_136, %mul3A_137 : i32
        %add3A_139 = arith.addi %mul3A_2, %mul3A_138 : i32
        %dma_start3A_140 = tpu.memref_slice %arg3[%add3A_139] : memref<327680xi32, #tpu.memory_space<hbm>> -> memref<128xi32, #tpu.memory_space<hbm>>
        %dma_start3A_141 = tpu.memref_slice %arg3[%add3A_139] : memref<327680xi32, #tpu.memory_space<hbm>> -> memref<128xi32, #tpu.memory_space<hbm>>
        tpu.enqueue_dma source(%dma_start3A_141 : memref<128xi32, #tpu.memory_space<hbm>>) target(%arg9 : memref<128xi32, #tpu.memory_space<vmem>>) target_semaphore(%arg17 : memref<!tpu.dma_semaphore, #tpu.memory_space<semaphore_mem>>)
        %mul3A_142 = arith.constant 128 : i32
        %mul3A_143 = arith.muli %add3A_136, %mul3A_142 : i32
        %add3A_144 = arith.addi %mul3A_2, %mul3A_143 : i32
        %dma_start3A_145 = tpu.memref_slice %arg4[%add3A_144] : memref<327680xi32, #tpu.memory_space<hbm>> -> memref<128xi32, #tpu.memory_space<hbm>>
        %dma_start3A_146 = tpu.memref_slice %arg4[%add3A_144] : memref<327680xi32, #tpu.memory_space<hbm>> -> memref<128xi32, #tpu.memory_space<hbm>>
        tpu.enqueue_dma source(%dma_start3A_146 : memref<128xi32, #tpu.memory_space<hbm>>) target(%arg11 : memref<128xi32, #tpu.memory_space<vmem>>) target_semaphore(%arg17 : memref<!tpu.dma_semaphore, #tpu.memory_space<semaphore_mem>>)
      } else {
      }
      %add3A_128 = arith.constant 2 : i32
      %add3A_129 = arith.addi %mul3A_96, %add3A_128 : i32
      %lt3A_130 = arith.constant 80 : i32
      %lt3A_131 = arith.cmpi slt, %add3A_129, %lt3A_130 : i32
      %convert_element_type3A_132 = arith.extui %lt3A_131 : i1 to i32
      %cond3A_133 = arith.constant 0 : i32
      %cond3A_134 = arith.cmpi ne, %convert_element_type3A_132, %cond3A_133 : i32
      scf.if %cond3A_134 {
        %add3A_135 = arith.constant 2 : i32
        %add3A_136 = arith.addi %mul3A_96, %add3A_135 : i32
        %mul3A_137 = arith.constant 128 : i32
        %mul3A_138 = arith.muli %add3A_136, %mul3A_137 : i32
        %add3A_139 = arith.addi %mul3A_2, %mul3A_138 : i32
        %dma_wait3A_140 = tpu.memref_slice %arg3[%add3A_139] : memref<327680xi32, #tpu.memory_space<hbm>> -> memref<128xi32, #tpu.memory_space<hbm>>
        %dma_wait3A_141 = tpu.memref_slice %arg3[%add3A_139] : memref<327680xi32, #tpu.memory_space<hbm>> -> memref<128xi32, #tpu.memory_space<hbm>>
        tpu.wait_dma2 semaphore(%arg16 : memref<!tpu.dma_semaphore, #tpu.memory_space<semaphore_mem>>) src(%dma_wait3A_141 : memref<128xi32, #tpu.memory_space<hbm>>) dst(%arg8 : memref<128xi32, #tpu.memory_space<vmem>>)
        %mul3A_142 = arith.constant 128 : i32
        %mul3A_143 = arith.muli %add3A_136, %mul3A_142 : i32
        %add3A_144 = arith.addi %mul3A_2, %mul3A_143 : i32
        %dma_wait3A_145 = tpu.memref_slice %arg4[%add3A_144] : memref<327680xi32, #tpu.memory_space<hbm>> -> memref<128xi32, #tpu.memory_space<hbm>>
        %dma_wait3A_146 = tpu.memref_slice %arg4[%add3A_144] : memref<327680xi32, #tpu.memory_space<hbm>> -> memref<128xi32, #tpu.memory_space<hbm>>
        tpu.wait_dma2 semaphore(%arg16 : memref<!tpu.dma_semaphore, #tpu.memory_space<semaphore_mem>>) src(%dma_wait3A_146 : memref<128xi32, #tpu.memory_space<hbm>>) dst(%arg10 : memref<128xi32, #tpu.memory_space<vmem>>)
        %dma_start3A_147 = arith.constant 0 : i32
        %dma_start3A_148 = arith.constant 0 : i32
        %dma_start3A_149 = tpu.memref_slice %arg2[%dma_start3A_147, %dma_start3A_148] : memref<10000x128xf32, #tpu.memory_space<hbm>> -> memref<10000x128xf32, #tpu.memory_space<hbm>>
        tpu.enqueue_indirect_dma source(%dma_start3A_149 : memref<10000x128xf32, #tpu.memory_space<hbm>>) target(%arg12 : memref<128x128xf32, #tpu.memory_space<vmem>>) offsets(%arg8 : memref<128xi32, #tpu.memory_space<vmem>>) semaphore(%arg14 : memref<!tpu.dma_semaphore, #tpu.memory_space<semaphore_mem>>)
      } else {
      }
    }
    %scan3A_37 = arith.constant 40 : i32
    %barrier3A_38 = arith.constant 0 : index
    tpu.barrier barrier_id(%barrier3A_38)
    %mul3A_39 = arith.constant 632 : i32
    %mul3A_40 = arith.muli %arg1, %mul3A_39 : i32
    %add3A_41 = arith.constant 0 : i32
    %add3A_42 = arith.addi %mul3A_40, %add3A_41 : i32
    "tpu.region"() ({
      %run_scoped3A = tpu.sem_alloc : memref<!tpu.dma_semaphore, #tpu.memory_space<semaphore_mem>>
      %dma_start3A_94 = arith.constant 0 : i32
      %dma_start3A_95 = arith.constant 0 : i32
      %dma_start3A_96 = tpu.memref_slice %arg12[%dma_start3A_94, %dma_start3A_95] : memref<128x128xf32, #tpu.memory_space<vmem>> -> memref<128x128xf32, #tpu.memory_space<vmem>>
      %dma_start3A_97 = arith.constant 0 : i32
      %dma_start3A_98 = tpu.memref_slice %arg7[%add3A_42, %dma_start3A_97] : memref<10112x128xf32, #tpu.memory_space<vmem_shared>> -> memref<128x128xf32, #tpu.memory_space<vmem_shared>>
      %dma_start3A_99 = arith.constant 0 : i32
      %dma_start3A_100 = arith.constant 0 : i32
      %dma_start3A_101 = tpu.memref_slice %arg12[%dma_start3A_99, %dma_start3A_100] : memref<128x128xf32, #tpu.memory_space<vmem>> -> memref<128x128xf32, #tpu.memory_space<vmem>>
      %dma_start3A_102 = arith.constant 0 : i32
      %dma_start3A_103 = tpu.memref_slice %arg7[%add3A_42, %dma_start3A_102] : memref<10112x128xf32, #tpu.memory_space<vmem_shared>> -> memref<128x128xf32, #tpu.memory_space<vmem_shared>>
      tpu.enqueue_dma source(%dma_start3A_103 : memref<128x128xf32, #tpu.memory_space<vmem_shared>>) target(%dma_start3A_101 : memref<128x128xf32, #tpu.memory_space<vmem>>) target_semaphore(%run_scoped3A : memref<!tpu.dma_semaphore, #tpu.memory_space<semaphore_mem>>)
      %dma_wait3A = arith.constant 0 : i32
      %dma_wait3A_104 = arith.constant 0 : i32
      %dma_wait3A_105 = tpu.memref_slice %arg12[%dma_wait3A, %dma_wait3A_104] : memref<128x128xf32, #tpu.memory_space<vmem>> -> memref<128x128xf32, #tpu.memory_space<vmem>>
      %dma_wait3A_106 = arith.constant 0 : i32
      %dma_wait3A_107 = tpu.memref_slice %arg7[%add3A_42, %dma_wait3A_106] : memref<10112x128xf32, #tpu.memory_space<vmem_shared>> -> memref<128x128xf32, #tpu.memory_space<vmem_shared>>
      %dma_wait3A_108 = arith.constant 0 : i32
      %dma_wait3A_109 = arith.constant 0 : i32
      %dma_wait3A_110 = tpu.memref_slice %arg12[%dma_wait3A_108, %dma_wait3A_109] : memref<128x128xf32, #tpu.memory_space<vmem>> -> memref<128x128xf32, #tpu.memory_space<vmem>>
      %dma_wait3A_111 = arith.constant 0 : i32
      %dma_wait3A_112 = tpu.memref_slice %arg7[%add3A_42, %dma_wait3A_111] : memref<10112x128xf32, #tpu.memory_space<vmem_shared>> -> memref<128x128xf32, #tpu.memory_space<vmem_shared>>
      tpu.wait_dma2 semaphore(%run_scoped3A : memref<!tpu.dma_semaphore, #tpu.memory_space<semaphore_mem>>) src(%dma_wait3A_112 : memref<128x128xf32, #tpu.memory_space<vmem_shared>>) dst(%dma_wait3A_110 : memref<128x128xf32, #tpu.memory_space<vmem>>)
      tpu.yield
    }) : () -> ()
    %mul3A_43 = arith.constant 10112 : i32
    %mul3A_44 = arith.muli %arg0, %mul3A_43 : i32
    %mul3A_45 = arith.constant 632 : i32
    %mul3A_46 = arith.muli %arg1, %mul3A_45 : i32
    %add3A_47 = arith.addi %mul3A_44, %mul3A_46 : i32
    %add3A_48 = arith.constant 0 : i32
    %add3A_49 = arith.addi %add3A_47, %add3A_48 : i32
    "tpu.region"() ({
      %run_scoped3A = tpu.sem_alloc : memref<!tpu.dma_semaphore, #tpu.memory_space<semaphore_mem>>
      %dma_start3A_94 = arith.constant 0 : i32
      %dma_start3A_95 = arith.constant 0 : i32
      %dma_start3A_96 = tpu.memref_slice %arg12[%dma_start3A_94, %dma_start3A_95] : memref<128x128xf32, #tpu.memory_space<vmem>> -> memref<128x128xf32, #tpu.memory_space<vmem>>
      %dma_start3A_97 = arith.constant 0 : i32
      %dma_start3A_98 = tpu.memref_slice %arg6[%add3A_49, %dma_start3A_97] : memref<20224x128xf32, #tpu.memory_space<hbm>> -> memref<128x128xf32, #tpu.memory_space<hbm>>
      %dma_start3A_99 = arith.constant 0 : i32
      %dma_start3A_100 = tpu.memref_slice %arg6[%add3A_49, %dma_start3A_99] : memref<20224x128xf32, #tpu.memory_space<hbm>> -> memref<128x128xf32, #tpu.memory_space<hbm>>
      %dma_start3A_101 = arith.constant 0 : i32
      %dma_start3A_102 = arith.constant 0 : i32
      %dma_start3A_103 = tpu.memref_slice %arg12[%dma_start3A_101, %dma_start3A_102] : memref<128x128xf32, #tpu.memory_space<vmem>> -> memref<128x128xf32, #tpu.memory_space<vmem>>
      tpu.enqueue_dma source(%dma_start3A_103 : memref<128x128xf32, #tpu.memory_space<vmem>>) target(%dma_start3A_100 : memref<128x128xf32, #tpu.memory_space<hbm>>) target_semaphore(%run_scoped3A : memref<!tpu.dma_semaphore, #tpu.memory_space<semaphore_mem>>)
      %dma_wait3A = arith.constant 0 : i32
      %dma_wait3A_104 = arith.constant 0 : i32
      %dma_wait3A_105 = tpu.memref_slice %arg12[%dma_wait3A, %dma_wait3A_104] : memref<128x128xf32, #tpu.memory_space<vmem>> -> memref<128x128xf32, #tpu.memory_space<vmem>>
      %dma_wait3A_106 = arith.constant 0 : i32
      %dma_wait3A_107 = tpu.memref_slice %arg6[%add3A_49, %dma_wait3A_106] : memref<20224x128xf32, #tpu.memory_space<hbm>> -> memref<128x128xf32, #tpu.memory_space<hbm>>
      %dma_wait3A_108 = arith.constant 0 : i32
      %dma_wait3A_109 = tpu.memref_slice %arg6[%add3A_49, %dma_wait3A_108] : memref<20224x128xf32, #tpu.memory_space<hbm>> -> memref<128x128xf32, #tpu.memory_space<hbm>>
      %dma_wait3A_110 = arith.constant 0 : i32
      %dma_wait3A_111 = arith.constant 0 : i32
      %dma_wait3A_112 = tpu.memref_slice %arg12[%dma_wait3A_110, %dma_wait3A_111] : memref<128x128xf32, #tpu.memory_space<vmem>> -> memref<128x128xf32, #tpu.memory_space<vmem>>
      tpu.wait_dma2 semaphore(%run_scoped3A : memref<!tpu.dma_semaphore, #tpu.memory_space<semaphore_mem>>) src(%dma_wait3A_112 : memref<128x128xf32, #tpu.memory_space<vmem>>) dst(%dma_wait3A_109 : memref<128x128xf32, #tpu.memory_space<hbm>>)
      tpu.yield
    }) : () -> ()
    %mul3A_50 = arith.constant 632 : i32
    %mul3A_51 = arith.muli %arg1, %mul3A_50 : i32
    %add3A_52 = arith.constant 128 : i32
    %add3A_53 = arith.addi %mul3A_51, %add3A_52 : i32
    "tpu.region"() ({
      %run_scoped3A = tpu.sem_alloc : memref<!tpu.dma_semaphore, #tpu.memory_space<semaphore_mem>>
      %dma_start3A_94 = arith.constant 0 : i32
      %dma_start3A_95 = arith.constant 0 : i32
      %dma_start3A_96 = tpu.memref_slice %arg12[%dma_start3A_94, %dma_start3A_95] : memref<128x128xf32, #tpu.memory_space<vmem>> -> memref<128x128xf32, #tpu.memory_space<vmem>>
      %dma_start3A_97 = arith.constant 0 : i32
      %dma_start3A_98 = tpu.memref_slice %arg7[%add3A_53, %dma_start3A_97] : memref<10112x128xf32, #tpu.memory_space<vmem_shared>> -> memref<128x128xf32, #tpu.memory_space<vmem_shared>>
      %dma_start3A_99 = arith.constant 0 : i32
      %dma_start3A_100 = arith.constant 0 : i32
      %dma_start3A_101 = tpu.memref_slice %arg12[%dma_start3A_99, %dma_start3A_100] : memref<128x128xf32, #tpu.memory_space<vmem>> -> memref<128x128xf32, #tpu.memory_space<vmem>>
      %dma_start3A_102 = arith.constant 0 : i32
      %dma_start3A_103 = tpu.memref_slice %arg7[%add3A_53, %dma_start3A_102] : memref<10112x128xf32, #tpu.memory_space<vmem_shared>> -> memref<128x128xf32, #tpu.memory_space<vmem_shared>>
      tpu.enqueue_dma source(%dma_start3A_103 : memref<128x128xf32, #tpu.memory_space<vmem_shared>>) target(%dma_start3A_101 : memref<128x128xf32, #tpu.memory_space<vmem>>) target_semaphore(%run_scoped3A : memref<!tpu.dma_semaphore, #tpu.memory_space<semaphore_mem>>)
      %dma_wait3A = arith.constant 0 : i32
      %dma_wait3A_104 = arith.constant 0 : i32
      %dma_wait3A_105 = tpu.memref_slice %arg12[%dma_wait3A, %dma_wait3A_104] : memref<128x128xf32, #tpu.memory_space<vmem>> -> memref<128x128xf32, #tpu.memory_space<vmem>>
      %dma_wait3A_106 = arith.constant 0 : i32
      %dma_wait3A_107 = tpu.memref_slice %arg7[%add3A_53, %dma_wait3A_106] : memref<10112x128xf32, #tpu.memory_space<vmem_shared>> -> memref<128x128xf32, #tpu.memory_space<vmem_shared>>
      %dma_wait3A_108 = arith.constant 0 : i32
      %dma_wait3A_109 = arith.constant 0 : i32
      %dma_wait3A_110 = tpu.memref_slice %arg12[%dma_wait3A_108, %dma_wait3A_109] : memref<128x128xf32, #tpu.memory_space<vmem>> -> memref<128x128xf32, #tpu.memory_space<vmem>>
      %dma_wait3A_111 = arith.constant 0 : i32
      %dma_wait3A_112 = tpu.memref_slice %arg7[%add3A_53, %dma_wait3A_111] : memref<10112x128xf32, #tpu.memory_space<vmem_shared>> -> memref<128x128xf32, #tpu.memory_space<vmem_shared>>
      tpu.wait_dma2 semaphore(%run_scoped3A : memref<!tpu.dma_semaphore, #tpu.memory_space<semaphore_mem>>) src(%dma_wait3A_112 : memref<128x128xf32, #tpu.memory_space<vmem_shared>>) dst(%dma_wait3A_110 : memref<128x128xf32, #tpu.memory_space<vmem>>)
      tpu.yield
    }) : () -> ()
    %mul3A_54 = arith.constant 10112 : i32
    %mul3A_55 = arith.muli %arg0, %mul3A_54 : i32
    %mul3A_56 = arith.constant 632 : i32
    %mul3A_57 = arith.muli %arg1, %mul3A_56 : i32
    %add3A_58 = arith.addi %mul3A_55, %mul3A_57 : i32
    %add3A_59 = arith.constant 128 : i32
    %add3A_60 = arith.addi %add3A_58, %add3A_59 : i32
    "tpu.region"() ({
      %run_scoped3A = tpu.sem_alloc : memref<!tpu.dma_semaphore, #tpu.memory_space<semaphore_mem>>
      %dma_start3A_94 = arith.constant 0 : i32
      %dma_start3A_95 = arith.constant 0 : i32
      %dma_start3A_96 = tpu.memref_slice %arg12[%dma_start3A_94, %dma_start3A_95] : memref<128x128xf32, #tpu.memory_space<vmem>> -> memref<128x128xf32, #tpu.memory_space<vmem>>
      %dma_start3A_97 = arith.constant 0 : i32
      %dma_start3A_98 = tpu.memref_slice %arg6[%add3A_60, %dma_start3A_97] : memref<20224x128xf32, #tpu.memory_space<hbm>> -> memref<128x128xf32, #tpu.memory_space<hbm>>
      %dma_start3A_99 = arith.constant 0 : i32
      %dma_start3A_100 = tpu.memref_slice %arg6[%add3A_60, %dma_start3A_99] : memref<20224x128xf32, #tpu.memory_space<hbm>> -> memref<128x128xf32, #tpu.memory_space<hbm>>
      %dma_start3A_101 = arith.constant 0 : i32
      %dma_start3A_102 = arith.constant 0 : i32
      %dma_start3A_103 = tpu.memref_slice %arg12[%dma_start3A_101, %dma_start3A_102] : memref<128x128xf32, #tpu.memory_space<vmem>> -> memref<128x128xf32, #tpu.memory_space<vmem>>
      tpu.enqueue_dma source(%dma_start3A_103 : memref<128x128xf32, #tpu.memory_space<vmem>>) target(%dma_start3A_100 : memref<128x128xf32, #tpu.memory_space<hbm>>) target_semaphore(%run_scoped3A : memref<!tpu.dma_semaphore, #tpu.memory_space<semaphore_mem>>)
      %dma_wait3A = arith.constant 0 : i32
      %dma_wait3A_104 = arith.constant 0 : i32
      %dma_wait3A_105 = tpu.memref_slice %arg12[%dma_wait3A, %dma_wait3A_104] : memref<128x128xf32, #tpu.memory_space<vmem>> -> memref<128x128xf32, #tpu.memory_space<vmem>>
      %dma_wait3A_106 = arith.constant 0 : i32
      %dma_wait3A_107 = tpu.memref_slice %arg6[%add3A_60, %dma_wait3A_106] : memref<20224x128xf32, #tpu.memory_space<hbm>> -> memref<128x128xf32, #tpu.memory_space<hbm>>
      %dma_wait3A_108 = arith.constant 0 : i32
      %dma_wait3A_109 = tpu.memref_slice %arg6[%add3A_60, %dma_wait3A_108] : memref<20224x128xf32, #tpu.memory_space<hbm>> -> memref<128x128xf32, #tpu.memory_space<hbm>>
      %dma_wait3A_110 = arith.constant 0 : i32
      %dma_wait3A_111 = arith.constant 0 : i32
      %dma_wait3A_112 = tpu.memref_slice %arg12[%dma_wait3A_110, %dma_wait3A_111] : memref<128x128xf32, #tpu.memory_space<vmem>> -> memref<128x128xf32, #tpu.memory_space<vmem>>
      tpu.wait_dma2 semaphore(%run_scoped3A : memref<!tpu.dma_semaphore, #tpu.memory_space<semaphore_mem>>) src(%dma_wait3A_112 : memref<128x128xf32, #tpu.memory_space<vmem>>) dst(%dma_wait3A_109 : memref<128x128xf32, #tpu.memory_space<hbm>>)
      tpu.yield
    }) : () -> ()
    %mul3A_61 = arith.constant 632 : i32
    %mul3A_62 = arith.muli %arg1, %mul3A_61 : i32
    %add3A_63 = arith.constant 256 : i32
    %add3A_64 = arith.addi %mul3A_62, %add3A_63 : i32
    "tpu.region"() ({
      %run_scoped3A = tpu.sem_alloc : memref<!tpu.dma_semaphore, #tpu.memory_space<semaphore_mem>>
      %dma_start3A_94 = arith.constant 0 : i32
      %dma_start3A_95 = arith.constant 0 : i32
      %dma_start3A_96 = tpu.memref_slice %arg12[%dma_start3A_94, %dma_start3A_95] : memref<128x128xf32, #tpu.memory_space<vmem>> -> memref<128x128xf32, #tpu.memory_space<vmem>>
      %dma_start3A_97 = arith.constant 0 : i32
      %dma_start3A_98 = tpu.memref_slice %arg7[%add3A_64, %dma_start3A_97] : memref<10112x128xf32, #tpu.memory_space<vmem_shared>> -> memref<128x128xf32, #tpu.memory_space<vmem_shared>>
      %dma_start3A_99 = arith.constant 0 : i32
      %dma_start3A_100 = arith.constant 0 : i32
      %dma_start3A_101 = tpu.memref_slice %arg12[%dma_start3A_99, %dma_start3A_100] : memref<128x128xf32, #tpu.memory_space<vmem>> -> memref<128x128xf32, #tpu.memory_space<vmem>>
      %dma_start3A_102 = arith.constant 0 : i32
      %dma_start3A_103 = tpu.memref_slice %arg7[%add3A_64, %dma_start3A_102] : memref<10112x128xf32, #tpu.memory_space<vmem_shared>> -> memref<128x128xf32, #tpu.memory_space<vmem_shared>>
      tpu.enqueue_dma source(%dma_start3A_103 : memref<128x128xf32, #tpu.memory_space<vmem_shared>>) target(%dma_start3A_101 : memref<128x128xf32, #tpu.memory_space<vmem>>) target_semaphore(%run_scoped3A : memref<!tpu.dma_semaphore, #tpu.memory_space<semaphore_mem>>)
      %dma_wait3A = arith.constant 0 : i32
      %dma_wait3A_104 = arith.constant 0 : i32
      %dma_wait3A_105 = tpu.memref_slice %arg12[%dma_wait3A, %dma_wait3A_104] : memref<128x128xf32, #tpu.memory_space<vmem>> -> memref<128x128xf32, #tpu.memory_space<vmem>>
      %dma_wait3A_106 = arith.constant 0 : i32
      %dma_wait3A_107 = tpu.memref_slice %arg7[%add3A_64, %dma_wait3A_106] : memref<10112x128xf32, #tpu.memory_space<vmem_shared>> -> memref<128x128xf32, #tpu.memory_space<vmem_shared>>
      %dma_wait3A_108 = arith.constant 0 : i32
      %dma_wait3A_109 = arith.constant 0 : i32
      %dma_wait3A_110 = tpu.memref_slice %arg12[%dma_wait3A_108, %dma_wait3A_109] : memref<128x128xf32, #tpu.memory_space<vmem>> -> memref<128x128xf32, #tpu.memory_space<vmem>>
      %dma_wait3A_111 = arith.constant 0 : i32
      %dma_wait3A_112 = tpu.memref_slice %arg7[%add3A_64, %dma_wait3A_111] : memref<10112x128xf32, #tpu.memory_space<vmem_shared>> -> memref<128x128xf32, #tpu.memory_space<vmem_shared>>
      tpu.wait_dma2 semaphore(%run_scoped3A : memref<!tpu.dma_semaphore, #tpu.memory_space<semaphore_mem>>) src(%dma_wait3A_112 : memref<128x128xf32, #tpu.memory_space<vmem_shared>>) dst(%dma_wait3A_110 : memref<128x128xf32, #tpu.memory_space<vmem>>)
      tpu.yield
    }) : () -> ()
    %mul3A_65 = arith.constant 10112 : i32
    %mul3A_66 = arith.muli %arg0, %mul3A_65 : i32
    %mul3A_67 = arith.constant 632 : i32
    %mul3A_68 = arith.muli %arg1, %mul3A_67 : i32
    %add3A_69 = arith.addi %mul3A_66, %mul3A_68 : i32
    %add3A_70 = arith.constant 256 : i32
    %add3A_71 = arith.addi %add3A_69, %add3A_70 : i32
    "tpu.region"() ({
      %run_scoped3A = tpu.sem_alloc : memref<!tpu.dma_semaphore, #tpu.memory_space<semaphore_mem>>
      %dma_start3A_94 = arith.constant 0 : i32
      %dma_start3A_95 = arith.constant 0 : i32
      %dma_start3A_96 = tpu.memref_slice %arg12[%dma_start3A_94, %dma_start3A_95] : memref<128x128xf32, #tpu.memory_space<vmem>> -> memref<128x128xf32, #tpu.memory_space<vmem>>
      %dma_start3A_97 = arith.constant 0 : i32
      %dma_start3A_98 = tpu.memref_slice %arg6[%add3A_71, %dma_start3A_97] : memref<20224x128xf32, #tpu.memory_space<hbm>> -> memref<128x128xf32, #tpu.memory_space<hbm>>
      %dma_start3A_99 = arith.constant 0 : i32
      %dma_start3A_100 = tpu.memref_slice %arg6[%add3A_71, %dma_start3A_99] : memref<20224x128xf32, #tpu.memory_space<hbm>> -> memref<128x128xf32, #tpu.memory_space<hbm>>
      %dma_start3A_101 = arith.constant 0 : i32
      %dma_start3A_102 = arith.constant 0 : i32
      %dma_start3A_103 = tpu.memref_slice %arg12[%dma_start3A_101, %dma_start3A_102] : memref<128x128xf32, #tpu.memory_space<vmem>> -> memref<128x128xf32, #tpu.memory_space<vmem>>
      tpu.enqueue_dma source(%dma_start3A_103 : memref<128x128xf32, #tpu.memory_space<vmem>>) target(%dma_start3A_100 : memref<128x128xf32, #tpu.memory_space<hbm>>) target_semaphore(%run_scoped3A : memref<!tpu.dma_semaphore, #tpu.memory_space<semaphore_mem>>)
      %dma_wait3A = arith.constant 0 : i32
      %dma_wait3A_104 = arith.constant 0 : i32
      %dma_wait3A_105 = tpu.memref_slice %arg12[%dma_wait3A, %dma_wait3A_104] : memref<128x128xf32, #tpu.memory_space<vmem>> -> memref<128x128xf32, #tpu.memory_space<vmem>>
      %dma_wait3A_106 = arith.constant 0 : i32
      %dma_wait3A_107 = tpu.memref_slice %arg6[%add3A_71, %dma_wait3A_106] : memref<20224x128xf32, #tpu.memory_space<hbm>> -> memref<128x128xf32, #tpu.memory_space<hbm>>
      %dma_wait3A_108 = arith.constant 0 : i32
      %dma_wait3A_109 = tpu.memref_slice %arg6[%add3A_71, %dma_wait3A_108] : memref<20224x128xf32, #tpu.memory_space<hbm>> -> memref<128x128xf32, #tpu.memory_space<hbm>>
      %dma_wait3A_110 = arith.constant 0 : i32
      %dma_wait3A_111 = arith.constant 0 : i32
      %dma_wait3A_112 = tpu.memref_slice %arg12[%dma_wait3A_110, %dma_wait3A_111] : memref<128x128xf32, #tpu.memory_space<vmem>> -> memref<128x128xf32, #tpu.memory_space<vmem>>
      tpu.wait_dma2 semaphore(%run_scoped3A : memref<!tpu.dma_semaphore, #tpu.memory_space<semaphore_mem>>) src(%dma_wait3A_112 : memref<128x128xf32, #tpu.memory_space<vmem>>) dst(%dma_wait3A_109 : memref<128x128xf32, #tpu.memory_space<hbm>>)
      tpu.yield
    }) : () -> ()
    %mul3A_72 = arith.constant 632 : i32
    %mul3A_73 = arith.muli %arg1, %mul3A_72 : i32
    %add3A_74 = arith.constant 384 : i32
    %add3A_75 = arith.addi %mul3A_73, %add3A_74 : i32
    "tpu.region"() ({
      %run_scoped3A = tpu.sem_alloc : memref<!tpu.dma_semaphore, #tpu.memory_space<semaphore_mem>>
      %dma_start3A_94 = arith.constant 0 : i32
      %dma_start3A_95 = arith.constant 0 : i32
      %dma_start3A_96 = tpu.memref_slice %arg12[%dma_start3A_94, %dma_start3A_95] : memref<128x128xf32, #tpu.memory_space<vmem>> -> memref<128x128xf32, #tpu.memory_space<vmem>>
      %dma_start3A_97 = arith.constant 0 : i32
      %dma_start3A_98 = tpu.memref_slice %arg7[%add3A_75, %dma_start3A_97] : memref<10112x128xf32, #tpu.memory_space<vmem_shared>> -> memref<128x128xf32, #tpu.memory_space<vmem_shared>>
      %dma_start3A_99 = arith.constant 0 : i32
      %dma_start3A_100 = arith.constant 0 : i32
      %dma_start3A_101 = tpu.memref_slice %arg12[%dma_start3A_99, %dma_start3A_100] : memref<128x128xf32, #tpu.memory_space<vmem>> -> memref<128x128xf32, #tpu.memory_space<vmem>>
      %dma_start3A_102 = arith.constant 0 : i32
      %dma_start3A_103 = tpu.memref_slice %arg7[%add3A_75, %dma_start3A_102] : memref<10112x128xf32, #tpu.memory_space<vmem_shared>> -> memref<128x128xf32, #tpu.memory_space<vmem_shared>>
      tpu.enqueue_dma source(%dma_start3A_103 : memref<128x128xf32, #tpu.memory_space<vmem_shared>>) target(%dma_start3A_101 : memref<128x128xf32, #tpu.memory_space<vmem>>) target_semaphore(%run_scoped3A : memref<!tpu.dma_semaphore, #tpu.memory_space<semaphore_mem>>)
      %dma_wait3A = arith.constant 0 : i32
      %dma_wait3A_104 = arith.constant 0 : i32
      %dma_wait3A_105 = tpu.memref_slice %arg12[%dma_wait3A, %dma_wait3A_104] : memref<128x128xf32, #tpu.memory_space<vmem>> -> memref<128x128xf32, #tpu.memory_space<vmem>>
      %dma_wait3A_106 = arith.constant 0 : i32
      %dma_wait3A_107 = tpu.memref_slice %arg7[%add3A_75, %dma_wait3A_106] : memref<10112x128xf32, #tpu.memory_space<vmem_shared>> -> memref<128x128xf32, #tpu.memory_space<vmem_shared>>
      %dma_wait3A_108 = arith.constant 0 : i32
      %dma_wait3A_109 = arith.constant 0 : i32
      %dma_wait3A_110 = tpu.memref_slice %arg12[%dma_wait3A_108, %dma_wait3A_109] : memref<128x128xf32, #tpu.memory_space<vmem>> -> memref<128x128xf32, #tpu.memory_space<vmem>>
      %dma_wait3A_111 = arith.constant 0 : i32
      %dma_wait3A_112 = tpu.memref_slice %arg7[%add3A_75, %dma_wait3A_111] : memref<10112x128xf32, #tpu.memory_space<vmem_shared>> -> memref<128x128xf32, #tpu.memory_space<vmem_shared>>
      tpu.wait_dma2 semaphore(%run_scoped3A : memref<!tpu.dma_semaphore, #tpu.memory_space<semaphore_mem>>) src(%dma_wait3A_112 : memref<128x128xf32, #tpu.memory_space<vmem_shared>>) dst(%dma_wait3A_110 : memref<128x128xf32, #tpu.memory_space<vmem>>)
      tpu.yield
    }) : () -> ()
    %mul3A_76 = arith.constant 10112 : i32
    %mul3A_77 = arith.muli %arg0, %mul3A_76 : i32
    %mul3A_78 = arith.constant 632 : i32
    %mul3A_79 = arith.muli %arg1, %mul3A_78 : i32
    %add3A_80 = arith.addi %mul3A_77, %mul3A_79 : i32
    %add3A_81 = arith.constant 384 : i32
    %add3A_82 = arith.addi %add3A_80, %add3A_81 : i32
    "tpu.region"() ({
      %run_scoped3A = tpu.sem_alloc : memref<!tpu.dma_semaphore, #tpu.memory_space<semaphore_mem>>
      %dma_start3A_94 = arith.constant 0 : i32
      %dma_start3A_95 = arith.constant 0 : i32
      %dma_start3A_96 = tpu.memref_slice %arg12[%dma_start3A_94, %dma_start3A_95] : memref<128x128xf32, #tpu.memory_space<vmem>> -> memref<128x128xf32, #tpu.memory_space<vmem>>
      %dma_start3A_97 = arith.constant 0 : i32
      %dma_start3A_98 = tpu.memref_slice %arg6[%add3A_82, %dma_start3A_97] : memref<20224x128xf32, #tpu.memory_space<hbm>> -> memref<128x128xf32, #tpu.memory_space<hbm>>
      %dma_start3A_99 = arith.constant 0 : i32
      %dma_start3A_100 = tpu.memref_slice %arg6[%add3A_82, %dma_start3A_99] : memref<20224x128xf32, #tpu.memory_space<hbm>> -> memref<128x128xf32, #tpu.memory_space<hbm>>
      %dma_start3A_101 = arith.constant 0 : i32
      %dma_start3A_102 = arith.constant 0 : i32
      %dma_start3A_103 = tpu.memref_slice %arg12[%dma_start3A_101, %dma_start3A_102] : memref<128x128xf32, #tpu.memory_space<vmem>> -> memref<128x128xf32, #tpu.memory_space<vmem>>
      tpu.enqueue_dma source(%dma_start3A_103 : memref<128x128xf32, #tpu.memory_space<vmem>>) target(%dma_start3A_100 : memref<128x128xf32, #tpu.memory_space<hbm>>) target_semaphore(%run_scoped3A : memref<!tpu.dma_semaphore, #tpu.memory_space<semaphore_mem>>)
      %dma_wait3A = arith.constant 0 : i32
      %dma_wait3A_104 = arith.constant 0 : i32
      %dma_wait3A_105 = tpu.memref_slice %arg12[%dma_wait3A, %dma_wait3A_104] : memref<128x128xf32, #tpu.memory_space<vmem>> -> memref<128x128xf32, #tpu.memory_space<vmem>>
      %dma_wait3A_106 = arith.constant 0 : i32
      %dma_wait3A_107 = tpu.memref_slice %arg6[%add3A_82, %dma_wait3A_106] : memref<20224x128xf32, #tpu.memory_space<hbm>> -> memref<128x128xf32, #tpu.memory_space<hbm>>
      %dma_wait3A_108 = arith.constant 0 : i32
      %dma_wait3A_109 = tpu.memref_slice %arg6[%add3A_82, %dma_wait3A_108] : memref<20224x128xf32, #tpu.memory_space<hbm>> -> memref<128x128xf32, #tpu.memory_space<hbm>>
      %dma_wait3A_110 = arith.constant 0 : i32
      %dma_wait3A_111 = arith.constant 0 : i32
      %dma_wait3A_112 = tpu.memref_slice %arg12[%dma_wait3A_110, %dma_wait3A_111] : memref<128x128xf32, #tpu.memory_space<vmem>> -> memref<128x128xf32, #tpu.memory_space<vmem>>
      tpu.wait_dma2 semaphore(%run_scoped3A : memref<!tpu.dma_semaphore, #tpu.memory_space<semaphore_mem>>) src(%dma_wait3A_112 : memref<128x128xf32, #tpu.memory_space<vmem>>) dst(%dma_wait3A_109 : memref<128x128xf32, #tpu.memory_space<hbm>>)
      tpu.yield
    }) : () -> ()
    %mul3A_83 = arith.constant 632 : i32
    %mul3A_84 = arith.muli %arg1, %mul3A_83 : i32
    %add3A_85 = arith.constant 512 : i32
    %add3A_86 = arith.addi %mul3A_84, %add3A_85 : i32
    "tpu.region"() ({
      %run_scoped3A = tpu.sem_alloc : memref<!tpu.dma_semaphore, #tpu.memory_space<semaphore_mem>>
      %dma_start3A_94 = arith.constant 0 : i32
      %dma_start3A_95 = arith.constant 0 : i32
      %dma_start3A_96 = tpu.memref_slice %arg12[%dma_start3A_94, %dma_start3A_95] : memref<128x128xf32, #tpu.memory_space<vmem>> -> memref<120x128xf32, #tpu.memory_space<vmem>>
      %dma_start3A_97 = arith.constant 0 : i32
      %dma_start3A_98 = tpu.memref_slice %arg7[%add3A_86, %dma_start3A_97] : memref<10112x128xf32, #tpu.memory_space<vmem_shared>> -> memref<120x128xf32, #tpu.memory_space<vmem_shared>>
      %dma_start3A_99 = arith.constant 0 : i32
      %dma_start3A_100 = arith.constant 0 : i32
      %dma_start3A_101 = tpu.memref_slice %arg12[%dma_start3A_99, %dma_start3A_100] : memref<128x128xf32, #tpu.memory_space<vmem>> -> memref<120x128xf32, #tpu.memory_space<vmem>>
      %dma_start3A_102 = arith.constant 0 : i32
      %dma_start3A_103 = tpu.memref_slice %arg7[%add3A_86, %dma_start3A_102] : memref<10112x128xf32, #tpu.memory_space<vmem_shared>> -> memref<120x128xf32, #tpu.memory_space<vmem_shared>>
      tpu.enqueue_dma source(%dma_start3A_103 : memref<120x128xf32, #tpu.memory_space<vmem_shared>>) target(%dma_start3A_101 : memref<120x128xf32, #tpu.memory_space<vmem>>) target_semaphore(%run_scoped3A : memref<!tpu.dma_semaphore, #tpu.memory_space<semaphore_mem>>)
      %dma_wait3A = arith.constant 0 : i32
      %dma_wait3A_104 = arith.constant 0 : i32
      %dma_wait3A_105 = tpu.memref_slice %arg12[%dma_wait3A, %dma_wait3A_104] : memref<128x128xf32, #tpu.memory_space<vmem>> -> memref<120x128xf32, #tpu.memory_space<vmem>>
      %dma_wait3A_106 = arith.constant 0 : i32
      %dma_wait3A_107 = tpu.memref_slice %arg7[%add3A_86, %dma_wait3A_106] : memref<10112x128xf32, #tpu.memory_space<vmem_shared>> -> memref<120x128xf32, #tpu.memory_space<vmem_shared>>
      %dma_wait3A_108 = arith.constant 0 : i32
      %dma_wait3A_109 = arith.constant 0 : i32
      %dma_wait3A_110 = tpu.memref_slice %arg12[%dma_wait3A_108, %dma_wait3A_109] : memref<128x128xf32, #tpu.memory_space<vmem>> -> memref<120x128xf32, #tpu.memory_space<vmem>>
      %dma_wait3A_111 = arith.constant 0 : i32
      %dma_wait3A_112 = tpu.memref_slice %arg7[%add3A_86, %dma_wait3A_111] : memref<10112x128xf32, #tpu.memory_space<vmem_shared>> -> memref<120x128xf32, #tpu.memory_space<vmem_shared>>
      tpu.wait_dma2 semaphore(%run_scoped3A : memref<!tpu.dma_semaphore, #tpu.memory_space<semaphore_mem>>) src(%dma_wait3A_112 : memref<120x128xf32, #tpu.memory_space<vmem_shared>>) dst(%dma_wait3A_110 : memref<120x128xf32, #tpu.memory_space<vmem>>)
      tpu.yield
    }) : () -> ()
    %mul3A_87 = arith.constant 10112 : i32
    %mul3A_88 = arith.muli %arg0, %mul3A_87 : i32
    %mul3A_89 = arith.constant 632 : i32
    %mul3A_90 = arith.muli %arg1, %mul3A_89 : i32
    %add3A_91 = arith.addi %mul3A_88, %mul3A_90 : i32
    %add3A_92 = arith.constant 512 : i32
    %add3A_93 = arith.addi %add3A_91, %add3A_92 : i32
    "tpu.region"() ({
      %run_scoped3A = tpu.sem_alloc : memref<!tpu.dma_semaphore, #tpu.memory_space<semaphore_mem>>
      %dma_start3A_94 = arith.constant 0 : i32
      %dma_start3A_95 = arith.constant 0 : i32
      %dma_start3A_96 = tpu.memref_slice %arg12[%dma_start3A_94, %dma_start3A_95] : memref<128x128xf32, #tpu.memory_space<vmem>> -> memref<120x128xf32, #tpu.memory_space<vmem>>
      %dma_start3A_97 = arith.constant 0 : i32
      %dma_start3A_98 = tpu.memref_slice %arg6[%add3A_93, %dma_start3A_97] : memref<20224x128xf32, #tpu.memory_space<hbm>> -> memref<120x128xf32, #tpu.memory_space<hbm>>
      %dma_start3A_99 = arith.constant 0 : i32
      %dma_start3A_100 = tpu.memref_slice %arg6[%add3A_93, %dma_start3A_99] : memref<20224x128xf32, #tpu.memory_space<hbm>> -> memref<120x128xf32, #tpu.memory_space<hbm>>
      %dma_start3A_101 = arith.constant 0 : i32
      %dma_start3A_102 = arith.constant 0 : i32
      %dma_start3A_103 = tpu.memref_slice %arg12[%dma_start3A_101, %dma_start3A_102] : memref<128x128xf32, #tpu.memory_space<vmem>> -> memref<120x128xf32, #tpu.memory_space<vmem>>
      tpu.enqueue_dma source(%dma_start3A_103 : memref<120x128xf32, #tpu.memory_space<vmem>>) target(%dma_start3A_100 : memref<120x128xf32, #tpu.memory_space<hbm>>) target_semaphore(%run_scoped3A : memref<!tpu.dma_semaphore, #tpu.memory_space<semaphore_mem>>)
      %dma_wait3A = arith.constant 0 : i32
      %dma_wait3A_104 = arith.constant 0 : i32
      %dma_wait3A_105 = tpu.memref_slice %arg12[%dma_wait3A, %dma_wait3A_104] : memref<128x128xf32, #tpu.memory_space<vmem>> -> memref<120x128xf32, #tpu.memory_space<vmem>>
      %dma_wait3A_106 = arith.constant 0 : i32
      %dma_wait3A_107 = tpu.memref_slice %arg6[%add3A_93, %dma_wait3A_106] : memref<20224x128xf32, #tpu.memory_space<hbm>> -> memref<120x128xf32, #tpu.memory_space<hbm>>
      %dma_wait3A_108 = arith.constant 0 : i32
      %dma_wait3A_109 = tpu.memref_slice %arg6[%add3A_93, %dma_wait3A_108] : memref<20224x128xf32, #tpu.memory_space<hbm>> -> memref<120x128xf32, #tpu.memory_space<hbm>>
      %dma_wait3A_110 = arith.constant 0 : i32
      %dma_wait3A_111 = arith.constant 0 : i32
      %dma_wait3A_112 = tpu.memref_slice %arg12[%dma_wait3A_110, %dma_wait3A_111] : memref<128x128xf32, #tpu.memory_space<vmem>> -> memref<120x128xf32, #tpu.memory_space<vmem>>
      tpu.wait_dma2 semaphore(%run_scoped3A : memref<!tpu.dma_semaphore, #tpu.memory_space<semaphore_mem>>) src(%dma_wait3A_112 : memref<120x128xf32, #tpu.memory_space<vmem>>) dst(%dma_wait3A_109 : memref<120x128xf32, #tpu.memory_space<hbm>>)
      tpu.yield
    }) : () -> ()
    return
  }
}

module attributes {stable_mosaic.version = 14 : i64} {
  func.func @_lin_body(%arg0: i32, %arg1: memref<1000x128xf32, #tpu.memory_space<vmem>>, %arg2: memref<128x128xf32, #tpu.memory_space<vmem>>, %arg3: memref<128x128xf32, #tpu.memory_space<vmem>>, %arg4: memref<1x128xf32, #tpu.memory_space<vmem>>, %arg5: memref<1000x128xf32, #tpu.memory_space<vmem>>, %arg6: memref<1000x128xf32, #tpu.memory_space<vmem>>) attributes {dimension_semantics = [#tpu.dimension_semantics<arbitrary>], iteration_bounds = array<i64: 10>, scalar_prefetch = 0 : i64, scratch_operands = 0 : i64, tpu.core_type = #tpu.core_type<tc>, window_params = [{transform_indices = @transform_0, window_bounds = array<i64: 1000, 128>}, {pipeline_mode = #tpu.pipeline_mode<synchronous>, transform_indices = @transform_1, window_bounds = array<i64: 128, 128>}, {pipeline_mode = #tpu.pipeline_mode<synchronous>, transform_indices = @transform_2, window_bounds = array<i64: 128, 128>}, {pipeline_mode = #tpu.pipeline_mode<synchronous>, transform_indices = @transform_3, window_bounds = array<i64: 1, 128>}, {transform_indices = @transform_4, window_bounds = array<i64: 1000, 128>}, {transform_indices = @transform_5, window_bounds = array<i64: 1000, 128>}]} {
    %get3A = arith.constant 0 : index
    %get3A_0 = arith.constant 0 : index
    %get3A_1 = vector.load %arg1[%get3A, %get3A_0] : memref<1000x128xf32, #tpu.memory_space<vmem>>, vector<1000x128xf32>
    %get3A_2 = arith.constant 0 : index
    %get3A_3 = arith.constant 0 : index
    %get3A_4 = vector.load %arg2[%get3A_2, %get3A_3] : memref<128x128xf32, #tpu.memory_space<vmem>>, vector<128x128xf32>
    %dot_general3A = arith.constant dense<0.000000e+00> : vector<1000x128xf32>
    %dot_general3A_5 = tpu.matmul %get3A_1, %get3A_4, %dot_general3A {dimension_numbers = #tpu.dot_dimension_numbers<[1], [0], [0], [1], [0, 0, 1, 1], [], []>, transpose_lhs_hint = false} : vector<1000x128xf32>, vector<128x128xf32>, vector<1000x128xf32> -> vector<1000x128xf32>
    %swap3A = arith.constant 0 : index
    %swap3A_6 = arith.constant 0 : index
    %swap3A_7 = vector.load %arg5[%swap3A, %swap3A_6] : memref<1000x128xf32, #tpu.memory_space<vmem>>, vector<1000x128xf32>
    tpu.vector_store %arg5[%swap3A, %swap3A_6], %dot_general3A_5 {strides = array<i32>} : memref<1000x128xf32, #tpu.memory_space<vmem>>, vector<1000x128xf32>,
    %get3A_8 = arith.constant 0 : index
    %get3A_9 = arith.constant 0 : index
    %get3A_10 = vector.load %arg3[%get3A_8, %get3A_9] : memref<128x128xf32, #tpu.memory_space<vmem>>, vector<128x128xf32>
    %dot_general3A_11 = arith.constant dense<0.000000e+00> : vector<1000x128xf32>
    %dot_general3A_12 = tpu.matmul %get3A_1, %get3A_10, %dot_general3A_11 {dimension_numbers = #tpu.dot_dimension_numbers<[1], [0], [0], [1], [0, 0, 1, 1], [], []>, transpose_lhs_hint = false} : vector<1000x128xf32>, vector<128x128xf32>, vector<1000x128xf32> -> vector<1000x128xf32>
    %get3A_13 = arith.constant 0 : index
    %get3A_14 = arith.constant 0 : index
    %get3A_15 = vector.load %arg4[%get3A_13, %get3A_14] : memref<1x128xf32, #tpu.memory_space<vmem>>, vector<1x128xf32>
    %add3A = vector.broadcast %get3A_15 : vector<1x128xf32> to vector<1000x128xf32>
    %add3A_16 = arith.addf %dot_general3A_12, %add3A : vector<1000x128xf32>
    %swap3A_17 = arith.constant 0 : index
    %swap3A_18 = arith.constant 0 : index
    %swap3A_19 = vector.load %arg6[%swap3A_17, %swap3A_18] : memref<1000x128xf32, #tpu.memory_space<vmem>>, vector<1000x128xf32>
    tpu.vector_store %arg6[%swap3A_17, %swap3A_18], %add3A_16 {strides = array<i32>} : memref<1000x128xf32, #tpu.memory_space<vmem>>, vector<1000x128xf32>,
    return
  }
  func.func @transform_0(%arg0: i32) -> (i32, i32) {
    %c0_i32 = arith.constant 0 : i32
    %c0_i32_0 = arith.constant 0 : i32
    return %arg0, %c0_i32 : i32, i32
  }
  func.func @transform_1(%arg0: i32) -> (i32, i32) {
    %c0_i32 = arith.constant 0 : i32
    %c0_i32_0 = arith.constant 0 : i32
    %c0_i32_1 = arith.constant 0 : i32
    return %c0_i32, %c0_i32_0 : i32, i32
  }
  func.func @transform_2(%arg0: i32) -> (i32, i32) {
    %c0_i32 = arith.constant 0 : i32
    %c0_i32_0 = arith.constant 0 : i32
    %c0_i32_1 = arith.constant 0 : i32
    return %c0_i32, %c0_i32_0 : i32, i32
  }
  func.func @transform_3(%arg0: i32) -> (i32, i32) {
    %c0_i32 = arith.constant 0 : i32
    %c0_i32_0 = arith.constant 0 : i32
    %c0_i32_1 = arith.constant 0 : i32
    return %c0_i32, %c0_i32_0 : i32, i32
  }
  func.func @transform_4(%arg0: i32) -> (i32, i32) {
    %c0_i32 = arith.constant 0 : i32
    %c0_i32_0 = arith.constant 0 : i32
    return %arg0, %c0_i32 : i32, i32
  }
  func.func @transform_5(%arg0: i32) -> (i32, i32) {
    %c0_i32 = arith.constant 0 : i32
    %c0_i32_0 = arith.constant 0 : i32
    return %arg0, %c0_i32 : i32, i32
  }
}

module attributes {stable_mosaic.version = 14 : i64} {
  func.func @_comblin_body(%arg0: i32, %arg1: memref<1x1000x128xf32, #tpu.memory_space<vmem>>, %arg2: memref<1x1000x128xf32, #tpu.memory_space<vmem>>, %arg3: memref<1x1000x16xf32, #tpu.memory_space<vmem>>, %arg4: memref<1x1000x16xf32, #tpu.memory_space<vmem>>, %arg5: memref<1000x128xf32, #tpu.memory_space<vmem>>, %arg6: memref<1x128xf32, #tpu.memory_space<vmem>>, %arg7: memref<1x128xf32, #tpu.memory_space<vmem>>, %arg8: memref<128x128xf32, #tpu.memory_space<vmem>>, %arg9: memref<128x128xf32, #tpu.memory_space<vmem>>, %arg10: memref<1x128xf32, #tpu.memory_space<vmem>>, %arg11: memref<1000x128xf32, #tpu.memory_space<vmem>>, %arg12: memref<1000x128xf32, #tpu.memory_space<vmem>>) attributes {dimension_semantics = [#tpu.dimension_semantics<arbitrary>], iteration_bounds = array<i64: 10>, scalar_prefetch = 0 : i64, scratch_operands = 0 : i64, tpu.core_type = #tpu.core_type<tc>, window_params = [{transform_indices = @transform_0, window_bounds = array<i64: 1, 1000, 128>}, {transform_indices = @transform_1, window_bounds = array<i64: 1, 1000, 128>}, {transform_indices = @transform_2, window_bounds = array<i64: 1, 1000, 16>}, {transform_indices = @transform_3, window_bounds = array<i64: 1, 1000, 16>}, {transform_indices = @transform_4, window_bounds = array<i64: 1000, 128>}, {pipeline_mode = #tpu.pipeline_mode<synchronous>, transform_indices = @transform_5, window_bounds = array<i64: 1, 128>}, {pipeline_mode = #tpu.pipeline_mode<synchronous>, transform_indices = @transform_6, window_bounds = array<i64: 1, 128>}, {pipeline_mode = #tpu.pipeline_mode<synchronous>, transform_indices = @transform_7, window_bounds = array<i64: 128, 128>}, {pipeline_mode = #tpu.pipeline_mode<synchronous>, transform_indices = @transform_8, window_bounds = array<i64: 128, 128>}, {pipeline_mode = #tpu.pipeline_mode<synchronous>, transform_indices = @transform_9, window_bounds = array<i64: 1, 128>}, {transform_indices = @transform_10, window_bounds = array<i64: 1000, 128>}, {transform_indices = @transform_11, window_bounds = array<i64: 1000, 128>}]} {
    %get3A = arith.constant 0 : index
    %get3A_0 = arith.constant 0 : index
    %get3A_1 = arith.constant 0 : index
    %get3A_2 = vector.load %arg1[%get3A, %get3A_0, %get3A_1] : memref<1x1000x128xf32, #tpu.memory_space<vmem>>, vector<1x1000x128xf32>
    %get3A_3 = arith.constant 0 : index
    %get3A_4 = arith.constant 0 : index
    %get3A_5 = arith.constant 0 : index
    %get3A_6 = vector.load %arg2[%get3A_3, %get3A_4, %get3A_5] : memref<1x1000x128xf32, #tpu.memory_space<vmem>>, vector<1x1000x128xf32>
    %get3A_7 = arith.constant 0 : index
    %get3A_8 = arith.constant 0 : index
    %get3A_9 = arith.constant 0 : index
    %get3A_10 = vector.load %arg3[%get3A_7, %get3A_8, %get3A_9] : memref<1x1000x16xf32, #tpu.memory_space<vmem>>, vector<1x1000x16xf32>
    %get3A_11 = arith.constant 0 : index
    %get3A_12 = arith.constant 0 : index
    %get3A_13 = arith.constant 0 : index
    %get3A_14 = vector.load %arg4[%get3A_11, %get3A_12, %get3A_13] : memref<1x1000x16xf32, #tpu.memory_space<vmem>>, vector<1x1000x16xf32>
    %get3A_15 = arith.constant 0 : index
    %get3A_16 = arith.constant 0 : index
    %get3A_17 = vector.load %arg5[%get3A_15, %get3A_16] : memref<1000x128xf32, #tpu.memory_space<vmem>>, vector<1000x128xf32>
    %get3A_18 = arith.constant 0 : index
    %get3A_19 = arith.constant 0 : index
    %get3A_20 = vector.load %arg6[%get3A_18, %get3A_19] : memref<1x128xf32, #tpu.memory_space<vmem>>, vector<1x128xf32>
    %get3A_21 = arith.constant 0 : index
    %get3A_22 = arith.constant 0 : index
    %get3A_23 = vector.load %arg7[%get3A_21, %get3A_22] : memref<1x128xf32, #tpu.memory_space<vmem>>, vector<1x128xf32>
    %slice3A = vector.extract_strided_slice %get3A_10 {offsets = [0, 0, 0], sizes = [1, 1000, 1], strides = [1, 1, 1]} : vector<1x1000x16xf32> to vector<1x1000x1xf32>
    %squeeze3A = vector.shape_cast %slice3A : vector<1x1000x1xf32> to vector<1000x1xf32>
    %slice3A_24 = vector.extract_strided_slice %get3A_14 {offsets = [0, 0, 0], sizes = [1, 1000, 1], strides = [1, 1, 1]} : vector<1x1000x16xf32> to vector<1x1000x1xf32>
    %squeeze3A_25 = vector.shape_cast %slice3A_24 : vector<1x1000x1xf32> to vector<1000x1xf32>
    %add3A = arith.addf %squeeze3A, %squeeze3A_25 : vector<1000x1xf32>
    %squeeze3A_26 = vector.shape_cast %get3A_2 : vector<1x1000x128xf32> to vector<1000x128xf32>
    %squeeze3A_27 = vector.shape_cast %get3A_6 : vector<1x1000x128xf32> to vector<1000x128xf32>
    %add3A_28 = arith.addf %squeeze3A_26, %squeeze3A_27 : vector<1000x128xf32>
    %jit3A = arith.constant 1.000000e+00 : f32
    %max3A = vector.broadcast %jit3A : f32 to vector<1000x1xf32>
    %max3A_29 = arith.maximumf %max3A, %add3A : vector<1000x1xf32>
    %div3A = vector.broadcast %max3A_29 : vector<1000x1xf32> to vector<1000x128xf32>
    %div3A_30 = arith.divf %add3A_28, %div3A : vector<1000x128xf32>
    %add3A_31 = arith.addf %div3A_30, %get3A_17 : vector<1000x128xf32>
    %reduce_sum3A = arith.constant dense<0.000000e+00> : vector<1000xf32>
    %reduce_sum3A_32 = vector.multi_reduction <add>, %add3A_31, %reduce_sum3A [1] : vector<1000x128xf32> to vector<1000xf32>
    %broadcast_in_dim3A = vector.shape_cast %reduce_sum3A_32 : vector<1000xf32> to vector<1000x1xf32>
    %div3A_33 = arith.constant 1.280000e+02 : f32
    %div3A_34 = vector.broadcast %div3A_33 : f32 to vector<1000x1xf32>
    %div3A_35 = arith.divf %broadcast_in_dim3A, %div3A_34 : vector<1000x1xf32>
    %sub3A = vector.broadcast %div3A_35 : vector<1000x1xf32> to vector<1000x128xf32>
    %sub3A_36 = arith.subf %add3A_31, %sub3A : vector<1000x128xf32>
    %integer_pow3A = arith.mulf %sub3A_36, %sub3A_36 : vector<1000x128xf32>
    %reduce_sum3A_37 = arith.constant dense<0.000000e+00> : vector<1000xf32>
    %reduce_sum3A_38 = vector.multi_reduction <add>, %integer_pow3A, %reduce_sum3A_37 [1] : vector<1000x128xf32> to vector<1000xf32>
    %broadcast_in_dim3A_39 = vector.shape_cast %reduce_sum3A_38 : vector<1000xf32> to vector<1000x1xf32>
    %div3A_40 = arith.constant 1.280000e+02 : f32
    %div3A_41 = vector.broadcast %div3A_40 : f32 to vector<1000x1xf32>
    %div3A_42 = arith.divf %broadcast_in_dim3A_39, %div3A_41 : vector<1000x1xf32>
    %sub3A_43 = vector.broadcast %div3A_35 : vector<1000x1xf32> to vector<1000x128xf32>
    %sub3A_44 = arith.subf %add3A_31, %sub3A_43 : vector<1000x128xf32>
    %add3A_45 = arith.constant 9.99999974E-6 : f32
    %add3A_46 = vector.broadcast %add3A_45 : f32 to vector<1000x1xf32>
    %add3A_47 = arith.addf %div3A_42, %add3A_46 : vector<1000x1xf32>
    %rsqrt3A = math.rsqrt %add3A_47 : vector<1000x1xf32>
    %mul3A = vector.broadcast %rsqrt3A : vector<1000x1xf32> to vector<1000x128xf32>
    %mul3A_48 = arith.mulf %sub3A_44, %mul3A : vector<1000x128xf32>
    %mul3A_49 = vector.broadcast %get3A_20 : vector<1x128xf32> to vector<1000x128xf32>
    %mul3A_50 = arith.mulf %mul3A_48, %mul3A_49 : vector<1000x128xf32>
    %add3A_51 = vector.broadcast %get3A_23 : vector<1x128xf32> to vector<1000x128xf32>
    %add3A_52 = arith.addf %mul3A_50, %add3A_51 : vector<1000x128xf32>
    %max3A_53 = arith.constant 0.000000e+00 : f32
    %max3A_54 = vector.broadcast %max3A_53 : f32 to vector<1000x128xf32>
    %max3A_55 = arith.maximumf %add3A_52, %max3A_54 : vector<1000x128xf32>
    %get3A_56 = arith.constant 0 : index
    %get3A_57 = arith.constant 0 : index
    %get3A_58 = vector.load %arg8[%get3A_56, %get3A_57] : memref<128x128xf32, #tpu.memory_space<vmem>>, vector<128x128xf32>
    %dot_general3A = arith.constant dense<0.000000e+00> : vector<1000x128xf32>
    %dot_general3A_59 = tpu.matmul %max3A_55, %get3A_58, %dot_general3A {dimension_numbers = #tpu.dot_dimension_numbers<[1], [0], [0], [1], [0, 0, 1, 1], [], []>, transpose_lhs_hint = false} : vector<1000x128xf32>, vector<128x128xf32>, vector<1000x128xf32> -> vector<1000x128xf32>
    %swap3A = arith.constant 0 : index
    %swap3A_60 = arith.constant 0 : index
    %swap3A_61 = vector.load %arg11[%swap3A, %swap3A_60] : memref<1000x128xf32, #tpu.memory_space<vmem>>, vector<1000x128xf32>
    tpu.vector_store %arg11[%swap3A, %swap3A_60], %dot_general3A_59 {strides = array<i32>} : memref<1000x128xf32, #tpu.memory_space<vmem>>, vector<1000x128xf32>,
    %get3A_62 = arith.constant 0 : index
    %get3A_63 = arith.constant 0 : index
    %get3A_64 = vector.load %arg9[%get3A_62, %get3A_63] : memref<128x128xf32, #tpu.memory_space<vmem>>, vector<128x128xf32>
    %dot_general3A_65 = arith.constant dense<0.000000e+00> : vector<1000x128xf32>
    %dot_general3A_66 = tpu.matmul %max3A_55, %get3A_64, %dot_general3A_65 {dimension_numbers = #tpu.dot_dimension_numbers<[1], [0], [0], [1], [0, 0, 1, 1], [], []>, transpose_lhs_hint = false} : vector<1000x128xf32>, vector<128x128xf32>, vector<1000x128xf32> -> vector<1000x128xf32>
    %get3A_67 = arith.constant 0 : index
    %get3A_68 = arith.constant 0 : index
    %get3A_69 = vector.load %arg10[%get3A_67, %get3A_68] : memref<1x128xf32, #tpu.memory_space<vmem>>, vector<1x128xf32>
    %add3A_70 = vector.broadcast %get3A_69 : vector<1x128xf32> to vector<1000x128xf32>
    %add3A_71 = arith.addf %dot_general3A_66, %add3A_70 : vector<1000x128xf32>
    %swap3A_72 = arith.constant 0 : index
    %swap3A_73 = arith.constant 0 : index
    %swap3A_74 = vector.load %arg12[%swap3A_72, %swap3A_73] : memref<1000x128xf32, #tpu.memory_space<vmem>>, vector<1000x128xf32>
    tpu.vector_store %arg12[%swap3A_72, %swap3A_73], %add3A_71 {strides = array<i32>} : memref<1000x128xf32, #tpu.memory_space<vmem>>, vector<1000x128xf32>,
    return
  }
  func.func @transform_0(%arg0: i32) -> (i32, i32, i32) {
    %c0_i32 = arith.constant 0 : i32
    %c0_i32_0 = arith.constant 0 : i32
    %c0_i32_1 = arith.constant 0 : i32
    return %c0_i32, %arg0, %c0_i32_0 : i32, i32, i32
  }
  func.func @transform_1(%arg0: i32) -> (i32, i32, i32) {
    %c1_i32 = arith.constant 1 : i32
    %c0_i32 = arith.constant 0 : i32
    %c0_i32_0 = arith.constant 0 : i32
    return %c1_i32, %arg0, %c0_i32 : i32, i32, i32
  }
  func.func @transform_2(%arg0: i32) -> (i32, i32, i32) {
    %c0_i32 = arith.constant 0 : i32
    %c0_i32_0 = arith.constant 0 : i32
    %c0_i32_1 = arith.constant 0 : i32
    return %c0_i32, %arg0, %c0_i32_0 : i32, i32, i32
  }
  func.func @transform_3(%arg0: i32) -> (i32, i32, i32) {
    %c1_i32 = arith.constant 1 : i32
    %c0_i32 = arith.constant 0 : i32
    %c0_i32_0 = arith.constant 0 : i32
    return %c1_i32, %arg0, %c0_i32 : i32, i32, i32
  }
  func.func @transform_4(%arg0: i32) -> (i32, i32) {
    %c0_i32 = arith.constant 0 : i32
    %c0_i32_0 = arith.constant 0 : i32
    return %arg0, %c0_i32 : i32, i32
  }
  func.func @transform_5(%arg0: i32) -> (i32, i32) {
    %c0_i32 = arith.constant 0 : i32
    %c0_i32_0 = arith.constant 0 : i32
    %c0_i32_1 = arith.constant 0 : i32
    return %c0_i32, %c0_i32_0 : i32, i32
  }
  func.func @transform_6(%arg0: i32) -> (i32, i32) {
    %c0_i32 = arith.constant 0 : i32
    %c0_i32_0 = arith.constant 0 : i32
    %c0_i32_1 = arith.constant 0 : i32
    return %c0_i32, %c0_i32_0 : i32, i32
  }
  func.func @transform_7(%arg0: i32) -> (i32, i32) {
    %c0_i32 = arith.constant 0 : i32
    %c0_i32_0 = arith.constant 0 : i32
    %c0_i32_1 = arith.constant 0 : i32
    return %c0_i32, %c0_i32_0 : i32, i32
  }
  func.func @transform_8(%arg0: i32) -> (i32, i32) {
    %c0_i32 = arith.constant 0 : i32
    %c0_i32_0 = arith.constant 0 : i32
    %c0_i32_1 = arith.constant 0 : i32
    return %c0_i32, %c0_i32_0 : i32, i32
  }
  func.func @transform_9(%arg0: i32) -> (i32, i32) {
    %c0_i32 = arith.constant 0 : i32
    %c0_i32_0 = arith.constant 0 : i32
    %c0_i32_1 = arith.constant 0 : i32
    return %c0_i32, %c0_i32_0 : i32, i32
  }
  func.func @transform_10(%arg0: i32) -> (i32, i32) {
    %c0_i32 = arith.constant 0 : i32
    %c0_i32_0 = arith.constant 0 : i32
    return %arg0, %c0_i32 : i32, i32
  }
  func.func @transform_11(%arg0: i32) -> (i32, i32) {
    %c0_i32 = arith.constant 0 : i32
    %c0_i32_0 = arith.constant 0 : i32
    return %arg0, %c0_i32 : i32, i32
  }
}

module attributes {stable_mosaic.version = 14 : i64} {
  func.func @_comb_body(%arg0: i32, %arg1: memref<1x1000x128xf32, #tpu.memory_space<vmem>>, %arg2: memref<1x1000x128xf32, #tpu.memory_space<vmem>>, %arg3: memref<1x1000x16xf32, #tpu.memory_space<vmem>>, %arg4: memref<1x1000x16xf32, #tpu.memory_space<vmem>>, %arg5: memref<1000x128xf32, #tpu.memory_space<vmem>>, %arg6: memref<1x128xf32, #tpu.memory_space<vmem>>, %arg7: memref<1x128xf32, #tpu.memory_space<vmem>>, %arg8: memref<1000x128xf32, #tpu.memory_space<vmem>>) attributes {dimension_semantics = [#tpu.dimension_semantics<arbitrary>], iteration_bounds = array<i64: 10>, scalar_prefetch = 0 : i64, scratch_operands = 0 : i64, tpu.core_type = #tpu.core_type<tc>, window_params = [{transform_indices = @transform_0, window_bounds = array<i64: 1, 1000, 128>}, {transform_indices = @transform_1, window_bounds = array<i64: 1, 1000, 128>}, {transform_indices = @transform_2, window_bounds = array<i64: 1, 1000, 16>}, {transform_indices = @transform_3, window_bounds = array<i64: 1, 1000, 16>}, {transform_indices = @transform_4, window_bounds = array<i64: 1000, 128>}, {pipeline_mode = #tpu.pipeline_mode<synchronous>, transform_indices = @transform_5, window_bounds = array<i64: 1, 128>}, {pipeline_mode = #tpu.pipeline_mode<synchronous>, transform_indices = @transform_6, window_bounds = array<i64: 1, 128>}, {transform_indices = @transform_7, window_bounds = array<i64: 1000, 128>}]} {
    %get3A = arith.constant 0 : index
    %get3A_0 = arith.constant 0 : index
    %get3A_1 = arith.constant 0 : index
    %get3A_2 = vector.load %arg1[%get3A, %get3A_0, %get3A_1] : memref<1x1000x128xf32, #tpu.memory_space<vmem>>, vector<1x1000x128xf32>
    %get3A_3 = arith.constant 0 : index
    %get3A_4 = arith.constant 0 : index
    %get3A_5 = arith.constant 0 : index
    %get3A_6 = vector.load %arg2[%get3A_3, %get3A_4, %get3A_5] : memref<1x1000x128xf32, #tpu.memory_space<vmem>>, vector<1x1000x128xf32>
    %get3A_7 = arith.constant 0 : index
    %get3A_8 = arith.constant 0 : index
    %get3A_9 = arith.constant 0 : index
    %get3A_10 = vector.load %arg3[%get3A_7, %get3A_8, %get3A_9] : memref<1x1000x16xf32, #tpu.memory_space<vmem>>, vector<1x1000x16xf32>
    %get3A_11 = arith.constant 0 : index
    %get3A_12 = arith.constant 0 : index
    %get3A_13 = arith.constant 0 : index
    %get3A_14 = vector.load %arg4[%get3A_11, %get3A_12, %get3A_13] : memref<1x1000x16xf32, #tpu.memory_space<vmem>>, vector<1x1000x16xf32>
    %get3A_15 = arith.constant 0 : index
    %get3A_16 = arith.constant 0 : index
    %get3A_17 = vector.load %arg5[%get3A_15, %get3A_16] : memref<1000x128xf32, #tpu.memory_space<vmem>>, vector<1000x128xf32>
    %get3A_18 = arith.constant 0 : index
    %get3A_19 = arith.constant 0 : index
    %get3A_20 = vector.load %arg6[%get3A_18, %get3A_19] : memref<1x128xf32, #tpu.memory_space<vmem>>, vector<1x128xf32>
    %get3A_21 = arith.constant 0 : index
    %get3A_22 = arith.constant 0 : index
    %get3A_23 = vector.load %arg7[%get3A_21, %get3A_22] : memref<1x128xf32, #tpu.memory_space<vmem>>, vector<1x128xf32>
    %slice3A = vector.extract_strided_slice %get3A_10 {offsets = [0, 0, 0], sizes = [1, 1000, 1], strides = [1, 1, 1]} : vector<1x1000x16xf32> to vector<1x1000x1xf32>
    %squeeze3A = vector.shape_cast %slice3A : vector<1x1000x1xf32> to vector<1000x1xf32>
    %slice3A_24 = vector.extract_strided_slice %get3A_14 {offsets = [0, 0, 0], sizes = [1, 1000, 1], strides = [1, 1, 1]} : vector<1x1000x16xf32> to vector<1x1000x1xf32>
    %squeeze3A_25 = vector.shape_cast %slice3A_24 : vector<1x1000x1xf32> to vector<1000x1xf32>
    %add3A = arith.addf %squeeze3A, %squeeze3A_25 : vector<1000x1xf32>
    %squeeze3A_26 = vector.shape_cast %get3A_2 : vector<1x1000x128xf32> to vector<1000x128xf32>
    %squeeze3A_27 = vector.shape_cast %get3A_6 : vector<1x1000x128xf32> to vector<1000x128xf32>
    %add3A_28 = arith.addf %squeeze3A_26, %squeeze3A_27 : vector<1000x128xf32>
    %jit3A = arith.constant 1.000000e+00 : f32
    %max3A = vector.broadcast %jit3A : f32 to vector<1000x1xf32>
    %max3A_29 = arith.maximumf %max3A, %add3A : vector<1000x1xf32>
    %div3A = vector.broadcast %max3A_29 : vector<1000x1xf32> to vector<1000x128xf32>
    %div3A_30 = arith.divf %add3A_28, %div3A : vector<1000x128xf32>
    %add3A_31 = arith.addf %div3A_30, %get3A_17 : vector<1000x128xf32>
    %reduce_sum3A = arith.constant dense<0.000000e+00> : vector<1000xf32>
    %reduce_sum3A_32 = vector.multi_reduction <add>, %add3A_31, %reduce_sum3A [1] : vector<1000x128xf32> to vector<1000xf32>
    %broadcast_in_dim3A = vector.shape_cast %reduce_sum3A_32 : vector<1000xf32> to vector<1000x1xf32>
    %div3A_33 = arith.constant 1.280000e+02 : f32
    %div3A_34 = vector.broadcast %div3A_33 : f32 to vector<1000x1xf32>
    %div3A_35 = arith.divf %broadcast_in_dim3A, %div3A_34 : vector<1000x1xf32>
    %sub3A = vector.broadcast %div3A_35 : vector<1000x1xf32> to vector<1000x128xf32>
    %sub3A_36 = arith.subf %add3A_31, %sub3A : vector<1000x128xf32>
    %integer_pow3A = arith.mulf %sub3A_36, %sub3A_36 : vector<1000x128xf32>
    %reduce_sum3A_37 = arith.constant dense<0.000000e+00> : vector<1000xf32>
    %reduce_sum3A_38 = vector.multi_reduction <add>, %integer_pow3A, %reduce_sum3A_37 [1] : vector<1000x128xf32> to vector<1000xf32>
    %broadcast_in_dim3A_39 = vector.shape_cast %reduce_sum3A_38 : vector<1000xf32> to vector<1000x1xf32>
    %div3A_40 = arith.constant 1.280000e+02 : f32
    %div3A_41 = vector.broadcast %div3A_40 : f32 to vector<1000x1xf32>
    %div3A_42 = arith.divf %broadcast_in_dim3A_39, %div3A_41 : vector<1000x1xf32>
    %sub3A_43 = vector.broadcast %div3A_35 : vector<1000x1xf32> to vector<1000x128xf32>
    %sub3A_44 = arith.subf %add3A_31, %sub3A_43 : vector<1000x128xf32>
    %add3A_45 = arith.constant 9.99999974E-6 : f32
    %add3A_46 = vector.broadcast %add3A_45 : f32 to vector<1000x1xf32>
    %add3A_47 = arith.addf %div3A_42, %add3A_46 : vector<1000x1xf32>
    %rsqrt3A = math.rsqrt %add3A_47 : vector<1000x1xf32>
    %mul3A = vector.broadcast %rsqrt3A : vector<1000x1xf32> to vector<1000x128xf32>
    %mul3A_48 = arith.mulf %sub3A_44, %mul3A : vector<1000x128xf32>
    %mul3A_49 = vector.broadcast %get3A_20 : vector<1x128xf32> to vector<1000x128xf32>
    %mul3A_50 = arith.mulf %mul3A_48, %mul3A_49 : vector<1000x128xf32>
    %add3A_51 = vector.broadcast %get3A_23 : vector<1x128xf32> to vector<1000x128xf32>
    %add3A_52 = arith.addf %mul3A_50, %add3A_51 : vector<1000x128xf32>
    %max3A_53 = arith.constant 0.000000e+00 : f32
    %max3A_54 = vector.broadcast %max3A_53 : f32 to vector<1000x128xf32>
    %max3A_55 = arith.maximumf %add3A_52, %max3A_54 : vector<1000x128xf32>
    %swap3A = arith.constant 0 : index
    %swap3A_56 = arith.constant 0 : index
    %swap3A_57 = vector.load %arg8[%swap3A, %swap3A_56] : memref<1000x128xf32, #tpu.memory_space<vmem>>, vector<1000x128xf32>
    tpu.vector_store %arg8[%swap3A, %swap3A_56], %max3A_55 {strides = array<i32>} : memref<1000x128xf32, #tpu.memory_space<vmem>>, vector<1000x128xf32>,
    return
  }
  func.func @transform_0(%arg0: i32) -> (i32, i32, i32) {
    %c0_i32 = arith.constant 0 : i32
    %c0_i32_0 = arith.constant 0 : i32
    %c0_i32_1 = arith.constant 0 : i32
    return %c0_i32, %arg0, %c0_i32_0 : i32, i32, i32
  }
  func.func @transform_1(%arg0: i32) -> (i32, i32, i32) {
    %c1_i32 = arith.constant 1 : i32
    %c0_i32 = arith.constant 0 : i32
    %c0_i32_0 = arith.constant 0 : i32
    return %c1_i32, %arg0, %c0_i32 : i32, i32, i32
  }
  func.func @transform_2(%arg0: i32) -> (i32, i32, i32) {
    %c0_i32 = arith.constant 0 : i32
    %c0_i32_0 = arith.constant 0 : i32
    %c0_i32_1 = arith.constant 0 : i32
    return %c0_i32, %arg0, %c0_i32_0 : i32, i32, i32
  }
  func.func @transform_3(%arg0: i32) -> (i32, i32, i32) {
    %c1_i32 = arith.constant 1 : i32
    %c0_i32 = arith.constant 0 : i32
    %c0_i32_0 = arith.constant 0 : i32
    return %c1_i32, %arg0, %c0_i32 : i32, i32, i32
  }
  func.func @transform_4(%arg0: i32) -> (i32, i32) {
    %c0_i32 = arith.constant 0 : i32
    %c0_i32_0 = arith.constant 0 : i32
    return %arg0, %c0_i32 : i32, i32
  }
  func.func @transform_5(%arg0: i32) -> (i32, i32) {
    %c0_i32 = arith.constant 0 : i32
    %c0_i32_0 = arith.constant 0 : i32
    %c0_i32_1 = arith.constant 0 : i32
    return %c0_i32, %c0_i32_0 : i32, i32
  }
  func.func @transform_6(%arg0: i32) -> (i32, i32) {
    %c0_i32 = arith.constant 0 : i32
    %c0_i32_0 = arith.constant 0 : i32
    %c0_i32_1 = arith.constant 0 : i32
    return %c0_i32, %c0_i32_0 : i32, i32
  }
  func.func @transform_7(%arg0: i32) -> (i32, i32) {
    %c0_i32 = arith.constant 0 : i32
    %c0_i32_0 = arith.constant 0 : i32
    return %arg0, %c0_i32 : i32, i32
  }
}

</mosaic_0001>

<sc_bundles>
// kernel: kernel.11.cloned.1.call-start
scs
__scs_entry_jumppad:
0x0: {  	(pc) =	sbr.rel $0x88, $3  }
0x1: {  	(tag) =	ssettag $0x0;
	lr =	simm.s32 $0x1  }
0x2: {  	[smem:$0x3F95] =	sst lr;
	_ =	strace $0xD0000000  }
0x3: {  	_ = 	snop  }
0x4: {  	_ = 	snop  }
0x5: {  	_ = 	snop  }
0x6: {  	_ = 	snop  }
0x7: {  	_ = 	snop  }
__scs_overlays_trampoline_lowered:
0x8: {  	[smem:$0x3FA4] =	sst s0  }
0x9: {  	[smem:$0x3FA5] =	sst s1  }
0xa: {  	[smem:$0x3FA6] =	sst s2  }
0xb: {  	[smem:$0x3FA7] =	sst s3  }
0xc: {  	[smem:$0x3FA8] =	sst s4  }
0xd: {  	[smem:$0x3FA9] =	sst s5  }
0xe: {  	[smem:$0x3FAA] =	sst s6  }
0xf: {  	[smem:$0x3FAB] =	sst s7  }
0x10: {  	[smem:$0x3FAC] =	sst s8  }
0x11: {  	[smem:$0x3FAD] =	sst s9;
	s0 =	simm.s32 @!p0 $0x0  }
0x12: {  	s1 =	sld [smem:$0x3F93];
	s0 =	simm.s32 @p0 $0x1  }
0x13: {  	[smem:$0x3FAE] =	sst s0;
	s0 =	simm.s32 @!p1 $0x0  }
0x14: {  	s2 =	sld [smem:$0x3F92];
	s0 =	simm.s32 @p1 $0x1  }
0x15: {  	[smem:$0x3FAF] =	sst s0;
	s0 =	simm.s32 @!p2 $0x0  }
0x16: {  	s3 =	sld [smem:$0x3FDB];
	s0 =	simm.s32 @p2 $0x1  }
0x17: {  	s4 =	simm.s32 $0x1BF5;
	[smem:$0x3FB1] =	sst s0  }
0x18: {  	s0 =	sld [smem:$0x3F94];
	_ =	swait.ge [sflag:s4], $0x0  }
0x19: {  	s7 =	sld [smem:$0x3F95]  }
0x1a: {  	s8 =	sadd.s32 $0xFFFFE003, lr  }
0x1b: {  	s9 =	sadd.s32 $0xFFFFFEF7, lr;
	s5 =	simm.s32 $0xFFFFFFFF;
	p2 =	slt.u32 s8, $0xFFFFF086  }
0x1c: {  	p1 =	slt.u32 s9, $0xF7A;
	s5 =	simm.s32 @!p2 $0x0  }
0x1d: {  	s5 =	simm.s32 @p1 $0x1;
	p0 =	seq.s32 s7, s2  }
0x1e: {  	s7 =	smul.u32 @!p0 $0xF7A, s2;
	p2 =	seq.s32 @!p0 s5, $0x0  }
0x1f: {  	s9 =	smul.u32 $0xF7A, s1;
	s8 =	simm.s32 @!p0 $0x1BF5;
	p2 =	por !p2, p0  }
0x20: {  	[sflag:s8] =	ssyncset.s32 @!p0 $0xFFFFF086;
	s6 =	sadd.s32 @!p0 s3, s7;
	s7 =	simm.s32 @!p0 $0x108  }
0x21: {  	s3 =	sadd.s32 s3, s9;
	s6 =	sadd.s32 @!p0 $0x88, s6;
	s7 =	simm.s32 @p2 $0x1082  }
0x22: {  	[simem:s7], [sflag:s8] =	dma.local @!p0 [hbm:s6], $0xF7A  }
0x23: {  	s9 =	sor.u32 $0xD0000000, s2;
	s6 =	simm.s32 $0x108;
	_ =	swait.ge @!p0 [sflag:s8], $0x0  }
0x24: {  	s3 =	sadd.s32 $0x88, s3;
	s6 =	simm.s32 @!p1 $0x1082;
	[sflag:s4] =	ssyncset.s32 $0xFFFFF086  }
0x25: {  	[simem:s6], [sflag:s4] =	dma.local [hbm:s3], $0xF7A  }
0x26: {  	[smem:$0x3F95] =	sst s1;
	(tag) =	ssettag s2;
	_ =	strace s9  }
0x27: {  	s1 =	sld [smem:$0x3FA5]  }
0x28: {  	s2 =	sld [smem:$0x3FA6]  }
0x29: {  	s4 =	sld [smem:$0x3FA8]  }
0x2a: {  	p0 =	seq.s32 s5, $0x0;
	s5 =	sld [smem:$0x3FA9]  }
0x2b: {  	s6 =	sld [smem:$0x3FAA]  }
0x2c: {  	s7 =	sld [smem:$0x3FAB]  }
0x2d: {  	s3 =	simm.s32 $0x108;
	s8 =	sld [smem:$0x3FAC]  }
0x2e: {  	s3 =	simm.s32 @!p0 $0x1082;
	s9 =	sld [smem:$0x3FAD]  }
0x2f: {  	lr =	sadd.s32 s0, s3;
	s0 =	sld [smem:$0x3FA4]  }
0x30: {  	s3 =	sld [smem:$0x3FA7]  }
0x31: {  	[smem:$0x3FB0] =	sst s10  }
0x32: {  	s10 =	sld [smem:$0x3FAE];
	_ =	sdelay $0x3  }
0x33: {  	p0 =	seq.s32 s10, $0x1;
	s10 =	sld [smem:$0x3FB0];
	_ =	sdelay $0x3  }
0x34: {  	[smem:$0x3FB0] =	sst s10  }
0x35: {  	s10 =	sld [smem:$0x3FAF];
	_ =	sdelay $0x3  }
0x36: {  	p1 =	seq.s32 s10, $0x1;
	s10 =	sld [smem:$0x3FB0];
	_ =	sdelay $0x3  }
0x37: {  	[smem:$0x3FB0] =	sst s10  }
0x38: {  	s10 =	sld [smem:$0x3FB1]  }
0x39: {  	_ = 	snop;
	(pc) =	sbr.ind lr, $3  }
0x3a: {  	_ = 	snop  }
0x3b: {  	_ = 	snop  }
0x3c: {  	p2 =	seq.s32 s10, $0x1;
	s10 =	sld [smem:$0x3FB0]  }
0x3d: {  	_ =	shalt  }
0x3e: {  	_ =	shalt  }
0x3f: {  	_ =	shalt  }
0x40: {  	_ =	shalt  }
0x41: {  	_ =	shalt  }
0x42: {  	_ =	shalt  }
0x43: {  	_ =	shalt  }
0x44: {  	_ =	shalt  }
0x45: {  	_ =	shalt  }
0x46: {  	_ =	shalt  }
0x47: {  	_ =	shalt  }
0x48: {  	_ =	shalt  }
0x49: {  	_ =	shalt  }
0x4a: {  	_ =	shalt  }
0x4b: {  	_ =	shalt  }
0x4c: {  	_ =	shalt  }
0x4d: {  	_ =	shalt  }
0x4e: {  	_ =	shalt  }
0x4f: {  	_ =	shalt  }
0x50: {  	_ =	shalt  }
0x51: {  	_ =	shalt  }
0x52: {  	_ =	shalt  }
0x53: {  	_ =	shalt  }
0x54: {  	_ =	shalt  }
0x55: {  	_ =	shalt  }
0x56: {  	_ =	shalt  }
0x57: {  	_ =	shalt  }
0x58: {  	_ =	shalt  }
0x59: {  	_ =	shalt  }
0x5a: {  	_ =	shalt  }
0x5b: {  	_ =	shalt  }
0x5c: {  	_ =	shalt  }
0x5d: {  	_ =	shalt  }
0x5e: {  	_ =	shalt  }
0x5f: {  	_ =	shalt  }
0x60: {  	_ =	shalt  }
0x61: {  	_ =	shalt  }
0x62: {  	_ =	shalt  }
0x63: {  	_ =	shalt  }
0x64: {  	_ =	shalt  }
0x65: {  	_ =	shalt  }
0x66: {  	_ =	shalt  }
0x67: {  	_ =	shalt  }
0x68: {  	_ =	shalt  }
0x69: {  	_ =	shalt  }
0x6a: {  	_ =	shalt  }
0x6b: {  	_ =	shalt  }
0x6c: {  	_ =	shalt  }
0x6d: {  	_ =	shalt  }
0x6e: {  	_ =	shalt  }
0x6f: {  	_ =	shalt  }
0x70: {  	_ =	shalt  }
0x71: {  	_ =	shalt  }
0x72: {  	_ =	shalt  }
0x73: {  	_ =	shalt  }
0x74: {  	_ =	shalt  }
0x75: {  	_ =	shalt  }
0x76: {  	_ =	shalt  }
0x77: {  	_ =	shalt  }
0x78: {  	_ =	shalt  }
0x79: {  	_ =	shalt  }
0x7a: {  	_ =	shalt  }
0x7b: {  	_ =	shalt  }
0x7c: {  	_ =	shalt  }
0x7d: {  	_ =	shalt  }
0x7e: {  	_ =	shalt  }
0x7f: {  	_ =	shalt  }
0x80: {  	_ =	shalt  }
0x81: {  	_ =	shalt  }
0x82: {  	_ =	shalt  }
0x83: {  	_ =	shalt  }
0x84: {  	_ =	shalt  }
0x85: {  	_ =	shalt  }
0x86: {  	_ =	shalt  }
0x87: {  	_ =	shalt  }
.Lfunc_end0:
.L_simem_size_0:
called_computation.1_lowered:
.L_overlay_start_0:
0x88: {  	s2 =	sld [smem:$0x3FD9]  }
0x89: {  	s3 =	sld [smem:$0x3FFE];
	_ =	sdelay $0x1  }
0x8a: {  	s1 =	srdreg.scid  }
0x8b: {  	s0 =	sand.u32 $0x1, s1  }
0x8c: {  	s17 =	sshll.u32 s0, $0xA;
	s2 =	sadd.s32 s3, s2  }
0x8d: {  	s2 =	sadd.s32 s2, s17  }
0x8e: {  	[smem:$0x3FBC] =	sst s2  }
0x8f: {  	_ = 	snop  }
0x90: {  	s2 =	sld [smem:$0x3FD0];
	(tm) =	ssettm $0x1  }
0x91: {  	s18 =	sld [smem:$0x3FFB];
	_ =	sdelay $0x3  }
0x92: {  	_ =	strace s18  }
0x93: {  	s3 =	sld [smem:$0x3FFC];
	_ =	sdelay $0x3  }
0x94: {  	_ =	strace s3  }
0x95: {  	s3 =	sld [smem:$0x3FFD];
	_ =	sdelay $0x3  }
0x96: {  	_ =	strace s3  }
0x97: {  	_ =	strace $0x8FFFFFFF  }
0x98: {  	s19 =	sld [smem:$0x3FDB];
	_ =	sdelay $0x1  }
0x99: {  	s4 =	simm.s32 $_scs_section_size  }
0x9a: {  	s5 =	simm.s32 $_size__tile_overlayer_lowered;
	s6 =	simm.s32 $_tile_overlayer_lowered  }
0x9b: {  	s22 =	simm.s32 $0x1BFF;
	s21 =	sshll.u32 s6, $0x1;
	s3 =	sadd.s32 s4, s19  }
0x9c: {  	s7 =	simm.s32 $0x0;
	s20 =	sshll.u32 s5, $0x1;
	s5 =	sadd.s32 s21, s3  }
0x9d: {  	[timem:s7], [sflag:s22] =	dma.local [hbm:s5], s20  }
0x9e: {  	_ =	swait.ge [sflag:s22], s20  }
0x9f: {  	s4 =	ssub.s32 $0x0, s20;
	[sflag:s22] =	ssyncset.done $0x0  }
0xa0: {  	[sflag:s22] =	ssyncadd.s32 s4;
	_ =	sdelay $0x1  }
0xa1: {  	s23 =	simm.s32 $0x1B8B  }
0xa2: {  	_ =	swait.ge [sflag:s23], $0x1  }
0xa3: {  	[sflag:s23] =	ssyncset.done $0x0  }
0xa4: {  	s25 =	simm.s32 $0x1B8E;
	s24 =	sld [smem:$0x3FFE];
	[sflag:s23] =	ssyncadd.s32 $0xFFFFFFFF  }
0xa5: {  	s26 =	simm.s32 $execute0_lowered;
	[smem:$0x3FD2] =	sst s25  }
0xa6: {  	s5 =	sshll.u32 s26, $0x1;
	_ =	strace $0x80000046;
	[dreg:$0x1] =	wrdreg $0xFFFFFFFF  }
0xa7: {  	s28 =	simm.s32 $_size_execute0_lowered;
	s3 =	sadd.s32 s3, s5;
	[dreg:$0x0] =	wrdreg $0x0  }
0xa8: {  	s5 =	sshll.u32 s28, $0x1;
	[dreg:$0x2] =	wrdreg s3  }
0xa9: {  	[dreg:$0x3] =	wrdreg s5  }
0xaa: {  	[dreg:$0x4] =	wrdreg $0xC0  }
0xab: {  	_ =	task [dreg:s7], $0x5FFFF  }
0xac: {  	[dreg:$0x1] =	wrdreg $0xFFFFFFFF  }
0xad: {  	[dreg:$0x0] =	wrdreg $0x60  }
0xae: {  	[dreg:$0x2] =	wrdreg s2  }
0xaf: {  	[dreg:$0x3] =	wrdreg s24  }
0xb0: {  	[dreg:$0x4] =	wrdreg $0x0  }
0xb1: {  	[dreg:$0x5] =	wrdreg $0xA  }
0xb2: {  	_ =	task.clear_ibuf [dreg:s7], $0x6FFFF;
	_ =	strace $0x90000046  }
0xb3: {  	s29 =	simm.s32 $0xA;
	_ =	strace $0x80000048  }
0xb4: {  	_ =	swait.ge [sflag:s29], $0x1  }
0xb5: {  	[sflag:s29] =	ssyncadd.s32 $0xFFFFFFFF  }
0xb6: {  	_ =	strace $0x90000048  }
0xb7: {  	_ =	sfence  }
0xb8: {  	s30 =	sld [smem:$0x0];
	_ =	sdelay $0x2  }
0xb9: {  	s31 =	sshll.u32 s1, $0xD;
	s1 =	sshrl.u32 s1, $0x2  }
0xba: {  	s3 =	sand.u32 $0x4000, s31;
	s1 =	sadd.s32 s1, s30  }
0xbb: {  	s0 =	sor.u32 s3, s0;
	s1 =	sshll.u32 s1, $0x11  }
0xbc: {  	s0 =	sor.u32 s1, s0  }
0xbd: {  	s0 =	sadd.s32 $0x8F2B, s0  }
0xbe: {  	[sflag:s0] =	ssyncadd.remote.s32 $0x1  }
0xbf: {  	_ =	sfence.sel $0xFFFF  }
0xc0: {  	[dreg:$0x0] =	wrdreg $0xFFFFFFFF;
	(pc) =	sbr.abs _section_cstart, $3  }
0xc1: {  	[dreg:$0x1] =	wrdreg $0xFFFFFFFF  }
0xc2: {  	_ =	task.clear_ibuf [dreg:s7], $0x2FFFF;
	_ =	strace $0x9FFFFFFF  }
0xc3: {  	(tm) =	ssettm $0x7FFFFFFF  }
tec
execute0_lowered:
.L_overlay_start_1:
0x0: {  	(tag) =	ssettag $0x1  }
0x1: {  	s1 =	rddreg [dreg:$0x0]  }
0x2: {  	s0 =	rddreg [dreg:$0x1]  }
0x3: {  	s3 =	rddreg [dreg:$0x2]  }
0x4: {  	s2 =	srdreg.scid;
	s14 =	stileid.u32  }
0x5: {  	s4 =	simm.s32 $0x0;
	s28 =	simm.s32 $0x13C00;
	s29 =	simm.s32 $0x13D00  }
0x6: {  	s30 =	simm.s32 $0x80;
	s31 =	simm.s32 $0x13C80;
	s2 =	sand.u32 $0x1, s2  }
0x7: {  	s5 =	smul.u32 $0x278, s14;
	[smem:$0x7FF] =	sst s4;
	s11 =	sadd.s32 $0x2600, s0  }
0x8: {  	s12 =	sadd.s32 $0xC600, s0;
	s15 =	smul.u32 $0x4F000, s14;
	s7 =	sadd.s32 $0x16600, s0  }
0x9: {  	s6 =	smul.u32 $0x2780, s2;
	_ =	strace $0x80000047;
	[dreg:$0x4] =	wrdreg s7  }
0xa: {  	s16 =	sshll.u32 s2, $0x4;
	s8 =	ssub.s32 $0x2, s2;
	s2 =	smul.u32 $0x28000, s2  }
0xb: {  	s7 =	sor.u32 s14, s16;
	s9 =	sshrl.u32 s8, $0x1;
	s14 =	smul.u32 $0x2800, s14  }
0xc: {  	s5 =	sadd.s32 s5, s6;
	s6 =	sshrl.u32 s15, $0x2;
	s10 =	smul.u32 $0x2800, s7  }
0xd: {  	s17 =	ssub.s32 s8, s9;
	s5 =	sshll.u32 s5, $0x4;
	s6 =	sadd.s32 s6, s3  }
0xe: {  	s2 =	sadd.s32 s14, s2;
	s14 =	simm.s32 $0x0;
	s0 =	sadd.s32 s5, s0  }
0xf: {  	s7 =	sadd.s32 $0x4000, s6;
	s8 =	sadd.s32 $0x8000, s6;
	s9 =	sadd.s32 $0xC000, s6  }
0x10: {  	s13 =	sshrl.u32 s10, $0x3;
	s10 =	sadd.s32 $0x10000, s6;
	s25 =	sor.u32 $0x180, s2  }
0x11: {  	s2 =	sor.u32 $0x100, s2;
	s5 =	simm.s32 $0x17E00;
	s15 =	sadd.s32 s11, s13  }
0x12: {  	s20 =	sadd.s32 s12, s13;
	s13 =	sor.u32 $0x10, s13;
	s22 =	sadd.s32 $0x16E00, s0  }
0x13: {  	s23 =	sadd.s32 $0x17600, s0;
	s24 =	sadd.s32 $0x17E00, s0;
	[dreg:$0x5] =	wrdreg s15  }
0x14: {  	s18 =	sadd.s32 $0x18600, s0;
	s19 =	sadd.s32 $0x18E00, s0;
	[dreg:$0x6] =	wrdreg s20  }
0x15: {  	s0 =	sshrl.u32 s25, $0x3;
	s26 =	sshrl.u32 s2, $0x3;
	[dreg:$0x9] =	wrdreg s22  }
0x16: {  	s25 =	simm.s32 $0x13E00;
	s2 =	simm.s32 $0x4;
	[dreg:$0xa] =	wrdreg s23  }
0x17: {  	s21 =	sadd.s32 s11, s13;
	s13 =	sadd.s32 s12, s13;
	[dreg:$0xb] =	wrdreg s24  }
0x18: {  	s20 =	smax.u32 s17, $0x1;
	s22 =	sadd.s32 s0, s11;
	s23 =	sadd.s32 s26, s12  }
0x19: {  	s24 =	sadd.s32 s26, s11;
	s26 =	simm.s32 $0x5;
	[dreg:$0x7] =	wrdreg s21  }
0x1a: {  	s11 =	simm.s32 $0x1;
	[dreg:$0x8] =	wrdreg s13;
	s21 =	sadd.s32 s0, s12  }
0x1b: {  	s0 =	simm.s32 $0x13D80;
	s12 =	simm.s32 $0x2;
	s13 =	simm.s32 $0x3  }
.LBB2_1:
0x1c: {  	s15 =	rddreg [dreg:$0x4]  }
0x1d: {  	[tilespmem:s25], [sflag:$0x5] =	stream.linear.gather [hbm4b:s15+s4], $0x4000, $0x38;
	[tilespmem:$0x1BE00] =	vst v63  }
0x1e: {  	_ =	swait.ge [sflag:s26], $0x4000  }
0x1f: {  	[sflag:s26] =	ssyncset.done $0x0  }
0x20: {  	[sflag:s26] =	ssyncadd.s32 $0xFFFFC000  }
0x21: {  	[spmem:s6] =	stream.linear.scatter [tilespmem:s25], [sflag:$0x5], $0x4000, $0x38;
	[tilespmem:$0x1BE00] =	vst v63  }
0x22: {  	_ =	swait.ge [sflag:s26], $0x4000  }
0x23: {  	[sflag:s26] =	ssyncset.done $0x0  }
0x24: {  	[sflag:s26] =	ssyncadd.s32 $0xFFFFC000  }
0x25: {  	[spmem:s7] =	stream.linear.scatter [tilespmem:s25], [sflag:$0x5], $0x4000, $0x38;
	[tilespmem:$0x1BE00] =	vst v63  }
0x26: {  	_ =	swait.ge [sflag:s26], $0x4000  }
0x27: {  	[sflag:s26] =	ssyncset.done $0x0  }
0x28: {  	[sflag:s26] =	ssyncadd.s32 $0xFFFFC000  }
0x29: {  	[spmem:s8] =	stream.linear.scatter [tilespmem:s25], [sflag:$0x5], $0x4000, $0x38;
	[tilespmem:$0x1BE00] =	vst v63  }
0x2a: {  	_ =	swait.ge [sflag:s26], $0x4000  }
0x2b: {  	[sflag:s26] =	ssyncset.done $0x0  }
0x2c: {  	[sflag:s26] =	ssyncadd.s32 $0xFFFFC000  }
0x2d: {  	[spmem:s9] =	stream.linear.scatter [tilespmem:s25], [sflag:$0x5], $0x4000, $0x38;
	[tilespmem:$0x1BE00] =	vst v63  }
0x2e: {  	_ =	swait.ge [sflag:s26], $0x4000  }
0x2f: {  	[sflag:s26] =	ssyncset.done $0x0  }
0x30: {  	[sflag:s26] =	ssyncadd.s32 $0xFFFFC000  }
0x31: {  	[spmem:s10] =	stream.linear.scatter [tilespmem:s25], [sflag:$0x5], $0x3C00, $0x38;
	[tilespmem:$0x1BE00] =	vst v63  }
0x32: {  	_ =	swait.ge [sflag:s26], $0x3C00  }
0x33: {  	[sflag:s26] =	ssyncset.done $0x0  }
0x34: {  	[sflag:s26] =	ssyncadd.s32 $0xFFFFC400  }
0x35: {  	[bflag:$0x0] =	sbarrier.arrive $0xFFFF  }
0x36: {  	s16 =	rddreg [dreg:$0x5]  }
0x37: {  	[tilespmem:s28], [sflag:$0x5] =	stream.linear.gather [hbm4b:s16+s4], $0x80, $0x38;
	[tilespmem:$0x1BE00] =	vst v63  }
0x38: {  	_ =	swait.ge [sflag:s26], $0x80  }
0x39: {  	[sflag:s26] =	ssyncset.done $0x0  }
0x3a: {  	s17 =	rddreg [dreg:$0x6];
	[sflag:s26] =	ssyncadd.s32 $0xFFFFFF80  }
0x3b: {  	[tilespmem:s29], [sflag:$0x5] =	stream.linear.gather [hbm4b:s17+s4], $0x80, $0x38;
	[tilespmem:$0x1BE00] =	vst v63  }
0x3c: {  	_ =	swait.ge [sflag:s26], $0x80  }
0x3d: {  	[sflag:s26] =	ssyncset.done $0x0  }
0x3e: {  	[sflag:s26] =	ssyncadd.s32 $0xFFFFFF80  }
0x3f: {  	[tilespmem:s25], [sflag:$0x1] =	stream.indirect.gather [hbm4b:s1+s30], $0x80, s28, s30, $0xb8;
	[tilespmem:$0x1BE00] =	vst v63  }
0x40: {  	s16 =	rddreg [dreg:$0x7]  }
0x41: {  	[tilespmem:s31], [sflag:$0x4] =	stream.linear.gather [hbm4b:s16+s4], $0x80, $0x38;
	[tilespmem:$0x1BE00] =	vst v63  }
0x42: {  	s17 =	rddreg [dreg:$0x8]  }
0x43: {  	[tilespmem:s0], [sflag:$0x4] =	stream.linear.gather [hbm4b:s17+s4], $0x80, $0x38;
	[tilespmem:$0x1BE00] =	vst v63  }
0x44: {  	_ =	swait.ge [sflag:s2], $0x80  }
0x45: {  	[sflag:s2] =	ssyncset.done $0x0  }
0x46: {  	[sflag:s2] =	ssyncadd.s32 $0xFFFFFF80  }
0x47: {  	_ =	swait.ge [sflag:s2], $0x80  }
0x48: {  	[sflag:s2] =	ssyncset.done $0x0  }
0x49: {  	[sflag:s2] =	ssyncadd.s32 $0xFFFFFF80  }
0x4a: {  	[tilespmem:s5], [sflag:$0x2] =	stream.indirect.gather [hbm4b:s1+s30], $0x80, s31, s30, $0xb8;
	[tilespmem:$0x1BE00] =	vst v63  }
0x4b: {  	_ =	swait.ge [sflag:s11], $0x4000  }
0x4c: {  	[sflag:s11] =	ssyncset.done $0x0  }
0x4d: {  	[sflag:s11] =	ssyncadd.s32 $0xFFFFC000  }
0x4e: {  	[spmem:s3] =	stream.indirect.scatter.add.f32 [tilespmem:s25], [sflag:$0x5], $0x80, s29, s30, $0xb8;
	[tilespmem:$0x1BE00] =	vst v63  }
0x4f: {  	_ =	swait.ge [sflag:s26], $0x4000  }
0x50: {  	[sflag:s26] =	ssyncset.done $0x0  }
0x51: {  	s16 =	sadd.s32 $0x0, s24;
	[sflag:s26] =	ssyncadd.s32 $0xFFFFC000  }
0x52: {  	[tilespmem:s28], [sflag:$0x3] =	stream.linear.gather [hbm4b:s16+s4], $0x80, $0x38;
	[tilespmem:$0x1BE00] =	vst v63  }
0x53: {  	s17 =	sadd.s32 $0x0, s23  }
0x54: {  	[tilespmem:s29], [sflag:$0x3] =	stream.linear.gather [hbm4b:s17+s4], $0x80, $0x38;
	[tilespmem:$0x1BE00] =	vst v63  }
0x55: {  	_ =	swait.ge [sflag:s12], $0x4000  }
0x56: {  	[sflag:s12] =	ssyncset.done $0x0  }
0x57: {  	[sflag:s12] =	ssyncadd.s32 $0xFFFFC000  }
0x58: {  	[spmem:s3] =	stream.indirect.scatter.add.f32 [tilespmem:s5], [sflag:$0x5], $0x80, s0, s30, $0xb8;
	[tilespmem:$0x1BE00] =	vst v63  }
0x59: {  	_ =	swait.ge [sflag:s26], $0x4000  }
0x5a: {  	[sflag:s26] =	ssyncset.done $0x0  }
0x5b: {  	s16 =	sadd.s32 $0x0, s22;
	[sflag:s26] =	ssyncadd.s32 $0xFFFFC000  }
0x5c: {  	[tilespmem:s31], [sflag:$0x4] =	stream.linear.gather [hbm4b:s16+s4], $0x80, $0x38;
	[tilespmem:$0x1BE00] =	vst v63  }
0x5d: {  	s17 =	sadd.s32 $0x0, s21  }
0x5e: {  	[tilespmem:s0], [sflag:$0x4] =	stream.linear.gather [hbm4b:s17+s4], $0x80, $0x38;
	[tilespmem:$0x1BE00] =	vst v63  }
0x5f: {  	_ =	swait.ge [sflag:s13], $0x80  }
0x60: {  	[sflag:s13] =	ssyncset.done $0x0  }
0x61: {  	[sflag:s13] =	ssyncadd.s32 $0xFFFFFF80  }
0x62: {  	_ =	swait.ge [sflag:s13], $0x80  }
0x63: {  	[sflag:s13] =	ssyncset.done $0x0  }
0x64: {  	s15 =	simm.s32 $0x20;
	[sflag:s13] =	ssyncadd.s32 $0xFFFFFF80  }
.LBB2_2:
0x65: {  	[tilespmem:s25], [sflag:$0x1] =	stream.indirect.gather [hbm4b:s1+s30], $0x80, s28, s30, $0xb8;
	[tilespmem:$0x1BE00] =	vst v63  }
0x66: {  	s16 =	smov.u32 s15  }
0x67: {  	p0 =	sne.s32 s15, $0x4C0;
	s15 =	sadd.s32 $0x20, s15;
	_ =	swait.ge [sflag:s2], $0x80  }
0x68: {  	[sflag:s2] =	ssyncset.done $0x0  }
0x69: {  	[sflag:s2] =	ssyncadd.s32 $0xFFFFFF80  }
0x6a: {  	_ =	swait.ge [sflag:s2], $0x80  }
0x6b: {  	[sflag:s2] =	ssyncset.done $0x0  }
0x6c: {  	[sflag:s2] =	ssyncadd.s32 $0xFFFFFF80  }
0x6d: {  	[tilespmem:s5], [sflag:$0x2] =	stream.indirect.gather [hbm4b:s1+s30], $0x80, s31, s30, $0xb8;
	[tilespmem:$0x1BE00] =	vst v63  }
0x6e: {  	_ =	swait.ge [sflag:s11], $0x4000  }
0x6f: {  	[sflag:s11] =	ssyncset.done $0x0  }
0x70: {  	[sflag:s11] =	ssyncadd.s32 $0xFFFFC000  }
0x71: {  	[spmem:s3] =	stream.indirect.scatter.add.f32 [tilespmem:s25], [sflag:$0x5], $0x80, s29, s30, $0xb8;
	[tilespmem:$0x1BE00] =	vst v63  }
0x72: {  	_ =	swait.ge [sflag:s26], $0x4000  }
0x73: {  	[sflag:s26] =	ssyncset.done $0x0  }
0x74: {  	s17 =	sadd.s32 s16, s24;
	[sflag:s26] =	ssyncadd.s32 $0xFFFFC000  }
0x75: {  	[tilespmem:s28], [sflag:$0x3] =	stream.linear.gather [hbm4b:s17+s4], $0x80, $0x38;
	[tilespmem:$0x1BE00] =	vst v63  }
0x76: {  	s17 =	sadd.s32 s16, s23  }
0x77: {  	[tilespmem:s29], [sflag:$0x3] =	stream.linear.gather [hbm4b:s17+s4], $0x80, $0x38;
	[tilespmem:$0x1BE00] =	vst v63  }
0x78: {  	_ =	swait.ge [sflag:s12], $0x4000  }
0x79: {  	[sflag:s12] =	ssyncset.done $0x0  }
0x7a: {  	[sflag:s12] =	ssyncadd.s32 $0xFFFFC000  }
0x7b: {  	[spmem:s3] =	stream.indirect.scatter.add.f32 [tilespmem:s5], [sflag:$0x5], $0x80, s0, s30, $0xb8;
	[tilespmem:$0x1BE00] =	vst v63  }
0x7c: {  	_ =	swait.ge [sflag:s26], $0x4000  }
0x7d: {  	[sflag:s26] =	ssyncset.done $0x0  }
0x7e: {  	s17 =	sadd.s32 s16, s22;
	[sflag:s26] =	ssyncadd.s32 $0xFFFFC000  }
0x7f: {  	[tilespmem:s31], [sflag:$0x4] =	stream.linear.gather [hbm4b:s17+s4], $0x80, $0x38;
	[tilespmem:$0x1BE00] =	vst v63  }
0x80: {  	s16 =	sadd.s32 s16, s21  }
0x81: {  	[tilespmem:s0], [sflag:$0x4] =	stream.linear.gather [hbm4b:s16+s4], $0x80, $0x38;
	[tilespmem:$0x1BE00] =	vst v63  }
0x82: {  	_ =	swait.ge [sflag:s13], $0x80  }
.Ltmp0:
0x83: {  	[sflag:s13] =	ssyncset.done $0x0;
	(pc) =	sbr.rel @p0 .LBB2_2-.Ltmp0, $4  }
0x84: {  	[sflag:s13] =	ssyncadd.s32 $0xFFFFFF80  }
0x85: {  	_ =	swait.ge [sflag:s13], $0x80  }
0x86: {  	[sflag:s13] =	ssyncset.done $0x0  }
0x87: {  	[sflag:s13] =	ssyncadd.s32 $0xFFFFFF80  }
0x88: {  	[tilespmem:s25], [sflag:$0x1] =	stream.indirect.gather [hbm4b:s1+s30], $0x80, s28, s30, $0xb8;
	[tilespmem:$0x1BE00] =	vst v63  }
0x89: {  	_ =	swait.ge [sflag:s2], $0x80  }
0x8a: {  	[sflag:s2] =	ssyncset.done $0x0  }
0x8b: {  	[sflag:s2] =	ssyncadd.s32 $0xFFFFFF80  }
0x8c: {  	_ =	swait.ge [sflag:s2], $0x80  }
0x8d: {  	[sflag:s2] =	ssyncset.done $0x0  }
0x8e: {  	[sflag:s2] =	ssyncadd.s32 $0xFFFFFF80  }
0x8f: {  	[tilespmem:s5], [sflag:$0x2] =	stream.indirect.gather [hbm4b:s1+s30], $0x80, s31, s30, $0xb8;
	[tilespmem:$0x1BE00] =	vst v63  }
0x90: {  	_ =	swait.ge [sflag:s11], $0x4000  }
0x91: {  	[sflag:s11] =	ssyncset.done $0x0  }
0x92: {  	[sflag:s11] =	ssyncadd.s32 $0xFFFFC000  }
0x93: {  	[spmem:s3] =	stream.indirect.scatter.add.f32 [tilespmem:s25], [sflag:$0x5], $0x80, s29, s30, $0xb8;
	[tilespmem:$0x1BE00] =	vst v63  }
0x94: {  	_ =	swait.ge [sflag:s26], $0x4000  }
0x95: {  	[sflag:s26] =	ssyncset.done $0x0  }
0x96: {  	[sflag:s26] =	ssyncadd.s32 $0xFFFFC000  }
0x97: {  	_ =	swait.ge [sflag:s12], $0x4000  }
0x98: {  	[sflag:s12] =	ssyncset.done $0x0  }
0x99: {  	[sflag:s12] =	ssyncadd.s32 $0xFFFFC000  }
0x9a: {  	[spmem:s3] =	stream.indirect.scatter.add.f32 [tilespmem:s5], [sflag:$0x5], $0x80, s0, s30, $0xb8;
	[tilespmem:$0x1BE00] =	vst v63  }
0x9b: {  	_ =	swait.ge [sflag:s26], $0x4000  }
0x9c: {  	[sflag:s26] =	ssyncset.done $0x0  }
0x9d: {  	[sflag:s26] =	ssyncadd.s32 $0xFFFFC000  }
0x9e: {  	[bflag:$0x0] =	sbarrier.arrive $0xFFFF  }
0x9f: {  	[tilespmem:s25], [sflag:$0x5] =	stream.linear.gather [spmem:s6], $0x4000, $0x38;
	[tilespmem:$0x1BE00] =	vst v63  }
0xa0: {  	_ =	swait.ge [sflag:s26], $0x4000  }
0xa1: {  	[sflag:s26] =	ssyncset.done $0x0  }
0xa2: {  	s15 =	rddreg [dreg:$0x9];
	[sflag:s26] =	ssyncadd.s32 $0xFFFFC000  }
0xa3: {  	[hbm4b:s15+s4] =	stream.linear.scatter [tilespmem:s25], [sflag:$0x5], $0x4000, $0x38;
	[tilespmem:$0x1BE00] =	vst v63  }
0xa4: {  	_ =	swait.ge [sflag:s26], $0x4000  }
0xa5: {  	[sflag:s26] =	ssyncset.done $0x0  }
0xa6: {  	[sflag:s26] =	ssyncadd.s32 $0xFFFFC000  }
0xa7: {  	[tilespmem:s25], [sflag:$0x5] =	stream.linear.gather [spmem:s7], $0x4000, $0x38;
	[tilespmem:$0x1BE00] =	vst v63  }
0xa8: {  	_ =	swait.ge [sflag:s26], $0x4000  }
0xa9: {  	[sflag:s26] =	ssyncset.done $0x0  }
0xaa: {  	s16 =	rddreg [dreg:$0xa];
	[sflag:s26] =	ssyncadd.s32 $0xFFFFC000  }
0xab: {  	[hbm4b:s16+s4] =	stream.linear.scatter [tilespmem:s25], [sflag:$0x5], $0x4000, $0x38;
	[tilespmem:$0x1BE00] =	vst v63  }
0xac: {  	_ =	swait.ge [sflag:s26], $0x4000  }
0xad: {  	[sflag:s26] =	ssyncset.done $0x0  }
0xae: {  	[sflag:s26] =	ssyncadd.s32 $0xFFFFC000  }
0xaf: {  	[tilespmem:s25], [sflag:$0x5] =	stream.linear.gather [spmem:s8], $0x4000, $0x38;
	[tilespmem:$0x1BE00] =	vst v63  }
0xb0: {  	_ =	swait.ge [sflag:s26], $0x4000  }
0xb1: {  	[sflag:s26] =	ssyncset.done $0x0  }
0xb2: {  	s17 =	rddreg [dreg:$0xb];
	[sflag:s26] =	ssyncadd.s32 $0xFFFFC000  }
0xb3: {  	[hbm4b:s17+s4] =	stream.linear.scatter [tilespmem:s25], [sflag:$0x5], $0x4000, $0x38;
	[tilespmem:$0x1BE00] =	vst v63  }
0xb4: {  	_ =	swait.ge [sflag:s26], $0x4000  }
0xb5: {  	[sflag:s26] =	ssyncset.done $0x0  }
0xb6: {  	[sflag:s26] =	ssyncadd.s32 $0xFFFFC000  }
0xb7: {  	[tilespmem:s25], [sflag:$0x5] =	stream.linear.gather [spmem:s9], $0x4000, $0x38;
	[tilespmem:$0x1BE00] =	vst v63  }
0xb8: {  	_ =	swait.ge [sflag:s26], $0x4000  }
0xb9: {  	[sflag:s26] =	ssyncset.done $0x0  }
0xba: {  	[sflag:s26] =	ssyncadd.s32 $0xFFFFC000  }
0xbb: {  	[hbm4b:s18+s4] =	stream.linear.scatter [tilespmem:s25], [sflag:$0x5], $0x4000, $0x38;
	[tilespmem:$0x1BE00] =	vst v63  }
0xbc: {  	_ =	swait.ge [sflag:s26], $0x4000  }
0xbd: {  	[sflag:s26] =	ssyncset.done $0x0  }
0xbe: {  	[sflag:s26] =	ssyncadd.s32 $0xFFFFC000  }
0xbf: {  	[tilespmem:s25], [sflag:$0x5] =	stream.linear.gather [spmem:s10], $0x3C00, $0x38;
	[tilespmem:$0x1BE00] =	vst v63  }
0xc0: {  	s14 =	sadd.s32 $0x1, s14;
	_ =	swait.ge [sflag:s26], $0x3C00  }
0xc1: {  	p0 =	sne.s32 s14, s20;
	[sflag:s26] =	ssyncset.done $0x0  }
.Ltmp1:
0xc2: {  	[sflag:s26] =	ssyncadd.s32 $0xFFFFC400;
	(pc) =	sbr.rel @p0 .LBB2_1-.Ltmp1, $4  }
0xc3: {  	[hbm4b:s19+s4] =	stream.linear.scatter [tilespmem:s25], [sflag:$0x5], $0x3C00, $0x38;
	[tilespmem:$0x1BE00] =	vst v63  }
0xc4: {  	_ =	swait.ge [sflag:s26], $0x3C00  }
0xc5: {  	[sflag:s26] =	ssyncset.done $0x0  }
0xc6: {  	[sflag:s26] =	ssyncadd.s32 $0xFFFFC400  }
0xc7: {  	_ =	sfence.sel $0x180000  }
0xc8: {  	[bflag:$0x0] =	sbarrier.arrive $0xFFFF  }
0xc9: {  	_ =	strace $0x90000047  }
0xca: {  	s0 =	stileid.u32;
	[bflag:$0x2] =	sbarrier.arrive $0xFFFF  }
0xcb: {  	p0 =	sne.s32 s0, $0x0;
	s0 =	rddreg [dreg:$0x3]  }
0xcc: {  	s0 =	sadd.s32 @!p0 $0x100000, s0  }
0xcd: {  	[sflag:s0] =	ssyncadd.tile.s32 @!p0 $0x1;
	_ =	shalt  }
.Lfunc_end2:
_tile_overlayer_lowered:
.L_overlay_start_2:
0xce: {  	(tag) =	ssettag $0x2  }
0xcf: {  	s0 =	rddreg [dreg:$0x0];
	s2 =	stileid.u32  }
0xd0: {  	s1 =	rddreg [dreg:$0x1];
	p0 =	sne.s32 s2, $0x0  }
0xd1: {  	s3 =	rddreg [dreg:$0x2];
	[bflag:$0x3] =	sbarrier.arrive $0xFFFF;
	s2 =	simm.s32 @!p0 $0x1C05  }
0xd2: {  	[timem:s3], [sflag:s2] =	dma.local @!p0 [hbm:s0], s1  }
0xd3: {  	s0 =	simm.s32 @!p0 $0x5  }
0xd4: {  	_ =	swait.ge @!p0 [sflag:s0], s1  }
0xd5: {  	s1 =	ssub.s32 @!p0 $0x0, s1;
	[sflag:s0] =	ssyncset.done @!p0 $0x0  }
0xd6: {  	[sflag:s0] =	ssyncadd.s32 @!p0 s1  }
0xd7: {  	[bflag:$0x3] =	sbarrier.arrive $0xFFFF  }
0xd8: {  	_ =	shalt  }

// kernel: kernel.14.cloned.1.call-start
scs
__scs_entry_jumppad:
0x0: {  	(pc) =	sbr.rel $0x88, $3  }
0x1: {  	(tag) =	ssettag $0x0;
	lr =	simm.s32 $0x1  }
0x2: {  	[smem:$0x3F95] =	sst lr;
	_ =	strace $0xD0000000  }
0x3: {  	_ = 	snop  }
0x4: {  	_ = 	snop  }
0x5: {  	_ = 	snop  }
0x6: {  	_ = 	snop  }
0x7: {  	_ = 	snop  }
__scs_overlays_trampoline_lowered:
0x8: {  	[smem:$0x3FA4] =	sst s0  }
0x9: {  	[smem:$0x3FA5] =	sst s1  }
0xa: {  	[smem:$0x3FA6] =	sst s2  }
0xb: {  	[smem:$0x3FA7] =	sst s3  }
0xc: {  	[smem:$0x3FA8] =	sst s4  }
0xd: {  	[smem:$0x3FA9] =	sst s5  }
0xe: {  	[smem:$0x3FAA] =	sst s6  }
0xf: {  	[smem:$0x3FAB] =	sst s7  }
0x10: {  	[smem:$0x3FAC] =	sst s8  }
0x11: {  	[smem:$0x3FAD] =	sst s9;
	s0 =	simm.s32 @!p0 $0x0  }
0x12: {  	s1 =	sld [smem:$0x3F93];
	s0 =	simm.s32 @p0 $0x1  }
0x13: {  	[smem:$0x3FAE] =	sst s0;
	s0 =	simm.s32 @!p1 $0x0  }
0x14: {  	s2 =	sld [smem:$0x3F92];
	s0 =	simm.s32 @p1 $0x1  }
0x15: {  	[smem:$0x3FAF] =	sst s0;
	s0 =	simm.s32 @!p2 $0x0  }
0x16: {  	s3 =	sld [smem:$0x3FDB];
	s0 =	simm.s32 @p2 $0x1  }
0x17: {  	s4 =	simm.s32 $0x1BF5;
	[smem:$0x3FB1] =	sst s0  }
0x18: {  	s0 =	sld [smem:$0x3F94];
	_ =	swait.ge [sflag:s4], $0x0  }
0x19: {  	s7 =	sld [smem:$0x3F95]  }
0x1a: {  	s8 =	sadd.s32 $0xFFFFE003, lr  }
0x1b: {  	s9 =	sadd.s32 $0xFFFFFEF7, lr;
	s5 =	simm.s32 $0xFFFFFFFF;
	p2 =	slt.u32 s8, $0xFFFFF086  }
0x1c: {  	p1 =	slt.u32 s9, $0xF7A;
	s5 =	simm.s32 @!p2 $0x0  }
0x1d: {  	s5 =	simm.s32 @p1 $0x1;
	p0 =	seq.s32 s7, s2  }
0x1e: {  	s7 =	smul.u32 @!p0 $0xF7A, s2;
	p2 =	seq.s32 @!p0 s5, $0x0  }
0x1f: {  	s9 =	smul.u32 $0xF7A, s1;
	s8 =	simm.s32 @!p0 $0x1BF5;
	p2 =	por !p2, p0  }
0x20: {  	[sflag:s8] =	ssyncset.s32 @!p0 $0xFFFFF086;
	s6 =	sadd.s32 @!p0 s3, s7;
	s7 =	simm.s32 @!p0 $0x108  }
0x21: {  	s3 =	sadd.s32 s3, s9;
	s6 =	sadd.s32 @!p0 $0x88, s6;
	s7 =	simm.s32 @p2 $0x1082  }
0x22: {  	[simem:s7], [sflag:s8] =	dma.local @!p0 [hbm:s6], $0xF7A  }
0x23: {  	s9 =	sor.u32 $0xD0000000, s2;
	s6 =	simm.s32 $0x108;
	_ =	swait.ge @!p0 [sflag:s8], $0x0  }
0x24: {  	s3 =	sadd.s32 $0x88, s3;
	s6 =	simm.s32 @!p1 $0x1082;
	[sflag:s4] =	ssyncset.s32 $0xFFFFF086  }
0x25: {  	[simem:s6], [sflag:s4] =	dma.local [hbm:s3], $0xF7A  }
0x26: {  	[smem:$0x3F95] =	sst s1;
	(tag) =	ssettag s2;
	_ =	strace s9  }
0x27: {  	s1 =	sld [smem:$0x3FA5]  }
0x28: {  	s2 =	sld [smem:$0x3FA6]  }
0x29: {  	s4 =	sld [smem:$0x3FA8]  }
0x2a: {  	p0 =	seq.s32 s5, $0x0;
	s5 =	sld [smem:$0x3FA9]  }
0x2b: {  	s6 =	sld [smem:$0x3FAA]  }
0x2c: {  	s7 =	sld [smem:$0x3FAB]  }
0x2d: {  	s3 =	simm.s32 $0x108;
	s8 =	sld [smem:$0x3FAC]  }
0x2e: {  	s3 =	simm.s32 @!p0 $0x1082;
	s9 =	sld [smem:$0x3FAD]  }
0x2f: {  	lr =	sadd.s32 s0, s3;
	s0 =	sld [smem:$0x3FA4]  }
0x30: {  	s3 =	sld [smem:$0x3FA7]  }
0x31: {  	[smem:$0x3FB0] =	sst s10  }
0x32: {  	s10 =	sld [smem:$0x3FAE];
	_ =	sdelay $0x3  }
0x33: {  	p0 =	seq.s32 s10, $0x1;
	s10 =	sld [smem:$0x3FB0];
	_ =	sdelay $0x3  }
0x34: {  	[smem:$0x3FB0] =	sst s10  }
0x35: {  	s10 =	sld [smem:$0x3FAF];
	_ =	sdelay $0x3  }
0x36: {  	p1 =	seq.s32 s10, $0x1;
	s10 =	sld [smem:$0x3FB0];
	_ =	sdelay $0x3  }
0x37: {  	[smem:$0x3FB0] =	sst s10  }
0x38: {  	s10 =	sld [smem:$0x3FB1]  }
0x39: {  	_ = 	snop;
	(pc) =	sbr.ind lr, $3  }
0x3a: {  	_ = 	snop  }
0x3b: {  	_ = 	snop  }
0x3c: {  	p2 =	seq.s32 s10, $0x1;
	s10 =	sld [smem:$0x3FB0]  }
0x3d: {  	_ =	shalt  }
0x3e: {  	_ =	shalt  }
0x3f: {  	_ =	shalt  }
0x40: {  	_ =	shalt  }
0x41: {  	_ =	shalt  }
0x42: {  	_ =	shalt  }
0x43: {  	_ =	shalt  }
0x44: {  	_ =	shalt  }
0x45: {  	_ =	shalt  }
0x46: {  	_ =	shalt  }
0x47: {  	_ =	shalt  }
0x48: {  	_ =	shalt  }
0x49: {  	_ =	shalt  }
0x4a: {  	_ =	shalt  }
0x4b: {  	_ =	shalt  }
0x4c: {  	_ =	shalt  }
0x4d: {  	_ =	shalt  }
0x4e: {  	_ =	shalt  }
0x4f: {  	_ =	shalt  }
0x50: {  	_ =	shalt  }
0x51: {  	_ =	shalt  }
0x52: {  	_ =	shalt  }
0x53: {  	_ =	shalt  }
0x54: {  	_ =	shalt  }
0x55: {  	_ =	shalt  }
0x56: {  	_ =	shalt  }
0x57: {  	_ =	shalt  }
0x58: {  	_ =	shalt  }
0x59: {  	_ =	shalt  }
0x5a: {  	_ =	shalt  }
0x5b: {  	_ =	shalt  }
0x5c: {  	_ =	shalt  }
0x5d: {  	_ =	shalt  }
0x5e: {  	_ =	shalt  }
0x5f: {  	_ =	shalt  }
0x60: {  	_ =	shalt  }
0x61: {  	_ =	shalt  }
0x62: {  	_ =	shalt  }
0x63: {  	_ =	shalt  }
0x64: {  	_ =	shalt  }
0x65: {  	_ =	shalt  }
0x66: {  	_ =	shalt  }
0x67: {  	_ =	shalt  }
0x68: {  	_ =	shalt  }
0x69: {  	_ =	shalt  }
0x6a: {  	_ =	shalt  }
0x6b: {  	_ =	shalt  }
0x6c: {  	_ =	shalt  }
0x6d: {  	_ =	shalt  }
0x6e: {  	_ =	shalt  }
0x6f: {  	_ =	shalt  }
0x70: {  	_ =	shalt  }
0x71: {  	_ =	shalt  }
0x72: {  	_ =	shalt  }
0x73: {  	_ =	shalt  }
0x74: {  	_ =	shalt  }
0x75: {  	_ =	shalt  }
0x76: {  	_ =	shalt  }
0x77: {  	_ =	shalt  }
0x78: {  	_ =	shalt  }
0x79: {  	_ =	shalt  }
0x7a: {  	_ =	shalt  }
0x7b: {  	_ =	shalt  }
0x7c: {  	_ =	shalt  }
0x7d: {  	_ =	shalt  }
0x7e: {  	_ =	shalt  }
0x7f: {  	_ =	shalt  }
0x80: {  	_ =	shalt  }
0x81: {  	_ =	shalt  }
0x82: {  	_ =	shalt  }
0x83: {  	_ =	shalt  }
0x84: {  	_ =	shalt  }
0x85: {  	_ =	shalt  }
0x86: {  	_ =	shalt  }
0x87: {  	_ =	shalt  }
.Lfunc_end0:
.L_simem_size_0:
called_computation.2_lowered:
.L_overlay_start_0:
0x88: {  	s2 =	sld [smem:$0x3FD9]  }
0x89: {  	s3 =	sld [smem:$0x3FFE];
	_ =	sdelay $0x1  }
0x8a: {  	s1 =	srdreg.scid  }
0x8b: {  	s0 =	sand.u32 $0x1, s1  }
0x8c: {  	s17 =	sshll.u32 s0, $0xA;
	s2 =	sadd.s32 s3, s2  }
0x8d: {  	s2 =	sadd.s32 s2, s17  }
0x8e: {  	[smem:$0x3FBC] =	sst s2  }
0x8f: {  	_ = 	snop  }
0x90: {  	s2 =	sld [smem:$0x3FD0];
	(tm) =	ssettm $0x1  }
0x91: {  	s18 =	sld [smem:$0x3FFB];
	_ =	sdelay $0x3  }
0x92: {  	_ =	strace s18  }
0x93: {  	s3 =	sld [smem:$0x3FFC];
	_ =	sdelay $0x3  }
0x94: {  	_ =	strace s3  }
0x95: {  	s3 =	sld [smem:$0x3FFD];
	_ =	sdelay $0x3  }
0x96: {  	_ =	strace s3  }
0x97: {  	_ =	strace $0x8FFFFFFF  }
0x98: {  	s19 =	sld [smem:$0x3FDB];
	_ =	sdelay $0x1  }
0x99: {  	s4 =	simm.s32 $_scs_section_size  }
0x9a: {  	s5 =	simm.s32 $_size__tile_overlayer_lowered;
	s6 =	simm.s32 $_tile_overlayer_lowered  }
0x9b: {  	s22 =	simm.s32 $0x1BFF;
	s21 =	sshll.u32 s6, $0x1;
	s3 =	sadd.s32 s4, s19  }
0x9c: {  	s7 =	simm.s32 $0x0;
	s20 =	sshll.u32 s5, $0x1;
	s5 =	sadd.s32 s21, s3  }
0x9d: {  	[timem:s7], [sflag:s22] =	dma.local [hbm:s5], s20  }
0x9e: {  	_ =	swait.ge [sflag:s22], s20  }
0x9f: {  	s4 =	ssub.s32 $0x0, s20;
	[sflag:s22] =	ssyncset.done $0x0  }
0xa0: {  	[sflag:s22] =	ssyncadd.s32 s4;
	_ =	sdelay $0x1  }
0xa1: {  	s23 =	simm.s32 $0x1B8B  }
0xa2: {  	_ =	swait.ge [sflag:s23], $0x1  }
0xa3: {  	[sflag:s23] =	ssyncset.done $0x0  }
0xa4: {  	s25 =	simm.s32 $0x1B8E;
	s24 =	sld [smem:$0x3FFE];
	[sflag:s23] =	ssyncadd.s32 $0xFFFFFFFF  }
0xa5: {  	s26 =	simm.s32 $execute0_lowered;
	[smem:$0x3FD2] =	sst s25  }
0xa6: {  	s5 =	sshll.u32 s26, $0x1;
	_ =	strace $0x8000004C;
	[dreg:$0x1] =	wrdreg $0xFFFFFFFF  }
0xa7: {  	s28 =	simm.s32 $_size_execute0_lowered;
	s3 =	sadd.s32 s3, s5;
	[dreg:$0x0] =	wrdreg $0x0  }
0xa8: {  	s5 =	sshll.u32 s28, $0x1;
	[dreg:$0x2] =	wrdreg s3  }
0xa9: {  	[dreg:$0x3] =	wrdreg s5  }
0xaa: {  	[dreg:$0x4] =	wrdreg $0xC0  }
0xab: {  	_ =	task [dreg:s7], $0x5FFFF  }
0xac: {  	[dreg:$0x1] =	wrdreg $0xFFFFFFFF  }
0xad: {  	[dreg:$0x0] =	wrdreg $0x60  }
0xae: {  	[dreg:$0x2] =	wrdreg s2  }
0xaf: {  	[dreg:$0x3] =	wrdreg s24  }
0xb0: {  	[dreg:$0x4] =	wrdreg $0x0  }
0xb1: {  	[dreg:$0x5] =	wrdreg $0x9  }
0xb2: {  	_ =	task.clear_ibuf [dreg:s7], $0x6FFFF;
	_ =	strace $0x9000004C  }
0xb3: {  	s29 =	simm.s32 $0x9;
	_ =	strace $0x8000004E  }
0xb4: {  	_ =	swait.ge [sflag:s29], $0x1  }
0xb5: {  	[sflag:s29] =	ssyncadd.s32 $0xFFFFFFFF  }
0xb6: {  	_ =	strace $0x9000004E  }
0xb7: {  	_ =	sfence  }
0xb8: {  	s30 =	sld [smem:$0x0];
	_ =	sdelay $0x2  }
0xb9: {  	s31 =	sshll.u32 s1, $0xD;
	s1 =	sshrl.u32 s1, $0x2  }
0xba: {  	s3 =	sand.u32 $0x4000, s31;
	s1 =	sadd.s32 s1, s30  }
0xbb: {  	s0 =	sor.u32 s3, s0;
	s1 =	sshll.u32 s1, $0x11  }
0xbc: {  	s0 =	sor.u32 s1, s0  }
0xbd: {  	s0 =	sadd.s32 $0x8F2B, s0  }
0xbe: {  	[sflag:s0] =	ssyncadd.remote.s32 $0x1  }
0xbf: {  	_ =	sfence.sel $0xFFFF  }
0xc0: {  	[dreg:$0x0] =	wrdreg $0xFFFFFFFF;
	(pc) =	sbr.abs _section_cstart, $3  }
0xc1: {  	[dreg:$0x1] =	wrdreg $0xFFFFFFFF  }
0xc2: {  	_ =	task.clear_ibuf [dreg:s7], $0x2FFFF;
	_ =	strace $0x9FFFFFFF  }
0xc3: {  	(tm) =	ssettm $0x7FFFFFFF  }
tec
execute0_lowered:
.L_overlay_start_1:
0x0: {  	(tag) =	ssettag $0x1  }
0x1: {  	s1 =	rddreg [dreg:$0x0]  }
0x2: {  	s0 =	rddreg [dreg:$0x1]  }
0x3: {  	s3 =	rddreg [dreg:$0x2]  }
0x4: {  	s2 =	srdreg.scid;
	s14 =	stileid.u32  }
0x5: {  	s4 =	simm.s32 $0x0;
	s28 =	simm.s32 $0x13C00;
	s29 =	simm.s32 $0x13D00  }
0x6: {  	s30 =	simm.s32 $0x80;
	s31 =	simm.s32 $0x13C80;
	s2 =	sand.u32 $0x1, s2  }
0x7: {  	s5 =	smul.u32 $0x278, s14;
	[smem:$0x7FF] =	sst s4;
	s11 =	sadd.s32 $0x2600, s0  }
0x8: {  	s12 =	sadd.s32 $0xC600, s0;
	s15 =	smul.u32 $0x4F000, s14;
	s7 =	sadd.s32 $0x16600, s0  }
0x9: {  	s6 =	smul.u32 $0x2780, s2;
	_ =	strace $0x8000004D;
	[dreg:$0x4] =	wrdreg s7  }
0xa: {  	s16 =	sshll.u32 s2, $0x4;
	s8 =	ssub.s32 $0x2, s2;
	s2 =	smul.u32 $0x28000, s2  }
0xb: {  	s7 =	sor.u32 s14, s16;
	s9 =	sshrl.u32 s8, $0x1;
	s14 =	smul.u32 $0x2800, s14  }
0xc: {  	s5 =	sadd.s32 s5, s6;
	s6 =	sshrl.u32 s15, $0x2;
	s10 =	smul.u32 $0x2800, s7  }
0xd: {  	s17 =	ssub.s32 s8, s9;
	s5 =	sshll.u32 s5, $0x4;
	s6 =	sadd.s32 s6, s3  }
0xe: {  	s2 =	sadd.s32 s14, s2;
	s14 =	simm.s32 $0x0;
	s0 =	sadd.s32 s5, s0  }
0xf: {  	s7 =	sadd.s32 $0x4000, s6;
	s8 =	sadd.s32 $0x8000, s6;
	s9 =	sadd.s32 $0xC000, s6  }
0x10: {  	s13 =	sshrl.u32 s10, $0x3;
	s10 =	sadd.s32 $0x10000, s6;
	s25 =	sor.u32 $0x180, s2  }
0x11: {  	s2 =	sor.u32 $0x100, s2;
	s5 =	simm.s32 $0x17E00;
	s15 =	sadd.s32 s11, s13  }
0x12: {  	s20 =	sadd.s32 s12, s13;
	s13 =	sor.u32 $0x10, s13;
	s22 =	sadd.s32 $0x16E00, s0  }
0x13: {  	s23 =	sadd.s32 $0x17600, s0;
	s24 =	sadd.s32 $0x17E00, s0;
	[dreg:$0x5] =	wrdreg s15  }
0x14: {  	s18 =	sadd.s32 $0x18600, s0;
	s19 =	sadd.s32 $0x18E00, s0;
	[dreg:$0x6] =	wrdreg s20  }
0x15: {  	s0 =	sshrl.u32 s25, $0x3;
	s26 =	sshrl.u32 s2, $0x3;
	[dreg:$0x9] =	wrdreg s22  }
0x16: {  	s25 =	simm.s32 $0x13E00;
	s2 =	simm.s32 $0x4;
	[dreg:$0xa] =	wrdreg s23  }
0x17: {  	s21 =	sadd.s32 s11, s13;
	s13 =	sadd.s32 s12, s13;
	[dreg:$0xb] =	wrdreg s24  }
0x18: {  	s20 =	smax.u32 s17, $0x1;
	s22 =	sadd.s32 s0, s11;
	s23 =	sadd.s32 s26, s12  }
0x19: {  	s24 =	sadd.s32 s26, s11;
	s26 =	simm.s32 $0x5;
	[dreg:$0x7] =	wrdreg s21  }
0x1a: {  	s11 =	simm.s32 $0x1;
	[dreg:$0x8] =	wrdreg s13;
	s21 =	sadd.s32 s0, s12  }
0x1b: {  	s0 =	simm.s32 $0x13D80;
	s12 =	simm.s32 $0x2;
	s13 =	simm.s32 $0x3  }
.LBB2_1:
0x1c: {  	s15 =	rddreg [dreg:$0x4]  }
0x1d: {  	[tilespmem:s25], [sflag:$0x5] =	stream.linear.gather [hbm4b:s15+s4], $0x4000, $0x38;
	[tilespmem:$0x1BE00] =	vst v63  }
0x1e: {  	_ =	swait.ge [sflag:s26], $0x4000  }
0x1f: {  	[sflag:s26] =	ssyncset.done $0x0  }
0x20: {  	[sflag:s26] =	ssyncadd.s32 $0xFFFFC000  }
0x21: {  	[spmem:s6] =	stream.linear.scatter [tilespmem:s25], [sflag:$0x5], $0x4000, $0x38;
	[tilespmem:$0x1BE00] =	vst v63  }
0x22: {  	_ =	swait.ge [sflag:s26], $0x4000  }
0x23: {  	[sflag:s26] =	ssyncset.done $0x0  }
0x24: {  	[sflag:s26] =	ssyncadd.s32 $0xFFFFC000  }
0x25: {  	[spmem:s7] =	stream.linear.scatter [tilespmem:s25], [sflag:$0x5], $0x4000, $0x38;
	[tilespmem:$0x1BE00] =	vst v63  }
0x26: {  	_ =	swait.ge [sflag:s26], $0x4000  }
0x27: {  	[sflag:s26] =	ssyncset.done $0x0  }
0x28: {  	[sflag:s26] =	ssyncadd.s32 $0xFFFFC000  }
0x29: {  	[spmem:s8] =	stream.linear.scatter [tilespmem:s25], [sflag:$0x5], $0x4000, $0x38;
	[tilespmem:$0x1BE00] =	vst v63  }
0x2a: {  	_ =	swait.ge [sflag:s26], $0x4000  }
0x2b: {  	[sflag:s26] =	ssyncset.done $0x0  }
0x2c: {  	[sflag:s26] =	ssyncadd.s32 $0xFFFFC000  }
0x2d: {  	[spmem:s9] =	stream.linear.scatter [tilespmem:s25], [sflag:$0x5], $0x4000, $0x38;
	[tilespmem:$0x1BE00] =	vst v63  }
0x2e: {  	_ =	swait.ge [sflag:s26], $0x4000  }
0x2f: {  	[sflag:s26] =	ssyncset.done $0x0  }
0x30: {  	[sflag:s26] =	ssyncadd.s32 $0xFFFFC000  }
0x31: {  	[spmem:s10] =	stream.linear.scatter [tilespmem:s25], [sflag:$0x5], $0x3C00, $0x38;
	[tilespmem:$0x1BE00] =	vst v63  }
0x32: {  	_ =	swait.ge [sflag:s26], $0x3C00  }
0x33: {  	[sflag:s26] =	ssyncset.done $0x0  }
0x34: {  	[sflag:s26] =	ssyncadd.s32 $0xFFFFC400  }
0x35: {  	[bflag:$0x0] =	sbarrier.arrive $0xFFFF  }
0x36: {  	s16 =	rddreg [dreg:$0x5]  }
0x37: {  	[tilespmem:s28], [sflag:$0x5] =	stream.linear.gather [hbm4b:s16+s4], $0x80, $0x38;
	[tilespmem:$0x1BE00] =	vst v63  }
0x38: {  	_ =	swait.ge [sflag:s26], $0x80  }
0x39: {  	[sflag:s26] =	ssyncset.done $0x0  }
0x3a: {  	s17 =	rddreg [dreg:$0x6];
	[sflag:s26] =	ssyncadd.s32 $0xFFFFFF80  }
0x3b: {  	[tilespmem:s29], [sflag:$0x5] =	stream.linear.gather [hbm4b:s17+s4], $0x80, $0x38;
	[tilespmem:$0x1BE00] =	vst v63  }
0x3c: {  	_ =	swait.ge [sflag:s26], $0x80  }
0x3d: {  	[sflag:s26] =	ssyncset.done $0x0  }
0x3e: {  	[sflag:s26] =	ssyncadd.s32 $0xFFFFFF80  }
0x3f: {  	[tilespmem:s25], [sflag:$0x1] =	stream.indirect.gather [hbm4b:s1+s30], $0x80, s28, s30, $0xb8;
	[tilespmem:$0x1BE00] =	vst v63  }
0x40: {  	s16 =	rddreg [dreg:$0x7]  }
0x41: {  	[tilespmem:s31], [sflag:$0x4] =	stream.linear.gather [hbm4b:s16+s4], $0x80, $0x38;
	[tilespmem:$0x1BE00] =	vst v63  }
0x42: {  	s17 =	rddreg [dreg:$0x8]  }
0x43: {  	[tilespmem:s0], [sflag:$0x4] =	stream.linear.gather [hbm4b:s17+s4], $0x80, $0x38;
	[tilespmem:$0x1BE00] =	vst v63  }
0x44: {  	_ =	swait.ge [sflag:s2], $0x80  }
0x45: {  	[sflag:s2] =	ssyncset.done $0x0  }
0x46: {  	[sflag:s2] =	ssyncadd.s32 $0xFFFFFF80  }
0x47: {  	_ =	swait.ge [sflag:s2], $0x80  }
0x48: {  	[sflag:s2] =	ssyncset.done $0x0  }
0x49: {  	[sflag:s2] =	ssyncadd.s32 $0xFFFFFF80  }
0x4a: {  	[tilespmem:s5], [sflag:$0x2] =	stream.indirect.gather [hbm4b:s1+s30], $0x80, s31, s30, $0xb8;
	[tilespmem:$0x1BE00] =	vst v63  }
0x4b: {  	_ =	swait.ge [sflag:s11], $0x4000  }
0x4c: {  	[sflag:s11] =	ssyncset.done $0x0  }
0x4d: {  	[sflag:s11] =	ssyncadd.s32 $0xFFFFC000  }
0x4e: {  	[spmem:s3] =	stream.indirect.scatter.add.f32 [tilespmem:s25], [sflag:$0x5], $0x80, s29, s30, $0xb8;
	[tilespmem:$0x1BE00] =	vst v63  }
0x4f: {  	_ =	swait.ge [sflag:s26], $0x4000  }
0x50: {  	[sflag:s26] =	ssyncset.done $0x0  }
0x51: {  	s16 =	sadd.s32 $0x0, s24;
	[sflag:s26] =	ssyncadd.s32 $0xFFFFC000  }
0x52: {  	[tilespmem:s28], [sflag:$0x3] =	stream.linear.gather [hbm4b:s16+s4], $0x80, $0x38;
	[tilespmem:$0x1BE00] =	vst v63  }
0x53: {  	s17 =	sadd.s32 $0x0, s23  }
0x54: {  	[tilespmem:s29], [sflag:$0x3] =	stream.linear.gather [hbm4b:s17+s4], $0x80, $0x38;
	[tilespmem:$0x1BE00] =	vst v63  }
0x55: {  	_ =	swait.ge [sflag:s12], $0x4000  }
0x56: {  	[sflag:s12] =	ssyncset.done $0x0  }
0x57: {  	[sflag:s12] =	ssyncadd.s32 $0xFFFFC000  }
0x58: {  	[spmem:s3] =	stream.indirect.scatter.add.f32 [tilespmem:s5], [sflag:$0x5], $0x80, s0, s30, $0xb8;
	[tilespmem:$0x1BE00] =	vst v63  }
0x59: {  	_ =	swait.ge [sflag:s26], $0x4000  }
0x5a: {  	[sflag:s26] =	ssyncset.done $0x0  }
0x5b: {  	s16 =	sadd.s32 $0x0, s22;
	[sflag:s26] =	ssyncadd.s32 $0xFFFFC000  }
0x5c: {  	[tilespmem:s31], [sflag:$0x4] =	stream.linear.gather [hbm4b:s16+s4], $0x80, $0x38;
	[tilespmem:$0x1BE00] =	vst v63  }
0x5d: {  	s17 =	sadd.s32 $0x0, s21  }
0x5e: {  	[tilespmem:s0], [sflag:$0x4] =	stream.linear.gather [hbm4b:s17+s4], $0x80, $0x38;
	[tilespmem:$0x1BE00] =	vst v63  }
0x5f: {  	_ =	swait.ge [sflag:s13], $0x80  }
0x60: {  	[sflag:s13] =	ssyncset.done $0x0  }
0x61: {  	[sflag:s13] =	ssyncadd.s32 $0xFFFFFF80  }
0x62: {  	_ =	swait.ge [sflag:s13], $0x80  }
0x63: {  	[sflag:s13] =	ssyncset.done $0x0  }
0x64: {  	s15 =	simm.s32 $0x20;
	[sflag:s13] =	ssyncadd.s32 $0xFFFFFF80  }
.LBB2_2:
0x65: {  	[tilespmem:s25], [sflag:$0x1] =	stream.indirect.gather [hbm4b:s1+s30], $0x80, s28, s30, $0xb8;
	[tilespmem:$0x1BE00] =	vst v63  }
0x66: {  	s16 =	smov.u32 s15  }
0x67: {  	p0 =	sne.s32 s15, $0x4C0;
	s15 =	sadd.s32 $0x20, s15;
	_ =	swait.ge [sflag:s2], $0x80  }
0x68: {  	[sflag:s2] =	ssyncset.done $0x0  }
0x69: {  	[sflag:s2] =	ssyncadd.s32 $0xFFFFFF80  }
0x6a: {  	_ =	swait.ge [sflag:s2], $0x80  }
0x6b: {  	[sflag:s2] =	ssyncset.done $0x0  }
0x6c: {  	[sflag:s2] =	ssyncadd.s32 $0xFFFFFF80  }
0x6d: {  	[tilespmem:s5], [sflag:$0x2] =	stream.indirect.gather [hbm4b:s1+s30], $0x80, s31, s30, $0xb8;
	[tilespmem:$0x1BE00] =	vst v63  }
0x6e: {  	_ =	swait.ge [sflag:s11], $0x4000  }
0x6f: {  	[sflag:s11] =	ssyncset.done $0x0  }
0x70: {  	[sflag:s11] =	ssyncadd.s32 $0xFFFFC000  }
0x71: {  	[spmem:s3] =	stream.indirect.scatter.add.f32 [tilespmem:s25], [sflag:$0x5], $0x80, s29, s30, $0xb8;
	[tilespmem:$0x1BE00] =	vst v63  }
0x72: {  	_ =	swait.ge [sflag:s26], $0x4000  }
0x73: {  	[sflag:s26] =	ssyncset.done $0x0  }
0x74: {  	s17 =	sadd.s32 s16, s24;
	[sflag:s26] =	ssyncadd.s32 $0xFFFFC000  }
0x75: {  	[tilespmem:s28], [sflag:$0x3] =	stream.linear.gather [hbm4b:s17+s4], $0x80, $0x38;
	[tilespmem:$0x1BE00] =	vst v63  }
0x76: {  	s17 =	sadd.s32 s16, s23  }
0x77: {  	[tilespmem:s29], [sflag:$0x3] =	stream.linear.gather [hbm4b:s17+s4], $0x80, $0x38;
	[tilespmem:$0x1BE00] =	vst v63  }
0x78: {  	_ =	swait.ge [sflag:s12], $0x4000  }
0x79: {  	[sflag:s12] =	ssyncset.done $0x0  }
0x7a: {  	[sflag:s12] =	ssyncadd.s32 $0xFFFFC000  }
0x7b: {  	[spmem:s3] =	stream.indirect.scatter.add.f32 [tilespmem:s5], [sflag:$0x5], $0x80, s0, s30, $0xb8;
	[tilespmem:$0x1BE00] =	vst v63  }
0x7c: {  	_ =	swait.ge [sflag:s26], $0x4000  }
0x7d: {  	[sflag:s26] =	ssyncset.done $0x0  }
0x7e: {  	s17 =	sadd.s32 s16, s22;
	[sflag:s26] =	ssyncadd.s32 $0xFFFFC000  }
0x7f: {  	[tilespmem:s31], [sflag:$0x4] =	stream.linear.gather [hbm4b:s17+s4], $0x80, $0x38;
	[tilespmem:$0x1BE00] =	vst v63  }
0x80: {  	s16 =	sadd.s32 s16, s21  }
0x81: {  	[tilespmem:s0], [sflag:$0x4] =	stream.linear.gather [hbm4b:s16+s4], $0x80, $0x38;
	[tilespmem:$0x1BE00] =	vst v63  }
0x82: {  	_ =	swait.ge [sflag:s13], $0x80  }
.Ltmp0:
0x83: {  	[sflag:s13] =	ssyncset.done $0x0;
	(pc) =	sbr.rel @p0 .LBB2_2-.Ltmp0, $4  }
0x84: {  	[sflag:s13] =	ssyncadd.s32 $0xFFFFFF80  }
0x85: {  	_ =	swait.ge [sflag:s13], $0x80  }
0x86: {  	[sflag:s13] =	ssyncset.done $0x0  }
0x87: {  	[sflag:s13] =	ssyncadd.s32 $0xFFFFFF80  }
0x88: {  	[tilespmem:s25], [sflag:$0x1] =	stream.indirect.gather [hbm4b:s1+s30], $0x80, s28, s30, $0xb8;
	[tilespmem:$0x1BE00] =	vst v63  }
0x89: {  	_ =	swait.ge [sflag:s2], $0x80  }
0x8a: {  	[sflag:s2] =	ssyncset.done $0x0  }
0x8b: {  	[sflag:s2] =	ssyncadd.s32 $0xFFFFFF80  }
0x8c: {  	_ =	swait.ge [sflag:s2], $0x80  }
0x8d: {  	[sflag:s2] =	ssyncset.done $0x0  }
0x8e: {  	[sflag:s2] =	ssyncadd.s32 $0xFFFFFF80  }
0x8f: {  	[tilespmem:s5], [sflag:$0x2] =	stream.indirect.gather [hbm4b:s1+s30], $0x80, s31, s30, $0xb8;
	[tilespmem:$0x1BE00] =	vst v63  }
0x90: {  	_ =	swait.ge [sflag:s11], $0x4000  }
0x91: {  	[sflag:s11] =	ssyncset.done $0x0  }
0x92: {  	[sflag:s11] =	ssyncadd.s32 $0xFFFFC000  }
0x93: {  	[spmem:s3] =	stream.indirect.scatter.add.f32 [tilespmem:s25], [sflag:$0x5], $0x80, s29, s30, $0xb8;
	[tilespmem:$0x1BE00] =	vst v63  }
0x94: {  	_ =	swait.ge [sflag:s26], $0x4000  }
0x95: {  	[sflag:s26] =	ssyncset.done $0x0  }
0x96: {  	[sflag:s26] =	ssyncadd.s32 $0xFFFFC000  }
0x97: {  	_ =	swait.ge [sflag:s12], $0x4000  }
0x98: {  	[sflag:s12] =	ssyncset.done $0x0  }
0x99: {  	[sflag:s12] =	ssyncadd.s32 $0xFFFFC000  }
0x9a: {  	[spmem:s3] =	stream.indirect.scatter.add.f32 [tilespmem:s5], [sflag:$0x5], $0x80, s0, s30, $0xb8;
	[tilespmem:$0x1BE00] =	vst v63  }
0x9b: {  	_ =	swait.ge [sflag:s26], $0x4000  }
0x9c: {  	[sflag:s26] =	ssyncset.done $0x0  }
0x9d: {  	[sflag:s26] =	ssyncadd.s32 $0xFFFFC000  }
0x9e: {  	[bflag:$0x0] =	sbarrier.arrive $0xFFFF  }
0x9f: {  	[tilespmem:s25], [sflag:$0x5] =	stream.linear.gather [spmem:s6], $0x4000, $0x38;
	[tilespmem:$0x1BE00] =	vst v63  }
0xa0: {  	_ =	swait.ge [sflag:s26], $0x4000  }
0xa1: {  	[sflag:s26] =	ssyncset.done $0x0  }
0xa2: {  	s15 =	rddreg [dreg:$0x9];
	[sflag:s26] =	ssyncadd.s32 $0xFFFFC000  }
0xa3: {  	[hbm4b:s15+s4] =	stream.linear.scatter [tilespmem:s25], [sflag:$0x5], $0x4000, $0x38;
	[tilespmem:$0x1BE00] =	vst v63  }
0xa4: {  	_ =	swait.ge [sflag:s26], $0x4000  }
0xa5: {  	[sflag:s26] =	ssyncset.done $0x0  }
0xa6: {  	[sflag:s26] =	ssyncadd.s32 $0xFFFFC000  }
0xa7: {  	[tilespmem:s25], [sflag:$0x5] =	stream.linear.gather [spmem:s7], $0x4000, $0x38;
	[tilespmem:$0x1BE00] =	vst v63  }
0xa8: {  	_ =	swait.ge [sflag:s26], $0x4000  }
0xa9: {  	[sflag:s26] =	ssyncset.done $0x0  }
0xaa: {  	s16 =	rddreg [dreg:$0xa];
	[sflag:s26] =	ssyncadd.s32 $0xFFFFC000  }
0xab: {  	[hbm4b:s16+s4] =	stream.linear.scatter [tilespmem:s25], [sflag:$0x5], $0x4000, $0x38;
	[tilespmem:$0x1BE00] =	vst v63  }
0xac: {  	_ =	swait.ge [sflag:s26], $0x4000  }
0xad: {  	[sflag:s26] =	ssyncset.done $0x0  }
0xae: {  	[sflag:s26] =	ssyncadd.s32 $0xFFFFC000  }
0xaf: {  	[tilespmem:s25], [sflag:$0x5] =	stream.linear.gather [spmem:s8], $0x4000, $0x38;
	[tilespmem:$0x1BE00] =	vst v63  }
0xb0: {  	_ =	swait.ge [sflag:s26], $0x4000  }
0xb1: {  	[sflag:s26] =	ssyncset.done $0x0  }
0xb2: {  	s17 =	rddreg [dreg:$0xb];
	[sflag:s26] =	ssyncadd.s32 $0xFFFFC000  }
0xb3: {  	[hbm4b:s17+s4] =	stream.linear.scatter [tilespmem:s25], [sflag:$0x5], $0x4000, $0x38;
	[tilespmem:$0x1BE00] =	vst v63  }
0xb4: {  	_ =	swait.ge [sflag:s26], $0x4000  }
0xb5: {  	[sflag:s26] =	ssyncset.done $0x0  }
0xb6: {  	[sflag:s26] =	ssyncadd.s32 $0xFFFFC000  }
0xb7: {  	[tilespmem:s25], [sflag:$0x5] =	stream.linear.gather [spmem:s9], $0x4000, $0x38;
	[tilespmem:$0x1BE00] =	vst v63  }
0xb8: {  	_ =	swait.ge [sflag:s26], $0x4000  }
0xb9: {  	[sflag:s26] =	ssyncset.done $0x0  }
0xba: {  	[sflag:s26] =	ssyncadd.s32 $0xFFFFC000  }
0xbb: {  	[hbm4b:s18+s4] =	stream.linear.scatter [tilespmem:s25], [sflag:$0x5], $0x4000, $0x38;
	[tilespmem:$0x1BE00] =	vst v63  }
0xbc: {  	_ =	swait.ge [sflag:s26], $0x4000  }
0xbd: {  	[sflag:s26] =	ssyncset.done $0x0  }
0xbe: {  	[sflag:s26] =	ssyncadd.s32 $0xFFFFC000  }
0xbf: {  	[tilespmem:s25], [sflag:$0x5] =	stream.linear.gather [spmem:s10], $0x3C00, $0x38;
	[tilespmem:$0x1BE00] =	vst v63  }
0xc0: {  	s14 =	sadd.s32 $0x1, s14;
	_ =	swait.ge [sflag:s26], $0x3C00  }
0xc1: {  	p0 =	sne.s32 s14, s20;
	[sflag:s26] =	ssyncset.done $0x0  }
.Ltmp1:
0xc2: {  	[sflag:s26] =	ssyncadd.s32 $0xFFFFC400;
	(pc) =	sbr.rel @p0 .LBB2_1-.Ltmp1, $4  }
0xc3: {  	[hbm4b:s19+s4] =	stream.linear.scatter [tilespmem:s25], [sflag:$0x5], $0x3C00, $0x38;
	[tilespmem:$0x1BE00] =	vst v63  }
0xc4: {  	_ =	swait.ge [sflag:s26], $0x3C00  }
0xc5: {  	[sflag:s26] =	ssyncset.done $0x0  }
0xc6: {  	[sflag:s26] =	ssyncadd.s32 $0xFFFFC400  }
0xc7: {  	_ =	sfence.sel $0x180000  }
0xc8: {  	[bflag:$0x0] =	sbarrier.arrive $0xFFFF  }
0xc9: {  	_ =	strace $0x9000004D  }
0xca: {  	s0 =	stileid.u32;
	[bflag:$0x2] =	sbarrier.arrive $0xFFFF  }
0xcb: {  	p0 =	sne.s32 s0, $0x0;
	s0 =	rddreg [dreg:$0x3]  }
0xcc: {  	s0 =	sadd.s32 @!p0 $0x100000, s0  }
0xcd: {  	[sflag:s0] =	ssyncadd.tile.s32 @!p0 $0x1;
	_ =	shalt  }
.Lfunc_end2:
_tile_overlayer_lowered:
.L_overlay_start_2:
0xce: {  	(tag) =	ssettag $0x2  }
0xcf: {  	s0 =	rddreg [dreg:$0x0];
	s2 =	stileid.u32  }
0xd0: {  	s1 =	rddreg [dreg:$0x1];
	p0 =	sne.s32 s2, $0x0  }
0xd1: {  	s3 =	rddreg [dreg:$0x2];
	[bflag:$0x3] =	sbarrier.arrive $0xFFFF;
	s2 =	simm.s32 @!p0 $0x1C05  }
0xd2: {  	[timem:s3], [sflag:s2] =	dma.local @!p0 [hbm:s0], s1  }
0xd3: {  	s0 =	simm.s32 @!p0 $0x5  }
0xd4: {  	_ =	swait.ge @!p0 [sflag:s0], s1  }
0xd5: {  	s1 =	ssub.s32 @!p0 $0x0, s1;
	[sflag:s0] =	ssyncset.done @!p0 $0x0  }
0xd6: {  	[sflag:s0] =	ssyncadd.s32 @!p0 s1  }
0xd7: {  	[bflag:$0x3] =	sbarrier.arrive $0xFFFF  }
0xd8: {  	_ =	shalt  }

// kernel: kernel.8.cloned.1.call-start
scs
__scs_entry_jumppad:
0x0: {  	(pc) =	sbr.rel $0x88, $3  }
0x1: {  	(tag) =	ssettag $0x0;
	lr =	simm.s32 $0x1  }
0x2: {  	[smem:$0x3F95] =	sst lr;
	_ =	strace $0xD0000000  }
0x3: {  	_ = 	snop  }
0x4: {  	_ = 	snop  }
0x5: {  	_ = 	snop  }
0x6: {  	_ = 	snop  }
0x7: {  	_ = 	snop  }
__scs_overlays_trampoline_lowered:
0x8: {  	[smem:$0x3FA4] =	sst s0  }
0x9: {  	[smem:$0x3FA5] =	sst s1  }
0xa: {  	[smem:$0x3FA6] =	sst s2  }
0xb: {  	[smem:$0x3FA7] =	sst s3  }
0xc: {  	[smem:$0x3FA8] =	sst s4  }
0xd: {  	[smem:$0x3FA9] =	sst s5  }
0xe: {  	[smem:$0x3FAA] =	sst s6  }
0xf: {  	[smem:$0x3FAB] =	sst s7  }
0x10: {  	[smem:$0x3FAC] =	sst s8  }
0x11: {  	[smem:$0x3FAD] =	sst s9;
	s0 =	simm.s32 @!p0 $0x0  }
0x12: {  	s1 =	sld [smem:$0x3F93];
	s0 =	simm.s32 @p0 $0x1  }
0x13: {  	[smem:$0x3FAE] =	sst s0;
	s0 =	simm.s32 @!p1 $0x0  }
0x14: {  	s2 =	sld [smem:$0x3F92];
	s0 =	simm.s32 @p1 $0x1  }
0x15: {  	[smem:$0x3FAF] =	sst s0;
	s0 =	simm.s32 @!p2 $0x0  }
0x16: {  	s3 =	sld [smem:$0x3FDB];
	s0 =	simm.s32 @p2 $0x1  }
0x17: {  	s4 =	simm.s32 $0x1BF5;
	[smem:$0x3FB1] =	sst s0  }
0x18: {  	s0 =	sld [smem:$0x3F94];
	_ =	swait.ge [sflag:s4], $0x0  }
0x19: {  	s7 =	sld [smem:$0x3F95]  }
0x1a: {  	s8 =	sadd.s32 $0xFFFFE003, lr  }
0x1b: {  	s9 =	sadd.s32 $0xFFFFFEF7, lr;
	s5 =	simm.s32 $0xFFFFFFFF;
	p2 =	slt.u32 s8, $0xFFFFF086  }
0x1c: {  	p1 =	slt.u32 s9, $0xF7A;
	s5 =	simm.s32 @!p2 $0x0  }
0x1d: {  	s5 =	simm.s32 @p1 $0x1;
	p0 =	seq.s32 s7, s2  }
0x1e: {  	s7 =	smul.u32 @!p0 $0xF7A, s2;
	p2 =	seq.s32 @!p0 s5, $0x0  }
0x1f: {  	s9 =	smul.u32 $0xF7A, s1;
	s8 =	simm.s32 @!p0 $0x1BF5;
	p2 =	por !p2, p0  }
0x20: {  	[sflag:s8] =	ssyncset.s32 @!p0 $0xFFFFF086;
	s6 =	sadd.s32 @!p0 s3, s7;
	s7 =	simm.s32 @!p0 $0x108  }
0x21: {  	s3 =	sadd.s32 s3, s9;
	s6 =	sadd.s32 @!p0 $0x88, s6;
	s7 =	simm.s32 @p2 $0x1082  }
0x22: {  	[simem:s7], [sflag:s8] =	dma.local @!p0 [hbm:s6], $0xF7A  }
0x23: {  	s9 =	sor.u32 $0xD0000000, s2;
	s6 =	simm.s32 $0x108;
	_ =	swait.ge @!p0 [sflag:s8], $0x0  }
0x24: {  	s3 =	sadd.s32 $0x88, s3;
	s6 =	simm.s32 @!p1 $0x1082;
	[sflag:s4] =	ssyncset.s32 $0xFFFFF086  }
0x25: {  	[simem:s6], [sflag:s4] =	dma.local [hbm:s3], $0xF7A  }
0x26: {  	[smem:$0x3F95] =	sst s1;
	(tag) =	ssettag s2;
	_ =	strace s9  }
0x27: {  	s1 =	sld [smem:$0x3FA5]  }
0x28: {  	s2 =	sld [smem:$0x3FA6]  }
0x29: {  	s4 =	sld [smem:$0x3FA8]  }
0x2a: {  	p0 =	seq.s32 s5, $0x0;
	s5 =	sld [smem:$0x3FA9]  }
0x2b: {  	s6 =	sld [smem:$0x3FAA]  }
0x2c: {  	s7 =	sld [smem:$0x3FAB]  }
0x2d: {  	s3 =	simm.s32 $0x108;
	s8 =	sld [smem:$0x3FAC]  }
0x2e: {  	s3 =	simm.s32 @!p0 $0x1082;
	s9 =	sld [smem:$0x3FAD]  }
0x2f: {  	lr =	sadd.s32 s0, s3;
	s0 =	sld [smem:$0x3FA4]  }
0x30: {  	s3 =	sld [smem:$0x3FA7]  }
0x31: {  	[smem:$0x3FB0] =	sst s10  }
0x32: {  	s10 =	sld [smem:$0x3FAE];
	_ =	sdelay $0x3  }
0x33: {  	p0 =	seq.s32 s10, $0x1;
	s10 =	sld [smem:$0x3FB0];
	_ =	sdelay $0x3  }
0x34: {  	[smem:$0x3FB0] =	sst s10  }
0x35: {  	s10 =	sld [smem:$0x3FAF];
	_ =	sdelay $0x3  }
0x36: {  	p1 =	seq.s32 s10, $0x1;
	s10 =	sld [smem:$0x3FB0];
	_ =	sdelay $0x3  }
0x37: {  	[smem:$0x3FB0] =	sst s10  }
0x38: {  	s10 =	sld [smem:$0x3FB1]  }
0x39: {  	_ = 	snop;
	(pc) =	sbr.ind lr, $3  }
0x3a: {  	_ = 	snop  }
0x3b: {  	_ = 	snop  }
0x3c: {  	p2 =	seq.s32 s10, $0x1;
	s10 =	sld [smem:$0x3FB0]  }
0x3d: {  	_ =	shalt  }
0x3e: {  	_ =	shalt  }
0x3f: {  	_ =	shalt  }
0x40: {  	_ =	shalt  }
0x41: {  	_ =	shalt  }
0x42: {  	_ =	shalt  }
0x43: {  	_ =	shalt  }
0x44: {  	_ =	shalt  }
0x45: {  	_ =	shalt  }
0x46: {  	_ =	shalt  }
0x47: {  	_ =	shalt  }
0x48: {  	_ =	shalt  }
0x49: {  	_ =	shalt  }
0x4a: {  	_ =	shalt  }
0x4b: {  	_ =	shalt  }
0x4c: {  	_ =	shalt  }
0x4d: {  	_ =	shalt  }
0x4e: {  	_ =	shalt  }
0x4f: {  	_ =	shalt  }
0x50: {  	_ =	shalt  }
0x51: {  	_ =	shalt  }
0x52: {  	_ =	shalt  }
0x53: {  	_ =	shalt  }
0x54: {  	_ =	shalt  }
0x55: {  	_ =	shalt  }
0x56: {  	_ =	shalt  }
0x57: {  	_ =	shalt  }
0x58: {  	_ =	shalt  }
0x59: {  	_ =	shalt  }
0x5a: {  	_ =	shalt  }
0x5b: {  	_ =	shalt  }
0x5c: {  	_ =	shalt  }
0x5d: {  	_ =	shalt  }
0x5e: {  	_ =	shalt  }
0x5f: {  	_ =	shalt  }
0x60: {  	_ =	shalt  }
0x61: {  	_ =	shalt  }
0x62: {  	_ =	shalt  }
0x63: {  	_ =	shalt  }
0x64: {  	_ =	shalt  }
0x65: {  	_ =	shalt  }
0x66: {  	_ =	shalt  }
0x67: {  	_ =	shalt  }
0x68: {  	_ =	shalt  }
0x69: {  	_ =	shalt  }
0x6a: {  	_ =	shalt  }
0x6b: {  	_ =	shalt  }
0x6c: {  	_ =	shalt  }
0x6d: {  	_ =	shalt  }
0x6e: {  	_ =	shalt  }
0x6f: {  	_ =	shalt  }
0x70: {  	_ =	shalt  }
0x71: {  	_ =	shalt  }
0x72: {  	_ =	shalt  }
0x73: {  	_ =	shalt  }
0x74: {  	_ =	shalt  }
0x75: {  	_ =	shalt  }
0x76: {  	_ =	shalt  }
0x77: {  	_ =	shalt  }
0x78: {  	_ =	shalt  }
0x79: {  	_ =	shalt  }
0x7a: {  	_ =	shalt  }
0x7b: {  	_ =	shalt  }
0x7c: {  	_ =	shalt  }
0x7d: {  	_ =	shalt  }
0x7e: {  	_ =	shalt  }
0x7f: {  	_ =	shalt  }
0x80: {  	_ =	shalt  }
0x81: {  	_ =	shalt  }
0x82: {  	_ =	shalt  }
0x83: {  	_ =	shalt  }
0x84: {  	_ =	shalt  }
0x85: {  	_ =	shalt  }
0x86: {  	_ =	shalt  }
0x87: {  	_ =	shalt  }
.Lfunc_end0:
.L_simem_size_0:
called_computation_lowered:
.L_overlay_start_0:
0x88: {  	s2 =	sld [smem:$0x3FD9]  }
0x89: {  	s3 =	sld [smem:$0x3FFE];
	_ =	sdelay $0x1  }
0x8a: {  	s1 =	srdreg.scid  }
0x8b: {  	s0 =	sand.u32 $0x1, s1  }
0x8c: {  	s17 =	sshll.u32 s0, $0xA;
	s2 =	sadd.s32 s3, s2  }
0x8d: {  	s2 =	sadd.s32 s2, s17  }
0x8e: {  	[smem:$0x3FBC] =	sst s2  }
0x8f: {  	_ = 	snop  }
0x90: {  	(tm) =	ssettm $0x1  }
0x91: {  	s18 =	sld [smem:$0x3FFB];
	_ =	sdelay $0x3  }
0x92: {  	_ =	strace s18  }
0x93: {  	s2 =	sld [smem:$0x3FFC];
	_ =	sdelay $0x3  }
0x94: {  	_ =	strace s2  }
0x95: {  	s2 =	sld [smem:$0x3FFD];
	_ =	sdelay $0x3  }
0x96: {  	_ =	strace s2  }
0x97: {  	_ =	strace $0x8FFFFFFF  }
0x98: {  	s19 =	sld [smem:$0x3FDB];
	_ =	sdelay $0x1  }
0x99: {  	s20 =	simm.s32 $_scs_section_size  }
0x9a: {  	s4 =	simm.s32 $_size__tile_overlayer_lowered;
	s5 =	simm.s32 $_tile_overlayer_lowered  }
0x9b: {  	s6 =	simm.s32 $0x1BFF;
	s21 =	sshll.u32 s5, $0x1;
	s3 =	sadd.s32 s20, s19  }
0x9c: {  	s22 =	simm.s32 $0x0;
	s4 =	sshll.u32 s4, $0x1;
	s5 =	sadd.s32 s21, s3  }
0x9d: {  	[timem:s22], [sflag:s6] =	dma.local [hbm:s5], s4  }
0x9e: {  	_ =	swait.ge [sflag:s6], s4  }
0x9f: {  	s4 =	ssub.s32 $0x0, s4;
	[sflag:s6] =	ssyncset.done $0x0  }
0xa0: {  	[sflag:s6] =	ssyncadd.s32 s4;
	_ =	sdelay $0x1  }
0xa1: {  	s23 =	simm.s32 $0x1B8B  }
0xa2: {  	_ =	swait.ge [sflag:s23], $0x1  }
0xa3: {  	[sflag:s23] =	ssyncset.done $0x0  }
0xa4: {  	[sflag:s23] =	ssyncadd.s32 $0xFFFFFFFF  }
0xa5: {  	s4 =	sld [smem:$0x0]  }
0xa6: {  	s5 =	sand.u32 $0xFFFFFFFE, s1  }
0xa7: {  	p0 =	sne.s32 s1, s5  }
0xa8: {  	s5 =	sshll.u32 @p0 s5, $0xE  }
0xa9: {  	s5 =	sadd.s32 @p0 $0x11B8D, s5;
	s6 =	sshll.u32 @p0 s4, $0x11  }
0xaa: {  	s5 =	sor.u32 @p0 s6, s5  }
0xab: {  	[sflag:s5] =	ssyncadd.remote.s32 @p0 $0x1;
	_ =	sdelay $0x1  }
0xac: {  	s5 =	simm.s32 @p0 $0x1B8D  }
0xad: {  	_ =	swait.eq @p0 [sflag:s5], $0x1  }
0xae: {  	[sflag:s5] =	ssyncadd.s32 @p0 $0xFFFFFFFF  }
0xaf: {  	s6 =	sshll.u32 @!p0 s1, $0xE  }
0xb0: {  	s6 =	sor.u32 @!p0 $0x4000, s6;
	s5 =	simm.s32 @!p0 $0x1B8D  }
0xb1: {  	s4 =	sshll.u32 @!p0 s4, $0x11;
	s6 =	sadd.s32 @!p0 $0x11B8D, s6;
	_ =	swait.eq @!p0 [sflag:s5], $0x1  }
0xb2: {  	s4 =	sor.u32 @!p0 s4, s6;
	[sflag:s5] =	ssyncadd.s32 @!p0 $0xFFFFFFFF  }
0xb3: {  	s25 =	simm.s32 $0x1B8E;
	s24 =	sld [smem:$0x3FFE];
	[sflag:s4] =	ssyncadd.remote.s32 @!p0 $0x1  }
0xb4: {  	s26 =	simm.s32 $execute0_lowered;
	[smem:$0x3FD2] =	sst s25  }
0xb5: {  	s5 =	sshll.u32 s26, $0x1;
	_ =	strace $0x80000049;
	[dreg:$0x1] =	wrdreg $0xFFFFFFFF  }
0xb6: {  	s28 =	simm.s32 $_size_execute0_lowered;
	s3 =	sadd.s32 s3, s5;
	[dreg:$0x0] =	wrdreg $0x0  }
0xb7: {  	s5 =	sshll.u32 s28, $0x1;
	[dreg:$0x2] =	wrdreg s3  }
0xb8: {  	[dreg:$0x3] =	wrdreg s5  }
0xb9: {  	[dreg:$0x4] =	wrdreg $0xC0  }
0xba: {  	_ =	task [dreg:s22], $0x5FFFF  }
0xbb: {  	[dreg:$0x1] =	wrdreg $0xFFFFFFFF  }
0xbc: {  	[dreg:$0x0] =	wrdreg $0x60  }
0xbd: {  	[dreg:$0x2] =	wrdreg s24  }
0xbe: {  	[dreg:$0x3] =	wrdreg $0x0  }
0xbf: {  	[dreg:$0x4] =	wrdreg $0x9  }
0xc0: {  	_ =	task.clear_ibuf [dreg:s22], $0x5FFFF;
	_ =	strace $0x90000049  }
0xc1: {  	s29 =	simm.s32 $0x9;
	_ =	strace $0x8000004B  }
0xc2: {  	_ =	swait.ge [sflag:s29], $0x1  }
0xc3: {  	[sflag:s29] =	ssyncadd.s32 $0xFFFFFFFF  }
0xc4: {  	_ =	strace $0x9000004B  }
0xc5: {  	_ =	sfence  }
0xc6: {  	s30 =	sld [smem:$0x0];
	_ =	sdelay $0x2  }
0xc7: {  	s31 =	sshll.u32 s1, $0xD;
	s1 =	sshrl.u32 s1, $0x2  }
0xc8: {  	s4 =	sand.u32 $0x4000, s31;
	s1 =	sadd.s32 s1, s30  }
0xc9: {  	s0 =	sor.u32 s4, s0;
	s1 =	sshll.u32 s1, $0x11  }
0xca: {  	s0 =	sor.u32 s1, s0  }
0xcb: {  	s0 =	sadd.s32 $0x8F2B, s0  }
0xcc: {  	[sflag:s0] =	ssyncadd.remote.s32 $0x1  }
0xcd: {  	_ =	sfence.sel $0xFFFF  }
0xce: {  	[dreg:$0x0] =	wrdreg $0xFFFFFFFF;
	(pc) =	sbr.abs _section_cstart, $3  }
0xcf: {  	[dreg:$0x1] =	wrdreg $0xFFFFFFFF  }
0xd0: {  	_ =	task.clear_ibuf [dreg:s22], $0x2FFFF;
	_ =	strace $0x9FFFFFFF  }
0xd1: {  	(tm) =	ssettm $0x7FFFFFFF  }
tec
execute0_lowered:
.L_overlay_start_1:
0x0: {  	(tag) =	ssettag $0x1  }
0x1: {  	s6 =	rddreg [dreg:$0x0]  }
0x2: {  	s1 =	rddreg [dreg:$0x1];
	s2 =	srdreg.scid  }
0x3: {  	s0 =	rddreg [dreg:$0x2];
	s3 =	simm.s32 $0x0;
	s7 =	sand.u32 $0x1, s2  }
0x4: {  	s19 =	simm.s32 $0x1;
	s2 =	stileid.u32;
	s4 =	smul.u32 $0x5000, s7  }
0x5: {  	s20 =	simm.s32 $0x13C00;
	s21 =	simm.s32 $0x80;
	s8 =	smul.u32 $0x278, s2  }
0x6: {  	s22 =	simm.s32 $0x0;
	[smem:$0x7FF] =	sst s3;
	s9 =	smul.u32 $0x2780, s7  }
0x7: {  	s5 =	sadd.s32 $0x65E00, s6;
	s10 =	smul.u32 $0x4F000, s2;
	s7 =	ssub.s32 $0x2, s7  }
0x8: {  	_ =	strace $0x8000004A;
	s18 =	smul.u32 $0x500, s2;
	s31 =	sshrl.u32 s7, $0x1  }
0x9: {  	s17 =	sadd.s32 s4, s6;
	s4 =	sadd.s32 $0x16600, s6;
	s8 =	sadd.s32 s8, s9  }
0xa: {  	s10 =	sshrl.u32 s10, $0x2;
	s16 =	ssub.s32 s7, s31;
	s8 =	sshll.u32 s8, $0x4  }
0xb: {  	s16 =	smax.u32 s16, $0x1;
	s17 =	sadd.s32 s18, s17;
	s18 =	simm.s32 $0x13C80  }
0xc: {  	s15 =	sadd.s32 s8, s6;
	s6 =	sadd.s32 s10, s1;
	s17 =	sadd.s32 $0xC600, s17  }
0xd: {  	s7 =	sadd.s32 $0x4000, s6;
	s8 =	sadd.s32 $0x8000, s6;
	s9 =	sadd.s32 $0xC000, s6  }
0xe: {  	s10 =	sadd.s32 $0x10000, s6;
	s11 =	sadd.s32 $0x66600, s15;
	s12 =	sadd.s32 $0x66E00, s15  }
0xf: {  	s13 =	sadd.s32 $0x67600, s15;
	s14 =	sadd.s32 $0x67E00, s15;
	s15 =	sadd.s32 $0x68600, s15  }
.LBB2_1:
0x10: {  	[tilespmem:s18], [sflag:$0x1] =	stream.linear.gather [hbm4b:s4+s3], $0x4000, $0x38;
	[tilespmem:$0x17C80] =	vst v63  }
0x11: {  	_ =	swait.ge [sflag:s19], $0x4000  }
0x12: {  	[sflag:s19] =	ssyncset.done $0x0  }
0x13: {  	[sflag:s19] =	ssyncadd.s32 $0xFFFFC000  }
0x14: {  	[spmem:s6] =	stream.linear.scatter [tilespmem:s18], [sflag:$0x1], $0x4000, $0x38;
	[tilespmem:$0x17C80] =	vst v63  }
0x15: {  	_ =	swait.ge [sflag:s19], $0x4000  }
0x16: {  	[sflag:s19] =	ssyncset.done $0x0  }
0x17: {  	[sflag:s19] =	ssyncadd.s32 $0xFFFFC000  }
0x18: {  	[spmem:s7] =	stream.linear.scatter [tilespmem:s18], [sflag:$0x1], $0x4000, $0x38;
	[tilespmem:$0x17C80] =	vst v63  }
0x19: {  	_ =	swait.ge [sflag:s19], $0x4000  }
0x1a: {  	[sflag:s19] =	ssyncset.done $0x0  }
0x1b: {  	[sflag:s19] =	ssyncadd.s32 $0xFFFFC000  }
0x1c: {  	[spmem:s8] =	stream.linear.scatter [tilespmem:s18], [sflag:$0x1], $0x4000, $0x38;
	[tilespmem:$0x17C80] =	vst v63  }
0x1d: {  	_ =	swait.ge [sflag:s19], $0x4000  }
0x1e: {  	[sflag:s19] =	ssyncset.done $0x0  }
0x1f: {  	[sflag:s19] =	ssyncadd.s32 $0xFFFFC000  }
0x20: {  	[spmem:s9] =	stream.linear.scatter [tilespmem:s18], [sflag:$0x1], $0x4000, $0x38;
	[tilespmem:$0x17C80] =	vst v63  }
0x21: {  	_ =	swait.ge [sflag:s19], $0x4000  }
0x22: {  	[sflag:s19] =	ssyncset.done $0x0  }
0x23: {  	[sflag:s19] =	ssyncadd.s32 $0xFFFFC000  }
0x24: {  	[spmem:s10] =	stream.linear.scatter [tilespmem:s18], [sflag:$0x1], $0x3C00, $0x38;
	[tilespmem:$0x17C80] =	vst v63  }
0x25: {  	_ =	swait.ge [sflag:s19], $0x3C00  }
0x26: {  	[sflag:s19] =	ssyncset.done $0x0  }
0x27: {  	[sflag:s19] =	ssyncadd.s32 $0xFFFFC400  }
0x28: {  	[tilespmem:s18], [sflag:$0x1] =	stream.linear.gather [hbm4b:s5+s3], $0x4000, $0x38;
	[tilespmem:$0x17C80] =	vst v63  }
0x29: {  	_ =	swait.ge [sflag:s19], $0x4000  }
0x2a: {  	[sflag:s19] =	ssyncset.done $0x0  }
0x2b: {  	[sflag:s19] =	ssyncadd.s32 $0xFFFFC000  }
0x2c: {  	s23 =	sadd.s32 $0x0, s17;
	[bflag:$0x0] =	sbarrier.arrive $0xFFFF  }
0x2d: {  	[tilespmem:s20], [sflag:$0x1] =	stream.linear.gather [hbm4b:s23+s3], $0x80, $0x38;
	[tilespmem:$0x17C80] =	vst v63  }
0x2e: {  	_ =	swait.ge [sflag:s19], $0x80  }
0x2f: {  	[sflag:s19] =	ssyncset.done $0x0  }
0x30: {  	[sflag:s19] =	ssyncadd.s32 $0xFFFFFF80  }
0x31: {  	[spmem:s1] =	stream.indirect.scatter.add.f32 [tilespmem:s18], [sflag:$0x1], $0x80, s20, s21, $0xb8;
	[tilespmem:$0x17C80] =	vst v63  }
0x32: {  	_ =	swait.ge [sflag:s19], $0x4000  }
0x33: {  	s24 =	simm.s32 $0x20;
	s23 =	simm.s32 $0x10;
	[sflag:s19] =	ssyncset.done $0x0  }
.LBB2_2:
0x34: {  	s25 =	sadd.s32 s23, s17  }
0x35: {  	[sflag:s19] =	ssyncadd.s32 $0xFFFFC000;
	s23 =	smov.u32 s24;
	s26 =	sadd.s32 $0x10, s24  }
0x36: {  	[tilespmem:s20], [sflag:$0x1] =	stream.linear.gather [hbm4b:s25+s3], $0x80, $0x38;
	[tilespmem:$0x17C80] =	vst v63  }
0x37: {  	p0 =	sne.s32 s24, $0x4F0;
	_ =	swait.ge [sflag:s19], $0x80  }
.Ltmp0:
0x38: {  	[sflag:s19] =	ssyncset.done $0x0;
	(pc) =	sbr.rel @p0 .LBB2_2-.Ltmp0, $4  }
0x39: {  	[sflag:s19] =	ssyncadd.s32 $0xFFFFFF80  }
0x3a: {  	[spmem:s1] =	stream.indirect.scatter.add.f32 [tilespmem:s18], [sflag:$0x1], $0x80, s20, s21, $0xb8;
	[tilespmem:$0x17C80] =	vst v63  }
0x3b: {  	_ =	swait.ge [sflag:s19], $0x4000  }
0x3c: {  	s24 =	smov.u32 s26;
	[sflag:s19] =	ssyncset.done $0x0  }
0x3d: {  	s23 =	sadd.s32 s23, s17;
	[sflag:s19] =	ssyncadd.s32 $0xFFFFC000  }
0x3e: {  	[tilespmem:s20], [sflag:$0x1] =	stream.linear.gather [hbm4b:s23+s3], $0x80, $0x38;
	[tilespmem:$0x17C80] =	vst v63  }
0x3f: {  	_ =	swait.ge [sflag:s19], $0x80  }
0x40: {  	[sflag:s19] =	ssyncset.done $0x0  }
0x41: {  	[sflag:s19] =	ssyncadd.s32 $0xFFFFFF80  }
0x42: {  	[spmem:s1] =	stream.indirect.scatter.add.f32 [tilespmem:s18], [sflag:$0x1], $0x80, s20, s21, $0xb8;
	[tilespmem:$0x17C80] =	vst v63  }
0x43: {  	_ =	swait.ge [sflag:s19], $0x4000  }
0x44: {  	[sflag:s19] =	ssyncset.done $0x0  }
0x45: {  	[sflag:s19] =	ssyncadd.s32 $0xFFFFC000  }
0x46: {  	[bflag:$0x0] =	sbarrier.arrive $0xFFFF  }
0x47: {  	[tilespmem:s18], [sflag:$0x1] =	stream.linear.gather [spmem:s6], $0x4000, $0x38;
	[tilespmem:$0x17C80] =	vst v63  }
0x48: {  	_ =	swait.ge [sflag:s19], $0x4000  }
0x49: {  	[sflag:s19] =	ssyncset.done $0x0  }
0x4a: {  	[sflag:s19] =	ssyncadd.s32 $0xFFFFC000  }
0x4b: {  	[hbm4b:s11+s3] =	stream.linear.scatter [tilespmem:s18], [sflag:$0x1], $0x4000, $0x38;
	[tilespmem:$0x17C80] =	vst v63  }
0x4c: {  	_ =	swait.ge [sflag:s19], $0x4000  }
0x4d: {  	[sflag:s19] =	ssyncset.done $0x0  }
0x4e: {  	[sflag:s19] =	ssyncadd.s32 $0xFFFFC000  }
0x4f: {  	[tilespmem:s18], [sflag:$0x1] =	stream.linear.gather [spmem:s7], $0x4000, $0x38;
	[tilespmem:$0x17C80] =	vst v63  }
0x50: {  	_ =	swait.ge [sflag:s19], $0x4000  }
0x51: {  	[sflag:s19] =	ssyncset.done $0x0  }
0x52: {  	[sflag:s19] =	ssyncadd.s32 $0xFFFFC000  }
0x53: {  	[hbm4b:s12+s3] =	stream.linear.scatter [tilespmem:s18], [sflag:$0x1], $0x4000, $0x38;
	[tilespmem:$0x17C80] =	vst v63  }
0x54: {  	_ =	swait.ge [sflag:s19], $0x4000  }
0x55: {  	[sflag:s19] =	ssyncset.done $0x0  }
0x56: {  	[sflag:s19] =	ssyncadd.s32 $0xFFFFC000  }
0x57: {  	[tilespmem:s18], [sflag:$0x1] =	stream.linear.gather [spmem:s8], $0x4000, $0x38;
	[tilespmem:$0x17C80] =	vst v63  }
0x58: {  	_ =	swait.ge [sflag:s19], $0x4000  }
0x59: {  	[sflag:s19] =	ssyncset.done $0x0  }
0x5a: {  	[sflag:s19] =	ssyncadd.s32 $0xFFFFC000  }
0x5b: {  	[hbm4b:s13+s3] =	stream.linear.scatter [tilespmem:s18], [sflag:$0x1], $0x4000, $0x38;
	[tilespmem:$0x17C80] =	vst v63  }
0x5c: {  	_ =	swait.ge [sflag:s19], $0x4000  }
0x5d: {  	[sflag:s19] =	ssyncset.done $0x0  }
0x5e: {  	[sflag:s19] =	ssyncadd.s32 $0xFFFFC000  }
0x5f: {  	[tilespmem:s18], [sflag:$0x1] =	stream.linear.gather [spmem:s9], $0x4000, $0x38;
	[tilespmem:$0x17C80] =	vst v63  }
0x60: {  	_ =	swait.ge [sflag:s19], $0x4000  }
0x61: {  	[sflag:s19] =	ssyncset.done $0x0  }
0x62: {  	[sflag:s19] =	ssyncadd.s32 $0xFFFFC000  }
0x63: {  	[hbm4b:s14+s3] =	stream.linear.scatter [tilespmem:s18], [sflag:$0x1], $0x4000, $0x38;
	[tilespmem:$0x17C80] =	vst v63  }
0x64: {  	_ =	swait.ge [sflag:s19], $0x4000  }
0x65: {  	[sflag:s19] =	ssyncset.done $0x0  }
0x66: {  	[sflag:s19] =	ssyncadd.s32 $0xFFFFC000  }
0x67: {  	[tilespmem:s18], [sflag:$0x1] =	stream.linear.gather [spmem:s10], $0x3C00, $0x38;
	[tilespmem:$0x17C80] =	vst v63  }
0x68: {  	s22 =	sadd.s32 $0x1, s22;
	_ =	swait.ge [sflag:s19], $0x3C00  }
0x69: {  	p0 =	sne.s32 s22, s16;
	[sflag:s19] =	ssyncset.done $0x0  }
.Ltmp1:
0x6a: {  	[sflag:s19] =	ssyncadd.s32 $0xFFFFC400;
	(pc) =	sbr.rel @p0 .LBB2_1-.Ltmp1, $4  }
0x6b: {  	[hbm4b:s15+s3] =	stream.linear.scatter [tilespmem:s18], [sflag:$0x1], $0x3C00, $0x38;
	[tilespmem:$0x17C80] =	vst v63  }
0x6c: {  	_ =	swait.ge [sflag:s19], $0x3C00  }
0x6d: {  	[sflag:s19] =	ssyncset.done $0x0  }
0x6e: {  	[sflag:s19] =	ssyncadd.s32 $0xFFFFC400  }
0x6f: {  	_ =	sfence.sel $0x180000  }
0x70: {  	[bflag:$0x0] =	sbarrier.arrive $0xFFFF  }
0x71: {  	p0 =	sne.s32 s2, $0x0;
	_ =	strace $0x9000004A  }
0x72: {  	s0 =	sadd.s32 @!p0 $0x100000, s0;
	[bflag:$0x2] =	sbarrier.arrive $0xFFFF  }
0x73: {  	[sflag:s0] =	ssyncadd.tile.s32 @!p0 $0x1;
	_ =	shalt  }
.Lfunc_end2:
_tile_overlayer_lowered:
.L_overlay_start_2:
0x74: {  	(tag) =	ssettag $0x2  }
0x75: {  	s0 =	rddreg [dreg:$0x0];
	s2 =	stileid.u32  }
0x76: {  	s1 =	rddreg [dreg:$0x1];
	p0 =	sne.s32 s2, $0x0  }
0x77: {  	s3 =	rddreg [dreg:$0x2];
	[bflag:$0x3] =	sbarrier.arrive $0xFFFF;
	s2 =	simm.s32 @!p0 $0x1C01  }
0x78: {  	[timem:s3], [sflag:s2] =	dma.local @!p0 [hbm:s0], s1  }
0x79: {  	s0 =	simm.s32 @!p0 $0x1  }
0x7a: {  	_ =	swait.ge @!p0 [sflag:s0], s1  }
0x7b: {  	s1 =	ssub.s32 @!p0 $0x0, s1;
	[sflag:s0] =	ssyncset.done @!p0 $0x0  }
0x7c: {  	[sflag:s0] =	ssyncadd.s32 @!p0 s1  }
0x7d: {  	[bflag:$0x3] =	sbarrier.arrive $0xFFFF  }
0x7e: {  	_ =	shalt  }

</sc_bundles>
